<compile_context>
chip_gen: v7x
topology: tpu7x:2x2x1
jax: 0.10.2.dev20260603
libtpu: 0.0.44.dev20260713+nightly
codegen_flags: <defaults>
</compile_context>

<pallas_src>
import functools

import jax
import jax.numpy as jnp
from jax import lax
from jax.experimental import pallas as pl
from jax.experimental.pallas import tpu as pltpu
from jax.experimental.pallas import tpu_sc as plsc

N = 10000
D = 128
H = 128
E = 320000

NC = 2
NS = 16
NT = NC * NS

NP = 10240
NB = NP // 128
EPB = 128
KB = 160
EPT = KB * EPB
EP = NS * EPT
EPD = EP // NT
RPT = NP // NS

_mesh = plsc.VectorSubcoreMesh(core_axis_name="c", subcore_axis_name="s")
_sc_params = pltpu.CompilerParams(needs_layout_passes=False,
                                 use_tc_tiling_on_sc=False)



@functools.partial(
    pl.kernel,
    out_type=jax.ShapeDtypeStruct((NT, NP), jnp.float32),
    mesh=_mesh,
    compiler_params=_sc_params,
    scratch_types=[
        pltpu.VMEM((EPD,), jnp.int32),
        pltpu.VMEM((NP,), jnp.float32),
    ],
)
def _deg_call(dst_hbm, degp_hbm, dst_v, deg_v):
    c = lax.axis_index("c")
    s = lax.axis_index("s")
    wid = c * NS + s

    def _zero(i, _):
        deg_v[pl.ds(i * 16, 16)] = jnp.zeros((16,), jnp.float32)
        return _

    lax.fori_loop(0, NP // 16, _zero, None)
    pltpu.sync_copy(dst_hbm.at[wid], dst_v)
    ones = jnp.ones((16,), jnp.float32)

    def _count(i, _):
        idx = dst_v[pl.ds(i * 16, 16)]
        plsc.addupdate_scatter(deg_v, [idx], ones)
        return _

    lax.fori_loop(0, EPD // 16, _count, None)
    pltpu.sync_copy(deg_v, degp_hbm.at[wid])


@functools.partial(
    pl.kernel,
    out_type=jax.ShapeDtypeStruct((NC, NP, 64), jnp.float32),
    mesh=_mesh,
    compiler_params=_sc_params,
    scratch_types=[
        pltpu.VMEM((KB, EPB), jnp.int32),
        pltpu.VMEM((KB, EPB), jnp.int32),
        pltpu.VMEM((EPB, 64), jnp.float32),
        pltpu.VMEM((EPB, 64), jnp.float32),
        pltpu.VMEM((EPB, 64), jnp.float32),
        pltpu.VMEM_SHARED((NP, 64), jnp.float32),
        pltpu.SemaphoreType.DMA,
        pltpu.SemaphoreType.DMA,
        pltpu.SemaphoreType.DMA,
    ],
)
def _edge_call(hs_hbm, src_hbm, dst_hbm, zer_hbm, out_hbm,
               src_v, dst_v, rows_a, rows_b, rows_c, acc_sh,
               sem_a, sem_b, sem_c):
    c = lax.axis_index("c")
    s = lax.axis_index("s")

    pltpu.sync_copy(zer_hbm, acc_sh.at[pl.ds(s * RPT, RPT)])
    pltpu.sync_copy(src_hbm.at[c, s], src_v)
    pltpu.sync_copy(dst_hbm.at[s], dst_v)
    plsc.subcore_barrier()

    pltpu.async_copy(hs_hbm.at[src_v.at[0]], rows_a, sem_a)
    pltpu.async_copy(hs_hbm.at[src_v.at[1]], rows_b, sem_b)
    pltpu.async_copy(hs_hbm.at[src_v.at[2]], rows_c, sem_c)

    def _slot(j, buf, sem):
        pltpu.make_async_copy(hs_hbm.at[src_v.at[j]], buf, sem).wait()
        pltpu.sync_copy(buf, acc_sh.at[dst_v.at[j]], add=True)

        @pl.when(j + 3 < KB)
        def _():
            pltpu.async_copy(hs_hbm.at[src_v.at[j + 3]], buf, sem)

    def _triple(t, _):
        j = 3 * t
        _slot(j, rows_a, sem_a)
        _slot(j + 1, rows_b, sem_b)
        _slot(j + 2, rows_c, sem_c)
        return _

    lax.fori_loop(0, KB // 3, _triple, None)
    _slot(KB - 1, rows_a, sem_a)
    plsc.subcore_barrier()
    pltpu.sync_copy(acc_sh.at[pl.ds(s * RPT, RPT)],
                    out_hbm.at[c, pl.ds(s * RPT, RPT)])



def _dinv_body(degp_ref, dinv_ref):
    deg = jnp.sum(degp_ref[...], axis=0) + 1.0
    r = lax.rsqrt(deg)
    row = lax.broadcasted_iota(jnp.int32, (NB, 128), 0)
    col = lax.broadcasted_iota(jnp.int32, (NB, 128), 1)
    dinv_ref[...] = jnp.where(row * 128 + col < N, r, 0.0)


def _mm_body(x_ref, w_ref, dv_ref, o_ref):
    h = jnp.dot(x_ref[...], w_ref[...], preferred_element_type=jnp.float32)
    row = (lax.broadcasted_iota(jnp.int32, (BR, 1), 0)
           + pl.program_id(0) * BR)
    o_ref[...] = jnp.where(row < N, h * dv_ref[...], 0.0)


def _bn_stats(sums, g, be):
    mu = sums[0:1, :] / N
    var = sums[1:2, :] / N - mu * mu
    scale = g * lax.rsqrt(var + 1e-5)
    shift = be - mu * scale
    return scale, shift


def _acc_pre(p_ref, hs_ref, dv_ref, pre_s, sums_s, i):
    p = jnp.concatenate([p_ref[0], p_ref[1]], axis=1)
    t = (p + hs_ref[...]) * dv_ref[...]
    pre_s[pl.ds(i * BR, BR), :] = t

    @pl.when(i == 0)
    def _():
        sums_s[...] = jnp.zeros_like(sums_s)

    sums_s[0:1, :] += jnp.sum(t, axis=0, keepdims=True)
    sums_s[1:2, :] += jnp.sum(t * t, axis=0, keepdims=True)


def _layer_body(p_ref, hs_ref, dv_ref, g_ref, be_ref, w_ref, o_ref,
                pre_s, sums_s):
    ph = pl.program_id(0)
    i = pl.program_id(1)

    @pl.when(ph == 0)
    def _():
        _acc_pre(p_ref, hs_ref, dv_ref, pre_s, sums_s, i)

    @pl.when(ph == 1)
    def _():
        scale, shift = _bn_stats(sums_s, g_ref[...], be_ref[...])
        y = jnp.maximum(pre_s[pl.ds(i * BR, BR), :] * scale + shift, 0.0)
        h = jnp.dot(y, w_ref[...], preferred_element_type=jnp.float32)
        o_ref[...] = h * dv_ref[...]


def _final_body(p_ref, hs_ref, dv_ref, g_ref, be_ref, w_ref, fb_ref, o_ref,
                pre_s, sums_s):
    ph = pl.program_id(0)
    i = pl.program_id(1)

    @pl.when(ph == 0)
    def _():
        _acc_pre(p_ref, hs_ref, dv_ref, pre_s, sums_s, i)

    @pl.when(ph == 1)
    def _():
        scale, shift = _bn_stats(sums_s, g_ref[...], be_ref[...])
        y = jnp.maximum(pre_s[pl.ds(i * BR, BR), :] * scale + shift, 0.0)
        t = (jnp.dot(y, w_ref[...], preferred_element_type=jnp.float32)
             + fb_ref[...])
        o_ref[...] = jax.nn.sigmoid(t)


_f32 = jnp.float32
BR = 2048
NRB = NP // BR
_blk = pl.BlockSpec((BR, 128), lambda i: (i, 0))
_col = pl.BlockSpec((BR, 1), lambda i: (i, 0))
_full = pl.BlockSpec((128, 128), lambda i: (0, 0))
_p2 = pl.BlockSpec((NC, BR, 64), lambda p, i: (0, i * (1 - p), 0))
_blk2 = pl.BlockSpec((BR, 128), lambda p, i: (i * (1 - p), 0))
_col2 = pl.BlockSpec((BR, 1), lambda p, i: (i, 0))
_full2 = pl.BlockSpec((128, 128), lambda p, i: (0, 0))
_vec2 = pl.BlockSpec((1, 128), lambda p, i: (0, 0))
_out2 = pl.BlockSpec((BR, 128), lambda p, i: (p * i, 0))
_scr2 = [pltpu.VMEM((NP, 128), jnp.float32), pltpu.VMEM((8, 128), jnp.float32)]


def _dinv_call(degp):
    return pl.pallas_call(
        _dinv_body,
        out_shape=jax.ShapeDtypeStruct((NB, 128), _f32),
    )(degp.reshape(NT, NB, 128))


def _mm_call(x, w, dv):
    return pl.pallas_call(
        _mm_body, grid=(NRB,),
        in_specs=[_blk, _full, _col],
        out_specs=_blk,
        out_shape=jax.ShapeDtypeStruct((NP, 128), _f32),
    )(x, w, dv)


def _layer_call(p, hs, dv, g, be, w):
    return pl.pallas_call(
        _layer_body, grid=(2, NRB),
        in_specs=[_p2, _blk2, _col2, _vec2, _vec2, _full2],
        out_specs=_out2,
        out_shape=jax.ShapeDtypeStruct((NP, 128), _f32),
        scratch_shapes=_scr2,
    )(p, hs, dv, g.reshape(1, 128), be.reshape(1, 128), w)


def _final_call(p, hs, dv, g, be, wp, fb):
    return pl.pallas_call(
        _final_body, grid=(2, NRB),
        in_specs=[_p2, _blk2, _col2, _vec2, _vec2, _full2, _vec2],
        out_specs=_out2,
        out_shape=jax.ShapeDtypeStruct((NP, 128), _f32),
        scratch_shapes=_scr2,
    )(p, hs, dv, g.reshape(1, 128), be.reshape(1, 128), wp, fb)



def kernel(x, edge_index, W1, b1, g1, be1, W2, b2, g2, be2, W3, b3, g3, be3,
           fcW, fcb):
    del b1, b2, b3
    src = edge_index[0]
    dst = edge_index[1]
    fill = N + jnp.arange(EP - E, dtype=jnp.int32) % (NP - N)
    src_p = jnp.concatenate([src, fill])
    dst_p = jnp.concatenate([dst, fill])
    sb = (2 * src_p).reshape(NS, KB, EPB)
    src3 = jnp.stack([sb, sb + 1])
    dst3 = dst_p.reshape(NS, KB, EPB)
    dst2 = dst_p.reshape(NT, EPD)
    zer = jnp.zeros((RPT, 64), _f32)
    fcWp = jnp.pad(fcW, ((0, 0), (0, 127)))
    fbv = jnp.broadcast_to(fcb, (128,)).reshape(1, 128)

    degp = _deg_call(dst2)
    dinv = _dinv_call(degp).reshape(NP, 1)

    hs = _mm_call(x, W1, dinv)
    p1 = _edge_call(hs.reshape(2 * NP, 64), src3, dst3, zer)
    hs2 = _layer_call(p1, hs, dinv, g1, be1, W2)
    p2 = _edge_call(hs2.reshape(2 * NP, 64), src3, dst3, zer)
    hs3 = _layer_call(p2, hs2, dinv, g2, be2, W3)
    p3 = _edge_call(hs3.reshape(2 * NP, 64), src3, dst3, zer)
    res = _final_call(p3, hs3, dinv, g3, be3, fcWp, fbv)
    return res[:N, :1]

# --- scband reference (transcript-rebuilt; emitter-appended) ---
"""Pipeline reference for scband-gcnmodel-33397665694652 (READ-ONLY COPY).

The authoritative reference and input builder live on the scoring server;
editing this copy changes nothing except your own understanding.
"""

import jax, jax.numpy as jnp
import numpy as np

N = 10000
D = 128
H = 128
E = 320000


def gcn_conv(x, edge_index, W, b):
    src = edge_index[0]
    dst = edge_index[1]
    loop = jnp.arange(N, dtype=edge_index.dtype)
    src = jnp.concatenate([src, loop])
    dst = jnp.concatenate([dst, loop])
    deg = jnp.zeros((N,), jnp.float32).at[dst].add(1.0)
    dinv = jnp.where(deg > 0, jax.lax.rsqrt(jnp.maximum(deg, 1e-12)), 0.0)
    norm = dinv[src] * dinv[dst]
    h = x @ W
    msg = h[src] * norm[:, None]
    out = jax.ops.segment_sum(msg, dst, num_segments=N)
    return out + b


def batch_norm(x, gamma, beta):
    mu = jnp.mean(x, axis=0)
    var = jnp.var(x, axis=0)
    return gamma * (x - mu) / jnp.sqrt(var + 1e-5) + beta


def setup_inputs(seed: int = 0):
    key = jax.random.key(seed)
    ks = jax.random.split(key, 16)
    x = jax.random.normal(ks[0], (N, D), dtype=jnp.float32)
    edge_index = jax.random.randint(ks[1], (2, E), 0, N, dtype=jnp.int32)
    W1 = jax.random.normal(ks[2], (D, H), dtype=jnp.float32) * 0.05
    b1 = jnp.zeros((H,), jnp.float32)
    g1 = jnp.ones((H,), jnp.float32)
    be1 = jnp.zeros((H,), jnp.float32)
    W2 = jax.random.normal(ks[3], (H, H), dtype=jnp.float32) * 0.05
    b2 = jnp.zeros((H,), jnp.float32)
    g2 = jnp.ones((H,), jnp.float32)
    be2 = jnp.zeros((H,), jnp.float32)
    W3 = jax.random.normal(ks[4], (H, H), dtype=jnp.float32) * 0.05
    b3 = jnp.zeros((H,), jnp.float32)
    g3 = jnp.ones((H,), jnp.float32)
    be3 = jnp.zeros((H,), jnp.float32)
    fcW = jax.random.normal(ks[5], (H, 1), dtype=jnp.float32) * 0.05
    fcb = jnp.zeros((1,), jnp.float32)
    return {"x": x, "edge_index": edge_index, "W1": W1, "b1": b1, "g1": g1, "be1": be1, "W2": W2, "b2": b2, "g2": g2, "be2": be2, "W3": W3, "b3": b3, "g3": g3, "be3": be3, "fcW": fcW, "fcb": fcb}


def reference(x, edge_index, W1, b1, g1, be1, W2, b2, g2, be2, W3, b3, g3, be3, fcW, fcb):
    h = gcn_conv(x, edge_index, W1, b1)
    h = jax.nn.relu(batch_norm(h, g1, be1))
    h = gcn_conv(h, edge_index, W2, b2)
    h = jax.nn.relu(batch_norm(h, g2, be2))
    h = gcn_conv(h, edge_index, W3, b3)
    h = jax.nn.relu(batch_norm(h, g3, be3))
    return jax.nn.sigmoid(h @ fcW + fcb)

if __name__ == "__main__":
    import jax
    _d = setup_inputs()
    print(jax.jit(kernel)(*tuple(_d.values())))

</pallas_src>

<mosaic_0001>
#map = affine_map<(d0, d1) -> (0, 0)>
module attributes {stable_mosaic.version = 14 : i64} {
  func.func @_deg_call(%arg0: i32, %arg1: i32, %arg2: memref<32x10240xi32, #tpu.memory_space<hbm>>, %arg3: memref<32x10240xf32, #tpu.memory_space<hbm>>, %arg4: memref<10240xi32, #tpu.memory_space<vmem>>, %arg5: memref<10240xf32, #tpu.memory_space<vmem>>) attributes {dimension_semantics = [#tpu.dimension_semantics<core_parallel>, #tpu.dimension_semantics<subcore_parallel>], iteration_bounds = array<i64: 2, 16>, scalar_prefetch = 0 : i64, scratch_operands = 2 : i64, tpu.core_type = #tpu.core_type<sc_vector_subcore>, window_params = [{transform_indices = #map}, {transform_indices = #map}]} {
    %mul3A = arith.constant 16 : i32
    %mul3A_0 = arith.muli %arg0, %mul3A : i32
    %add3A = arith.addi %mul3A_0, %arg1 : i32
    %scan3A = arith.constant 0 : i32
    %scan3A_1 = arith.constant 640 : i32
    %scan3A_2 = arith.addi %scan3A, %scan3A_1 : i32
    %scan3A_3 = arith.constant 1 : i32
    scf.for %scan3A_11 = %scan3A to %scan3A_2 step %scan3A_3  : i32 {
      %broadcast_in_dim3A_12 = arith.constant 0.000000e+00 : f32
      %broadcast_in_dim3A_13 = vector.broadcast %broadcast_in_dim3A_12 : f32 to vector<16xf32>
      %mul3A_14 = arith.constant 16 : i32
      %mul3A_15 = arith.muli %scan3A_11, %mul3A_14 : i32
      %swap3A = arith.index_cast %mul3A_15 : i32 to index
      %swap3A_16 = tpu.vector_load %arg5[%swap3A] {strides = array<i32>} : memref<10240xf32, #tpu.memory_space<vmem>>, vector<16xf32>,
      tpu.vector_store %arg5[%swap3A], %broadcast_in_dim3A_13 {strides = array<i32>} : memref<10240xf32, #tpu.memory_space<vmem>>, vector<16xf32>,
    }
    %scan3A_4 = arith.constant 640 : i32
    "tpu.region"() ({
      %run_scoped3A = tpu.sem_alloc : memref<!tpu.dma_semaphore, #tpu.memory_space<semaphore_mem>>
      %dma_start3A = arith.constant 0 : i32
      %dma_start3A_11 = tpu.memref_slice %arg2[%add3A, %dma_start3A] : memref<32x10240xi32, #tpu.memory_space<hbm>> -> memref<1x10240xi32, #tpu.memory_space<hbm>>
      %dma_start3A_12 = tpu.memref_squeeze %dma_start3A_11 : memref<1x10240xi32, #tpu.memory_space<hbm>> -> memref<10240xi32, #tpu.memory_space<hbm>>
      %dma_start3A_13 = arith.constant 0 : i32
      %dma_start3A_14 = tpu.memref_slice %arg2[%add3A, %dma_start3A_13] : memref<32x10240xi32, #tpu.memory_space<hbm>> -> memref<1x10240xi32, #tpu.memory_space<hbm>>
      %dma_start3A_15 = tpu.memref_squeeze %dma_start3A_14 : memref<1x10240xi32, #tpu.memory_space<hbm>> -> memref<10240xi32, #tpu.memory_space<hbm>>
      tpu.enqueue_dma source(%dma_start3A_15 : memref<10240xi32, #tpu.memory_space<hbm>>) target(%arg4 : memref<10240xi32, #tpu.memory_space<vmem>>) target_semaphore(%run_scoped3A : memref<!tpu.dma_semaphore, #tpu.memory_space<semaphore_mem>>)
      %dma_wait3A = arith.constant 0 : i32
      %dma_wait3A_16 = tpu.memref_slice %arg2[%add3A, %dma_wait3A] : memref<32x10240xi32, #tpu.memory_space<hbm>> -> memref<1x10240xi32, #tpu.memory_space<hbm>>
      %dma_wait3A_17 = tpu.memref_squeeze %dma_wait3A_16 : memref<1x10240xi32, #tpu.memory_space<hbm>> -> memref<10240xi32, #tpu.memory_space<hbm>>
      %dma_wait3A_18 = arith.constant 0 : i32
      %dma_wait3A_19 = tpu.memref_slice %arg2[%add3A, %dma_wait3A_18] : memref<32x10240xi32, #tpu.memory_space<hbm>> -> memref<1x10240xi32, #tpu.memory_space<hbm>>
      %dma_wait3A_20 = tpu.memref_squeeze %dma_wait3A_19 : memref<1x10240xi32, #tpu.memory_space<hbm>> -> memref<10240xi32, #tpu.memory_space<hbm>>
      tpu.wait_dma2 semaphore(%run_scoped3A : memref<!tpu.dma_semaphore, #tpu.memory_space<semaphore_mem>>) src(%dma_wait3A_20 : memref<10240xi32, #tpu.memory_space<hbm>>) dst(%arg4 : memref<10240xi32, #tpu.memory_space<vmem>>)
      tpu.yield
    }) : () -> ()
    %broadcast_in_dim3A = arith.constant 1.000000e+00 : f32
    %broadcast_in_dim3A_5 = vector.broadcast %broadcast_in_dim3A : f32 to vector<16xf32>
    %scan3A_6 = arith.constant 0 : i32
    %scan3A_7 = arith.constant 640 : i32
    %scan3A_8 = arith.addi %scan3A_6, %scan3A_7 : i32
    %scan3A_9 = arith.constant 1 : i32
    scf.for %scan3A_11 = %scan3A_6 to %scan3A_8 step %scan3A_9  : i32 {
      %mul3A_12 = arith.constant 16 : i32
      %mul3A_13 = arith.muli %scan3A_11, %mul3A_12 : i32
      %get3A = arith.index_cast %mul3A_13 : i32 to index
      %get3A_14 = tpu.vector_load %arg4[%get3A] {strides = array<i32>} : memref<10240xi32, #tpu.memory_space<vmem>>, vector<16xi32>,
      tpu.vector_store_idx %arg5[%get3A_14], %broadcast_in_dim3A_5 {add = true} : memref<10240xf32, #tpu.memory_space<vmem>>[vector<16xi32>], vector<16xf32>,
    }
    %scan3A_10 = arith.constant 640 : i32
    "tpu.region"() ({
      %run_scoped3A = tpu.sem_alloc : memref<!tpu.dma_semaphore, #tpu.memory_space<semaphore_mem>>
      %dma_start3A = arith.constant 0 : i32
      %dma_start3A_11 = tpu.memref_slice %arg3[%add3A, %dma_start3A] : memref<32x10240xf32, #tpu.memory_space<hbm>> -> memref<1x10240xf32, #tpu.memory_space<hbm>>
      %dma_start3A_12 = tpu.memref_squeeze %dma_start3A_11 : memref<1x10240xf32, #tpu.memory_space<hbm>> -> memref<10240xf32, #tpu.memory_space<hbm>>
      %dma_start3A_13 = arith.constant 0 : i32
      %dma_start3A_14 = tpu.memref_slice %arg3[%add3A, %dma_start3A_13] : memref<32x10240xf32, #tpu.memory_space<hbm>> -> memref<1x10240xf32, #tpu.memory_space<hbm>>
      %dma_start3A_15 = tpu.memref_squeeze %dma_start3A_14 : memref<1x10240xf32, #tpu.memory_space<hbm>> -> memref<10240xf32, #tpu.memory_space<hbm>>
      tpu.enqueue_dma source(%arg5 : memref<10240xf32, #tpu.memory_space<vmem>>) target(%dma_start3A_15 : memref<10240xf32, #tpu.memory_space<hbm>>) target_semaphore(%run_scoped3A : memref<!tpu.dma_semaphore, #tpu.memory_space<semaphore_mem>>)
      %dma_wait3A = arith.constant 0 : i32
      %dma_wait3A_16 = tpu.memref_slice %arg3[%add3A, %dma_wait3A] : memref<32x10240xf32, #tpu.memory_space<hbm>> -> memref<1x10240xf32, #tpu.memory_space<hbm>>
      %dma_wait3A_17 = tpu.memref_squeeze %dma_wait3A_16 : memref<1x10240xf32, #tpu.memory_space<hbm>> -> memref<10240xf32, #tpu.memory_space<hbm>>
      %dma_wait3A_18 = arith.constant 0 : i32
      %dma_wait3A_19 = tpu.memref_slice %arg3[%add3A, %dma_wait3A_18] : memref<32x10240xf32, #tpu.memory_space<hbm>> -> memref<1x10240xf32, #tpu.memory_space<hbm>>
      %dma_wait3A_20 = tpu.memref_squeeze %dma_wait3A_19 : memref<1x10240xf32, #tpu.memory_space<hbm>> -> memref<10240xf32, #tpu.memory_space<hbm>>
      tpu.wait_dma2 semaphore(%run_scoped3A : memref<!tpu.dma_semaphore, #tpu.memory_space<semaphore_mem>>) src(%arg5 : memref<10240xf32, #tpu.memory_space<vmem>>) dst(%dma_wait3A_20 : memref<10240xf32, #tpu.memory_space<hbm>>)
      tpu.yield
    }) : () -> ()
    return
  }
}

#map = affine_map<(d0, d1) -> (0, 0)>
#map1 = affine_map<(d0, d1) -> (0, 0, 0, 0)>
#map2 = affine_map<(d0, d1) -> (0, 0, 0)>
module attributes {stable_mosaic.version = 14 : i64} {
  func.func @_edge_call(%arg0: i32, %arg1: i32, %arg2: memref<20480x64xf32, #tpu.memory_space<hbm>>, %arg3: memref<2x16x160x128xi32, #tpu.memory_space<hbm>>, %arg4: memref<16x160x128xi32, #tpu.memory_space<hbm>>, %arg5: memref<640x64xf32, #tpu.memory_space<hbm>>, %arg6: memref<2x10240x64xf32, #tpu.memory_space<hbm>>, %arg7: memref<160x128xi32, #tpu.memory_space<vmem>>, %arg8: memref<160x128xi32, #tpu.memory_space<vmem>>, %arg9: memref<128x64xf32, #tpu.memory_space<vmem>>, %arg10: memref<128x64xf32, #tpu.memory_space<vmem>>, %arg11: memref<128x64xf32, #tpu.memory_space<vmem>>, %arg12: memref<10240x64xf32, #tpu.memory_space<vmem_shared>>, %arg13: memref<!tpu.dma_semaphore, #tpu.memory_space<semaphore_mem>>, %arg14: memref<!tpu.dma_semaphore, #tpu.memory_space<semaphore_mem>>, %arg15: memref<!tpu.dma_semaphore, #tpu.memory_space<semaphore_mem>>) attributes {dimension_semantics = [#tpu.dimension_semantics<core_parallel>, #tpu.dimension_semantics<subcore_parallel>], iteration_bounds = array<i64: 2, 16>, scalar_prefetch = 0 : i64, scratch_operands = 9 : i64, tpu.core_type = #tpu.core_type<sc_vector_subcore>, window_params = [{transform_indices = #map}, {transform_indices = #map1}, {transform_indices = #map2}, {transform_indices = #map}, {transform_indices = #map2}]} {
    %mul3A = arith.constant 640 : i32
    %mul3A_0 = arith.muli %arg1, %mul3A : i32
    "tpu.region"() ({
      %run_scoped3A_36 = tpu.sem_alloc : memref<!tpu.dma_semaphore, #tpu.memory_space<semaphore_mem>>
      %dma_start3A_37 = arith.constant 0 : i32
      %dma_start3A_38 = tpu.memref_slice %arg12[%mul3A_0, %dma_start3A_37] : memref<10240x64xf32, #tpu.memory_space<vmem_shared>> -> memref<640x64xf32, #tpu.memory_space<vmem_shared>>
      tpu.enqueue_dma source(%arg5 : memref<640x64xf32, #tpu.memory_space<hbm>>) target(%dma_start3A_38 : memref<640x64xf32, #tpu.memory_space<vmem_shared>>) target_semaphore(%run_scoped3A_36 : memref<!tpu.dma_semaphore, #tpu.memory_space<semaphore_mem>>)
      %dma_wait3A_39 = arith.constant 0 : i32
      %dma_wait3A_40 = tpu.memref_slice %arg12[%mul3A_0, %dma_wait3A_39] : memref<10240x64xf32, #tpu.memory_space<vmem_shared>> -> memref<640x64xf32, #tpu.memory_space<vmem_shared>>
      tpu.wait_dma2 semaphore(%run_scoped3A_36 : memref<!tpu.dma_semaphore, #tpu.memory_space<semaphore_mem>>) src(%arg5 : memref<640x64xf32, #tpu.memory_space<hbm>>) dst(%dma_wait3A_40 : memref<640x64xf32, #tpu.memory_space<vmem_shared>>)
      tpu.yield
    }) : () -> ()
    "tpu.region"() ({
      %run_scoped3A_36 = tpu.sem_alloc : memref<!tpu.dma_semaphore, #tpu.memory_space<semaphore_mem>>
      %dma_start3A_37 = arith.constant 0 : i32
      %dma_start3A_38 = arith.constant 0 : i32
      %dma_start3A_39 = tpu.memref_slice %arg3[%arg0, %arg1, %dma_start3A_37, %dma_start3A_38] : memref<2x16x160x128xi32, #tpu.memory_space<hbm>> -> memref<1x1x160x128xi32, #tpu.memory_space<hbm>>
      %dma_start3A_40 = tpu.memref_squeeze %dma_start3A_39 : memref<1x1x160x128xi32, #tpu.memory_space<hbm>> -> memref<160x128xi32, #tpu.memory_space<hbm>>
      %dma_start3A_41 = arith.constant 0 : i32
      %dma_start3A_42 = arith.constant 0 : i32
      %dma_start3A_43 = tpu.memref_slice %arg3[%arg0, %arg1, %dma_start3A_41, %dma_start3A_42] : memref<2x16x160x128xi32, #tpu.memory_space<hbm>> -> memref<1x1x160x128xi32, #tpu.memory_space<hbm>>
      %dma_start3A_44 = tpu.memref_squeeze %dma_start3A_43 : memref<1x1x160x128xi32, #tpu.memory_space<hbm>> -> memref<160x128xi32, #tpu.memory_space<hbm>>
      tpu.enqueue_dma source(%dma_start3A_44 : memref<160x128xi32, #tpu.memory_space<hbm>>) target(%arg7 : memref<160x128xi32, #tpu.memory_space<vmem>>) target_semaphore(%run_scoped3A_36 : memref<!tpu.dma_semaphore, #tpu.memory_space<semaphore_mem>>)
      %dma_wait3A_45 = arith.constant 0 : i32
      %dma_wait3A_46 = arith.constant 0 : i32
      %dma_wait3A_47 = tpu.memref_slice %arg3[%arg0, %arg1, %dma_wait3A_45, %dma_wait3A_46] : memref<2x16x160x128xi32, #tpu.memory_space<hbm>> -> memref<1x1x160x128xi32, #tpu.memory_space<hbm>>
      %dma_wait3A_48 = tpu.memref_squeeze %dma_wait3A_47 : memref<1x1x160x128xi32, #tpu.memory_space<hbm>> -> memref<160x128xi32, #tpu.memory_space<hbm>>
      %dma_wait3A_49 = arith.constant 0 : i32
      %dma_wait3A_50 = arith.constant 0 : i32
      %dma_wait3A_51 = tpu.memref_slice %arg3[%arg0, %arg1, %dma_wait3A_49, %dma_wait3A_50] : memref<2x16x160x128xi32, #tpu.memory_space<hbm>> -> memref<1x1x160x128xi32, #tpu.memory_space<hbm>>
      %dma_wait3A_52 = tpu.memref_squeeze %dma_wait3A_51 : memref<1x1x160x128xi32, #tpu.memory_space<hbm>> -> memref<160x128xi32, #tpu.memory_space<hbm>>
      tpu.wait_dma2 semaphore(%run_scoped3A_36 : memref<!tpu.dma_semaphore, #tpu.memory_space<semaphore_mem>>) src(%dma_wait3A_52 : memref<160x128xi32, #tpu.memory_space<hbm>>) dst(%arg7 : memref<160x128xi32, #tpu.memory_space<vmem>>)
      tpu.yield
    }) : () -> ()
    "tpu.region"() ({
      %run_scoped3A_36 = tpu.sem_alloc : memref<!tpu.dma_semaphore, #tpu.memory_space<semaphore_mem>>
      %dma_start3A_37 = arith.constant 0 : i32
      %dma_start3A_38 = arith.constant 0 : i32
      %dma_start3A_39 = tpu.memref_slice %arg4[%arg1, %dma_start3A_37, %dma_start3A_38] : memref<16x160x128xi32, #tpu.memory_space<hbm>> -> memref<1x160x128xi32, #tpu.memory_space<hbm>>
      %dma_start3A_40 = tpu.memref_squeeze %dma_start3A_39 : memref<1x160x128xi32, #tpu.memory_space<hbm>> -> memref<160x128xi32, #tpu.memory_space<hbm>>
      %dma_start3A_41 = arith.constant 0 : i32
      %dma_start3A_42 = arith.constant 0 : i32
      %dma_start3A_43 = tpu.memref_slice %arg4[%arg1, %dma_start3A_41, %dma_start3A_42] : memref<16x160x128xi32, #tpu.memory_space<hbm>> -> memref<1x160x128xi32, #tpu.memory_space<hbm>>
      %dma_start3A_44 = tpu.memref_squeeze %dma_start3A_43 : memref<1x160x128xi32, #tpu.memory_space<hbm>> -> memref<160x128xi32, #tpu.memory_space<hbm>>
      tpu.enqueue_dma source(%dma_start3A_44 : memref<160x128xi32, #tpu.memory_space<hbm>>) target(%arg8 : memref<160x128xi32, #tpu.memory_space<vmem>>) target_semaphore(%run_scoped3A_36 : memref<!tpu.dma_semaphore, #tpu.memory_space<semaphore_mem>>)
      %dma_wait3A_45 = arith.constant 0 : i32
      %dma_wait3A_46 = arith.constant 0 : i32
      %dma_wait3A_47 = tpu.memref_slice %arg4[%arg1, %dma_wait3A_45, %dma_wait3A_46] : memref<16x160x128xi32, #tpu.memory_space<hbm>> -> memref<1x160x128xi32, #tpu.memory_space<hbm>>
      %dma_wait3A_48 = tpu.memref_squeeze %dma_wait3A_47 : memref<1x160x128xi32, #tpu.memory_space<hbm>> -> memref<160x128xi32, #tpu.memory_space<hbm>>
      %dma_wait3A_49 = arith.constant 0 : i32
      %dma_wait3A_50 = arith.constant 0 : i32
      %dma_wait3A_51 = tpu.memref_slice %arg4[%arg1, %dma_wait3A_49, %dma_wait3A_50] : memref<16x160x128xi32, #tpu.memory_space<hbm>> -> memref<1x160x128xi32, #tpu.memory_space<hbm>>
      %dma_wait3A_52 = tpu.memref_squeeze %dma_wait3A_51 : memref<1x160x128xi32, #tpu.memory_space<hbm>> -> memref<160x128xi32, #tpu.memory_space<hbm>>
      tpu.wait_dma2 semaphore(%run_scoped3A_36 : memref<!tpu.dma_semaphore, #tpu.memory_space<semaphore_mem>>) src(%dma_wait3A_52 : memref<160x128xi32, #tpu.memory_space<hbm>>) dst(%arg8 : memref<160x128xi32, #tpu.memory_space<vmem>>)
      tpu.yield
    }) : () -> ()
    %barrier3A = arith.constant 0 : index
    tpu.barrier barrier_id(%barrier3A)
    %dma_start3A = arith.constant 0 : i32
    %dma_start3A_1 = arith.constant 0 : i32
    %dma_start3A_2 = tpu.memref_slice %arg7[%dma_start3A, %dma_start3A_1] : memref<160x128xi32, #tpu.memory_space<vmem>> -> memref<1x128xi32, #tpu.memory_space<vmem>>
    %dma_start3A_3 = tpu.memref_squeeze %dma_start3A_2 : memref<1x128xi32, #tpu.memory_space<vmem>> -> memref<128xi32, #tpu.memory_space<vmem>>
    %dma_start3A_4 = arith.constant 0 : i32
    %dma_start3A_5 = arith.constant 0 : i32
    %dma_start3A_6 = tpu.memref_slice %arg2[%dma_start3A_4, %dma_start3A_5] : memref<20480x64xf32, #tpu.memory_space<hbm>> -> memref<20480x64xf32, #tpu.memory_space<hbm>>
    tpu.enqueue_indirect_dma source(%dma_start3A_6 : memref<20480x64xf32, #tpu.memory_space<hbm>>) target(%arg9 : memref<128x64xf32, #tpu.memory_space<vmem>>) offsets(%dma_start3A_3 : memref<128xi32, #tpu.memory_space<vmem>>) semaphore(%arg13 : memref<!tpu.dma_semaphore, #tpu.memory_space<semaphore_mem>>)
    %dma_start3A_7 = arith.constant 1 : i32
    %dma_start3A_8 = arith.constant 0 : i32
    %dma_start3A_9 = tpu.memref_slice %arg7[%dma_start3A_7, %dma_start3A_8] : memref<160x128xi32, #tpu.memory_space<vmem>> -> memref<1x128xi32, #tpu.memory_space<vmem>>
    %dma_start3A_10 = tpu.memref_squeeze %dma_start3A_9 : memref<1x128xi32, #tpu.memory_space<vmem>> -> memref<128xi32, #tpu.memory_space<vmem>>
    %dma_start3A_11 = arith.constant 0 : i32
    %dma_start3A_12 = arith.constant 0 : i32
    %dma_start3A_13 = tpu.memref_slice %arg2[%dma_start3A_11, %dma_start3A_12] : memref<20480x64xf32, #tpu.memory_space<hbm>> -> memref<20480x64xf32, #tpu.memory_space<hbm>>
    tpu.enqueue_indirect_dma source(%dma_start3A_13 : memref<20480x64xf32, #tpu.memory_space<hbm>>) target(%arg10 : memref<128x64xf32, #tpu.memory_space<vmem>>) offsets(%dma_start3A_10 : memref<128xi32, #tpu.memory_space<vmem>>) semaphore(%arg14 : memref<!tpu.dma_semaphore, #tpu.memory_space<semaphore_mem>>)
    %dma_start3A_14 = arith.constant 2 : i32
    %dma_start3A_15 = arith.constant 0 : i32
    %dma_start3A_16 = tpu.memref_slice %arg7[%dma_start3A_14, %dma_start3A_15] : memref<160x128xi32, #tpu.memory_space<vmem>> -> memref<1x128xi32, #tpu.memory_space<vmem>>
    %dma_start3A_17 = tpu.memref_squeeze %dma_start3A_16 : memref<1x128xi32, #tpu.memory_space<vmem>> -> memref<128xi32, #tpu.memory_space<vmem>>
    %dma_start3A_18 = arith.constant 0 : i32
    %dma_start3A_19 = arith.constant 0 : i32
    %dma_start3A_20 = tpu.memref_slice %arg2[%dma_start3A_18, %dma_start3A_19] : memref<20480x64xf32, #tpu.memory_space<hbm>> -> memref<20480x64xf32, #tpu.memory_space<hbm>>
    tpu.enqueue_indirect_dma source(%dma_start3A_20 : memref<20480x64xf32, #tpu.memory_space<hbm>>) target(%arg11 : memref<128x64xf32, #tpu.memory_space<vmem>>) offsets(%dma_start3A_17 : memref<128xi32, #tpu.memory_space<vmem>>) semaphore(%arg15 : memref<!tpu.dma_semaphore, #tpu.memory_space<semaphore_mem>>)
    %scan3A = arith.constant 0 : i32
    %scan3A_21 = arith.constant 53 : i32
    %scan3A_22 = arith.addi %scan3A, %scan3A_21 : i32
    %scan3A_23 = arith.constant 1 : i32
    scf.for %scan3A_36 = %scan3A to %scan3A_22 step %scan3A_23  : i32 {
      %mul3A_37 = arith.constant 3 : i32
      %mul3A_38 = arith.muli %mul3A_37, %scan3A_36 : i32
      %dma_wait3A_39 = arith.constant 0 : i32
      %dma_wait3A_40 = tpu.memref_slice %arg7[%mul3A_38, %dma_wait3A_39] : memref<160x128xi32, #tpu.memory_space<vmem>> -> memref<1x128xi32, #tpu.memory_space<vmem>>
      %dma_wait3A_41 = tpu.memref_squeeze %dma_wait3A_40 : memref<1x128xi32, #tpu.memory_space<vmem>> -> memref<128xi32, #tpu.memory_space<vmem>>
      %dma_wait3A_42 = arith.constant 0 : i32
      %dma_wait3A_43 = arith.constant 0 : i32
      %dma_wait3A_44 = tpu.memref_slice %arg2[%dma_wait3A_42, %dma_wait3A_43] : memref<20480x64xf32, #tpu.memory_space<hbm>> -> memref<20480x64xf32, #tpu.memory_space<hbm>>
      tpu.wait_indirect_dma semaphore(%arg13 : memref<!tpu.dma_semaphore, #tpu.memory_space<semaphore_mem>>) src(%dma_wait3A_44 : memref<20480x64xf32, #tpu.memory_space<hbm>>) dst(%arg9 : memref<128x64xf32, #tpu.memory_space<vmem>>)
      "tpu.region"() ({
        %run_scoped3A_78 = tpu.sem_alloc : memref<!tpu.dma_semaphore, #tpu.memory_space<semaphore_mem>>
        %dma_start3A_79 = arith.constant 0 : i32
        %dma_start3A_80 = tpu.memref_slice %arg8[%mul3A_38, %dma_start3A_79] : memref<160x128xi32, #tpu.memory_space<vmem>> -> memref<1x128xi32, #tpu.memory_space<vmem>>
        %dma_start3A_81 = tpu.memref_squeeze %dma_start3A_80 : memref<1x128xi32, #tpu.memory_space<vmem>> -> memref<128xi32, #tpu.memory_space<vmem>>
        %dma_start3A_82 = arith.constant 0 : i32
        %dma_start3A_83 = arith.constant 0 : i32
        %dma_start3A_84 = tpu.memref_slice %arg12[%dma_start3A_82, %dma_start3A_83] : memref<10240x64xf32, #tpu.memory_space<vmem_shared>> -> memref<10240x64xf32, #tpu.memory_space<vmem_shared>>
        tpu.enqueue_indirect_dma source(%arg9 : memref<128x64xf32, #tpu.memory_space<vmem>>) target(%dma_start3A_84 : memref<10240x64xf32, #tpu.memory_space<vmem_shared>>) offsets(%dma_start3A_81 : memref<128xi32, #tpu.memory_space<vmem>>) semaphore(%run_scoped3A_78 : memref<!tpu.dma_semaphore, #tpu.memory_space<semaphore_mem>>) {add = true}
        %dma_wait3A_85 = arith.constant 0 : i32
        %dma_wait3A_86 = tpu.memref_slice %arg8[%mul3A_38, %dma_wait3A_85] : memref<160x128xi32, #tpu.memory_space<vmem>> -> memref<1x128xi32, #tpu.memory_space<vmem>>
        %dma_wait3A_87 = tpu.memref_squeeze %dma_wait3A_86 : memref<1x128xi32, #tpu.memory_space<vmem>> -> memref<128xi32, #tpu.memory_space<vmem>>
        %dma_wait3A_88 = arith.constant 0 : i32
        %dma_wait3A_89 = arith.constant 0 : i32
        %dma_wait3A_90 = tpu.memref_slice %arg12[%dma_wait3A_88, %dma_wait3A_89] : memref<10240x64xf32, #tpu.memory_space<vmem_shared>> -> memref<10240x64xf32, #tpu.memory_space<vmem_shared>>
        tpu.wait_indirect_dma semaphore(%run_scoped3A_78 : memref<!tpu.dma_semaphore, #tpu.memory_space<semaphore_mem>>) src(%arg9 : memref<128x64xf32, #tpu.memory_space<vmem>>) dst(%dma_wait3A_90 : memref<10240x64xf32, #tpu.memory_space<vmem_shared>>)
        tpu.yield
      }) : () -> ()
      %add3A = arith.constant 3 : i32
      %add3A_45 = arith.addi %mul3A_38, %add3A : i32
      %lt3A = arith.constant 160 : i32
      %lt3A_46 = arith.cmpi slt, %add3A_45, %lt3A : i32
      %convert_element_type3A = arith.extui %lt3A_46 : i1 to i32
      %cond3A = arith.constant 0 : i32
      %cond3A_47 = arith.cmpi ne, %convert_element_type3A, %cond3A : i32
      scf.if %cond3A_47 {
        %add3A_78 = arith.constant 3 : i32
        %add3A_79 = arith.addi %mul3A_38, %add3A_78 : i32
        %dma_start3A_80 = arith.constant 0 : i32
        %dma_start3A_81 = tpu.memref_slice %arg7[%add3A_79, %dma_start3A_80] : memref<160x128xi32, #tpu.memory_space<vmem>> -> memref<1x128xi32, #tpu.memory_space<vmem>>
        %dma_start3A_82 = tpu.memref_squeeze %dma_start3A_81 : memref<1x128xi32, #tpu.memory_space<vmem>> -> memref<128xi32, #tpu.memory_space<vmem>>
        %dma_start3A_83 = arith.constant 0 : i32
        %dma_start3A_84 = arith.constant 0 : i32
        %dma_start3A_85 = tpu.memref_slice %arg2[%dma_start3A_83, %dma_start3A_84] : memref<20480x64xf32, #tpu.memory_space<hbm>> -> memref<20480x64xf32, #tpu.memory_space<hbm>>
        tpu.enqueue_indirect_dma source(%dma_start3A_85 : memref<20480x64xf32, #tpu.memory_space<hbm>>) target(%arg9 : memref<128x64xf32, #tpu.memory_space<vmem>>) offsets(%dma_start3A_82 : memref<128xi32, #tpu.memory_space<vmem>>) semaphore(%arg13 : memref<!tpu.dma_semaphore, #tpu.memory_space<semaphore_mem>>)
      } else {
      }
      %add3A_48 = arith.constant 1 : i32
      %add3A_49 = arith.addi %mul3A_38, %add3A_48 : i32
      %dma_wait3A_50 = arith.constant 0 : i32
      %dma_wait3A_51 = tpu.memref_slice %arg7[%add3A_49, %dma_wait3A_50] : memref<160x128xi32, #tpu.memory_space<vmem>> -> memref<1x128xi32, #tpu.memory_space<vmem>>
      %dma_wait3A_52 = tpu.memref_squeeze %dma_wait3A_51 : memref<1x128xi32, #tpu.memory_space<vmem>> -> memref<128xi32, #tpu.memory_space<vmem>>
      %dma_wait3A_53 = arith.constant 0 : i32
      %dma_wait3A_54 = arith.constant 0 : i32
      %dma_wait3A_55 = tpu.memref_slice %arg2[%dma_wait3A_53, %dma_wait3A_54] : memref<20480x64xf32, #tpu.memory_space<hbm>> -> memref<20480x64xf32, #tpu.memory_space<hbm>>
      tpu.wait_indirect_dma semaphore(%arg14 : memref<!tpu.dma_semaphore, #tpu.memory_space<semaphore_mem>>) src(%dma_wait3A_55 : memref<20480x64xf32, #tpu.memory_space<hbm>>) dst(%arg10 : memref<128x64xf32, #tpu.memory_space<vmem>>)
      "tpu.region"() ({
        %run_scoped3A_78 = tpu.sem_alloc : memref<!tpu.dma_semaphore, #tpu.memory_space<semaphore_mem>>
        %dma_start3A_79 = arith.constant 0 : i32
        %dma_start3A_80 = tpu.memref_slice %arg8[%add3A_49, %dma_start3A_79] : memref<160x128xi32, #tpu.memory_space<vmem>> -> memref<1x128xi32, #tpu.memory_space<vmem>>
        %dma_start3A_81 = tpu.memref_squeeze %dma_start3A_80 : memref<1x128xi32, #tpu.memory_space<vmem>> -> memref<128xi32, #tpu.memory_space<vmem>>
        %dma_start3A_82 = arith.constant 0 : i32
        %dma_start3A_83 = arith.constant 0 : i32
        %dma_start3A_84 = tpu.memref_slice %arg12[%dma_start3A_82, %dma_start3A_83] : memref<10240x64xf32, #tpu.memory_space<vmem_shared>> -> memref<10240x64xf32, #tpu.memory_space<vmem_shared>>
        tpu.enqueue_indirect_dma source(%arg10 : memref<128x64xf32, #tpu.memory_space<vmem>>) target(%dma_start3A_84 : memref<10240x64xf32, #tpu.memory_space<vmem_shared>>) offsets(%dma_start3A_81 : memref<128xi32, #tpu.memory_space<vmem>>) semaphore(%run_scoped3A_78 : memref<!tpu.dma_semaphore, #tpu.memory_space<semaphore_mem>>) {add = true}
        %dma_wait3A_85 = arith.constant 0 : i32
        %dma_wait3A_86 = tpu.memref_slice %arg8[%add3A_49, %dma_wait3A_85] : memref<160x128xi32, #tpu.memory_space<vmem>> -> memref<1x128xi32, #tpu.memory_space<vmem>>
        %dma_wait3A_87 = tpu.memref_squeeze %dma_wait3A_86 : memref<1x128xi32, #tpu.memory_space<vmem>> -> memref<128xi32, #tpu.memory_space<vmem>>
        %dma_wait3A_88 = arith.constant 0 : i32
        %dma_wait3A_89 = arith.constant 0 : i32
        %dma_wait3A_90 = tpu.memref_slice %arg12[%dma_wait3A_88, %dma_wait3A_89] : memref<10240x64xf32, #tpu.memory_space<vmem_shared>> -> memref<10240x64xf32, #tpu.memory_space<vmem_shared>>
        tpu.wait_indirect_dma semaphore(%run_scoped3A_78 : memref<!tpu.dma_semaphore, #tpu.memory_space<semaphore_mem>>) src(%arg10 : memref<128x64xf32, #tpu.memory_space<vmem>>) dst(%dma_wait3A_90 : memref<10240x64xf32, #tpu.memory_space<vmem_shared>>)
        tpu.yield
      }) : () -> ()
      %add3A_56 = arith.constant 3 : i32
      %add3A_57 = arith.addi %add3A_49, %add3A_56 : i32
      %lt3A_58 = arith.constant 160 : i32
      %lt3A_59 = arith.cmpi slt, %add3A_57, %lt3A_58 : i32
      %convert_element_type3A_60 = arith.extui %lt3A_59 : i1 to i32
      %cond3A_61 = arith.constant 0 : i32
      %cond3A_62 = arith.cmpi ne, %convert_element_type3A_60, %cond3A_61 : i32
      scf.if %cond3A_62 {
        %add3A_78 = arith.constant 3 : i32
        %add3A_79 = arith.addi %add3A_49, %add3A_78 : i32
        %dma_start3A_80 = arith.constant 0 : i32
        %dma_start3A_81 = tpu.memref_slice %arg7[%add3A_79, %dma_start3A_80] : memref<160x128xi32, #tpu.memory_space<vmem>> -> memref<1x128xi32, #tpu.memory_space<vmem>>
        %dma_start3A_82 = tpu.memref_squeeze %dma_start3A_81 : memref<1x128xi32, #tpu.memory_space<vmem>> -> memref<128xi32, #tpu.memory_space<vmem>>
        %dma_start3A_83 = arith.constant 0 : i32
        %dma_start3A_84 = arith.constant 0 : i32
        %dma_start3A_85 = tpu.memref_slice %arg2[%dma_start3A_83, %dma_start3A_84] : memref<20480x64xf32, #tpu.memory_space<hbm>> -> memref<20480x64xf32, #tpu.memory_space<hbm>>
        tpu.enqueue_indirect_dma source(%dma_start3A_85 : memref<20480x64xf32, #tpu.memory_space<hbm>>) target(%arg10 : memref<128x64xf32, #tpu.memory_space<vmem>>) offsets(%dma_start3A_82 : memref<128xi32, #tpu.memory_space<vmem>>) semaphore(%arg14 : memref<!tpu.dma_semaphore, #tpu.memory_space<semaphore_mem>>)
      } else {
      }
      %add3A_63 = arith.constant 2 : i32
      %add3A_64 = arith.addi %mul3A_38, %add3A_63 : i32
      %dma_wait3A_65 = arith.constant 0 : i32
      %dma_wait3A_66 = tpu.memref_slice %arg7[%add3A_64, %dma_wait3A_65] : memref<160x128xi32, #tpu.memory_space<vmem>> -> memref<1x128xi32, #tpu.memory_space<vmem>>
      %dma_wait3A_67 = tpu.memref_squeeze %dma_wait3A_66 : memref<1x128xi32, #tpu.memory_space<vmem>> -> memref<128xi32, #tpu.memory_space<vmem>>
      %dma_wait3A_68 = arith.constant 0 : i32
      %dma_wait3A_69 = arith.constant 0 : i32
      %dma_wait3A_70 = tpu.memref_slice %arg2[%dma_wait3A_68, %dma_wait3A_69] : memref<20480x64xf32, #tpu.memory_space<hbm>> -> memref<20480x64xf32, #tpu.memory_space<hbm>>
      tpu.wait_indirect_dma semaphore(%arg15 : memref<!tpu.dma_semaphore, #tpu.memory_space<semaphore_mem>>) src(%dma_wait3A_70 : memref<20480x64xf32, #tpu.memory_space<hbm>>) dst(%arg11 : memref<128x64xf32, #tpu.memory_space<vmem>>)
      "tpu.region"() ({
        %run_scoped3A_78 = tpu.sem_alloc : memref<!tpu.dma_semaphore, #tpu.memory_space<semaphore_mem>>
        %dma_start3A_79 = arith.constant 0 : i32
        %dma_start3A_80 = tpu.memref_slice %arg8[%add3A_64, %dma_start3A_79] : memref<160x128xi32, #tpu.memory_space<vmem>> -> memref<1x128xi32, #tpu.memory_space<vmem>>
        %dma_start3A_81 = tpu.memref_squeeze %dma_start3A_80 : memref<1x128xi32, #tpu.memory_space<vmem>> -> memref<128xi32, #tpu.memory_space<vmem>>
        %dma_start3A_82 = arith.constant 0 : i32
        %dma_start3A_83 = arith.constant 0 : i32
        %dma_start3A_84 = tpu.memref_slice %arg12[%dma_start3A_82, %dma_start3A_83] : memref<10240x64xf32, #tpu.memory_space<vmem_shared>> -> memref<10240x64xf32, #tpu.memory_space<vmem_shared>>
        tpu.enqueue_indirect_dma source(%arg11 : memref<128x64xf32, #tpu.memory_space<vmem>>) target(%dma_start3A_84 : memref<10240x64xf32, #tpu.memory_space<vmem_shared>>) offsets(%dma_start3A_81 : memref<128xi32, #tpu.memory_space<vmem>>) semaphore(%run_scoped3A_78 : memref<!tpu.dma_semaphore, #tpu.memory_space<semaphore_mem>>) {add = true}
        %dma_wait3A_85 = arith.constant 0 : i32
        %dma_wait3A_86 = tpu.memref_slice %arg8[%add3A_64, %dma_wait3A_85] : memref<160x128xi32, #tpu.memory_space<vmem>> -> memref<1x128xi32, #tpu.memory_space<vmem>>
        %dma_wait3A_87 = tpu.memref_squeeze %dma_wait3A_86 : memref<1x128xi32, #tpu.memory_space<vmem>> -> memref<128xi32, #tpu.memory_space<vmem>>
        %dma_wait3A_88 = arith.constant 0 : i32
        %dma_wait3A_89 = arith.constant 0 : i32
        %dma_wait3A_90 = tpu.memref_slice %arg12[%dma_wait3A_88, %dma_wait3A_89] : memref<10240x64xf32, #tpu.memory_space<vmem_shared>> -> memref<10240x64xf32, #tpu.memory_space<vmem_shared>>
        tpu.wait_indirect_dma semaphore(%run_scoped3A_78 : memref<!tpu.dma_semaphore, #tpu.memory_space<semaphore_mem>>) src(%arg11 : memref<128x64xf32, #tpu.memory_space<vmem>>) dst(%dma_wait3A_90 : memref<10240x64xf32, #tpu.memory_space<vmem_shared>>)
        tpu.yield
      }) : () -> ()
      %add3A_71 = arith.constant 3 : i32
      %add3A_72 = arith.addi %add3A_64, %add3A_71 : i32
      %lt3A_73 = arith.constant 160 : i32
      %lt3A_74 = arith.cmpi slt, %add3A_72, %lt3A_73 : i32
      %convert_element_type3A_75 = arith.extui %lt3A_74 : i1 to i32
      %cond3A_76 = arith.constant 0 : i32
      %cond3A_77 = arith.cmpi ne, %convert_element_type3A_75, %cond3A_76 : i32
      scf.if %cond3A_77 {
        %add3A_78 = arith.constant 3 : i32
        %add3A_79 = arith.addi %add3A_64, %add3A_78 : i32
        %dma_start3A_80 = arith.constant 0 : i32
        %dma_start3A_81 = tpu.memref_slice %arg7[%add3A_79, %dma_start3A_80] : memref<160x128xi32, #tpu.memory_space<vmem>> -> memref<1x128xi32, #tpu.memory_space<vmem>>
        %dma_start3A_82 = tpu.memref_squeeze %dma_start3A_81 : memref<1x128xi32, #tpu.memory_space<vmem>> -> memref<128xi32, #tpu.memory_space<vmem>>
        %dma_start3A_83 = arith.constant 0 : i32
        %dma_start3A_84 = arith.constant 0 : i32
        %dma_start3A_85 = tpu.memref_slice %arg2[%dma_start3A_83, %dma_start3A_84] : memref<20480x64xf32, #tpu.memory_space<hbm>> -> memref<20480x64xf32, #tpu.memory_space<hbm>>
        tpu.enqueue_indirect_dma source(%dma_start3A_85 : memref<20480x64xf32, #tpu.memory_space<hbm>>) target(%arg11 : memref<128x64xf32, #tpu.memory_space<vmem>>) offsets(%dma_start3A_82 : memref<128xi32, #tpu.memory_space<vmem>>) semaphore(%arg15 : memref<!tpu.dma_semaphore, #tpu.memory_space<semaphore_mem>>)
      } else {
      }
    }
    %scan3A_24 = arith.constant 53 : i32
    %dma_wait3A = arith.constant 159 : i32
    %dma_wait3A_25 = arith.constant 0 : i32
    %dma_wait3A_26 = tpu.memref_slice %arg7[%dma_wait3A, %dma_wait3A_25] : memref<160x128xi32, #tpu.memory_space<vmem>> -> memref<1x128xi32, #tpu.memory_space<vmem>>
    %dma_wait3A_27 = tpu.memref_squeeze %dma_wait3A_26 : memref<1x128xi32, #tpu.memory_space<vmem>> -> memref<128xi32, #tpu.memory_space<vmem>>
    %dma_wait3A_28 = arith.constant 0 : i32
    %dma_wait3A_29 = arith.constant 0 : i32
    %dma_wait3A_30 = tpu.memref_slice %arg2[%dma_wait3A_28, %dma_wait3A_29] : memref<20480x64xf32, #tpu.memory_space<hbm>> -> memref<20480x64xf32, #tpu.memory_space<hbm>>
    tpu.wait_indirect_dma semaphore(%arg13 : memref<!tpu.dma_semaphore, #tpu.memory_space<semaphore_mem>>) src(%dma_wait3A_30 : memref<20480x64xf32, #tpu.memory_space<hbm>>) dst(%arg9 : memref<128x64xf32, #tpu.memory_space<vmem>>)
    %run_scoped3A = arith.constant 159 : i32
    "tpu.region"() ({
      %run_scoped3A_36 = tpu.sem_alloc : memref<!tpu.dma_semaphore, #tpu.memory_space<semaphore_mem>>
      %dma_start3A_37 = arith.constant 0 : i32
      %dma_start3A_38 = tpu.memref_slice %arg8[%run_scoped3A, %dma_start3A_37] : memref<160x128xi32, #tpu.memory_space<vmem>> -> memref<1x128xi32, #tpu.memory_space<vmem>>
      %dma_start3A_39 = tpu.memref_squeeze %dma_start3A_38 : memref<1x128xi32, #tpu.memory_space<vmem>> -> memref<128xi32, #tpu.memory_space<vmem>>
      %dma_start3A_40 = arith.constant 0 : i32
      %dma_start3A_41 = arith.constant 0 : i32
      %dma_start3A_42 = tpu.memref_slice %arg12[%dma_start3A_40, %dma_start3A_41] : memref<10240x64xf32, #tpu.memory_space<vmem_shared>> -> memref<10240x64xf32, #tpu.memory_space<vmem_shared>>
      tpu.enqueue_indirect_dma source(%arg9 : memref<128x64xf32, #tpu.memory_space<vmem>>) target(%dma_start3A_42 : memref<10240x64xf32, #tpu.memory_space<vmem_shared>>) offsets(%dma_start3A_39 : memref<128xi32, #tpu.memory_space<vmem>>) semaphore(%run_scoped3A_36 : memref<!tpu.dma_semaphore, #tpu.memory_space<semaphore_mem>>) {add = true}
      %dma_wait3A_43 = arith.constant 0 : i32
      %dma_wait3A_44 = tpu.memref_slice %arg8[%run_scoped3A, %dma_wait3A_43] : memref<160x128xi32, #tpu.memory_space<vmem>> -> memref<1x128xi32, #tpu.memory_space<vmem>>
      %dma_wait3A_45 = tpu.memref_squeeze %dma_wait3A_44 : memref<1x128xi32, #tpu.memory_space<vmem>> -> memref<128xi32, #tpu.memory_space<vmem>>
      %dma_wait3A_46 = arith.constant 0 : i32
      %dma_wait3A_47 = arith.constant 0 : i32
      %dma_wait3A_48 = tpu.memref_slice %arg12[%dma_wait3A_46, %dma_wait3A_47] : memref<10240x64xf32, #tpu.memory_space<vmem_shared>> -> memref<10240x64xf32, #tpu.memory_space<vmem_shared>>
      tpu.wait_indirect_dma semaphore(%run_scoped3A_36 : memref<!tpu.dma_semaphore, #tpu.memory_space<semaphore_mem>>) src(%arg9 : memref<128x64xf32, #tpu.memory_space<vmem>>) dst(%dma_wait3A_48 : memref<10240x64xf32, #tpu.memory_space<vmem_shared>>)
      tpu.yield
    }) : () -> ()
    %barrier3A_31 = arith.constant 0 : index
    tpu.barrier barrier_id(%barrier3A_31)
    %mul3A_32 = arith.constant 640 : i32
    %mul3A_33 = arith.muli %arg1, %mul3A_32 : i32
    %mul3A_34 = arith.constant 640 : i32
    %mul3A_35 = arith.muli %arg1, %mul3A_34 : i32
    "tpu.region"() ({
      %run_scoped3A_36 = tpu.sem_alloc : memref<!tpu.dma_semaphore, #tpu.memory_space<semaphore_mem>>
      %dma_start3A_37 = arith.constant 0 : i32
      %dma_start3A_38 = tpu.memref_slice %arg6[%arg0, %mul3A_35, %dma_start3A_37] : memref<2x10240x64xf32, #tpu.memory_space<hbm>> -> memref<1x640x64xf32, #tpu.memory_space<hbm>>
      %dma_start3A_39 = tpu.memref_squeeze %dma_start3A_38 : memref<1x640x64xf32, #tpu.memory_space<hbm>> -> memref<640x64xf32, #tpu.memory_space<hbm>>
      %dma_start3A_40 = arith.constant 0 : i32
      %dma_start3A_41 = tpu.memref_slice %arg12[%mul3A_33, %dma_start3A_40] : memref<10240x64xf32, #tpu.memory_space<vmem_shared>> -> memref<640x64xf32, #tpu.memory_space<vmem_shared>>
      tpu.enqueue_dma source(%dma_start3A_41 : memref<640x64xf32, #tpu.memory_space<vmem_shared>>) target(%dma_start3A_39 : memref<640x64xf32, #tpu.memory_space<hbm>>) target_semaphore(%run_scoped3A_36 : memref<!tpu.dma_semaphore, #tpu.memory_space<semaphore_mem>>)
      %dma_wait3A_42 = arith.constant 0 : i32
      %dma_wait3A_43 = tpu.memref_slice %arg6[%arg0, %mul3A_35, %dma_wait3A_42] : memref<2x10240x64xf32, #tpu.memory_space<hbm>> -> memref<1x640x64xf32, #tpu.memory_space<hbm>>
      %dma_wait3A_44 = tpu.memref_squeeze %dma_wait3A_43 : memref<1x640x64xf32, #tpu.memory_space<hbm>> -> memref<640x64xf32, #tpu.memory_space<hbm>>
      %dma_wait3A_45 = arith.constant 0 : i32
      %dma_wait3A_46 = tpu.memref_slice %arg12[%mul3A_33, %dma_wait3A_45] : memref<10240x64xf32, #tpu.memory_space<vmem_shared>> -> memref<640x64xf32, #tpu.memory_space<vmem_shared>>
      tpu.wait_dma2 semaphore(%run_scoped3A_36 : memref<!tpu.dma_semaphore, #tpu.memory_space<semaphore_mem>>) src(%dma_wait3A_46 : memref<640x64xf32, #tpu.memory_space<vmem_shared>>) dst(%dma_wait3A_44 : memref<640x64xf32, #tpu.memory_space<hbm>>)
      tpu.yield
    }) : () -> ()
    return
  }
}

#map = affine_map<(d0, d1) -> (0, 0)>
#map1 = affine_map<(d0, d1) -> (0, 0, 0, 0)>
#map2 = affine_map<(d0, d1) -> (0, 0, 0)>
module attributes {stable_mosaic.version = 14 : i64} {
  func.func @_edge_call(%arg0: i32, %arg1: i32, %arg2: memref<20480x64xf32, #tpu.memory_space<hbm>>, %arg3: memref<2x16x160x128xi32, #tpu.memory_space<hbm>>, %arg4: memref<16x160x128xi32, #tpu.memory_space<hbm>>, %arg5: memref<640x64xf32, #tpu.memory_space<hbm>>, %arg6: memref<2x10240x64xf32, #tpu.memory_space<hbm>>, %arg7: memref<160x128xi32, #tpu.memory_space<vmem>>, %arg8: memref<160x128xi32, #tpu.memory_space<vmem>>, %arg9: memref<128x64xf32, #tpu.memory_space<vmem>>, %arg10: memref<128x64xf32, #tpu.memory_space<vmem>>, %arg11: memref<128x64xf32, #tpu.memory_space<vmem>>, %arg12: memref<10240x64xf32, #tpu.memory_space<vmem_shared>>, %arg13: memref<!tpu.dma_semaphore, #tpu.memory_space<semaphore_mem>>, %arg14: memref<!tpu.dma_semaphore, #tpu.memory_space<semaphore_mem>>, %arg15: memref<!tpu.dma_semaphore, #tpu.memory_space<semaphore_mem>>) attributes {dimension_semantics = [#tpu.dimension_semantics<core_parallel>, #tpu.dimension_semantics<subcore_parallel>], iteration_bounds = array<i64: 2, 16>, scalar_prefetch = 0 : i64, scratch_operands = 9 : i64, tpu.core_type = #tpu.core_type<sc_vector_subcore>, window_params = [{transform_indices = #map}, {transform_indices = #map1}, {transform_indices = #map2}, {transform_indices = #map}, {transform_indices = #map2}]} {
    %mul3A = arith.constant 640 : i32
    %mul3A_0 = arith.muli %arg1, %mul3A : i32
    "tpu.region"() ({
      %run_scoped3A_36 = tpu.sem_alloc : memref<!tpu.dma_semaphore, #tpu.memory_space<semaphore_mem>>
      %dma_start3A_37 = arith.constant 0 : i32
      %dma_start3A_38 = tpu.memref_slice %arg12[%mul3A_0, %dma_start3A_37] : memref<10240x64xf32, #tpu.memory_space<vmem_shared>> -> memref<640x64xf32, #tpu.memory_space<vmem_shared>>
      tpu.enqueue_dma source(%arg5 : memref<640x64xf32, #tpu.memory_space<hbm>>) target(%dma_start3A_38 : memref<640x64xf32, #tpu.memory_space<vmem_shared>>) target_semaphore(%run_scoped3A_36 : memref<!tpu.dma_semaphore, #tpu.memory_space<semaphore_mem>>)
      %dma_wait3A_39 = arith.constant 0 : i32
      %dma_wait3A_40 = tpu.memref_slice %arg12[%mul3A_0, %dma_wait3A_39] : memref<10240x64xf32, #tpu.memory_space<vmem_shared>> -> memref<640x64xf32, #tpu.memory_space<vmem_shared>>
      tpu.wait_dma2 semaphore(%run_scoped3A_36 : memref<!tpu.dma_semaphore, #tpu.memory_space<semaphore_mem>>) src(%arg5 : memref<640x64xf32, #tpu.memory_space<hbm>>) dst(%dma_wait3A_40 : memref<640x64xf32, #tpu.memory_space<vmem_shared>>)
      tpu.yield
    }) : () -> ()
    "tpu.region"() ({
      %run_scoped3A_36 = tpu.sem_alloc : memref<!tpu.dma_semaphore, #tpu.memory_space<semaphore_mem>>
      %dma_start3A_37 = arith.constant 0 : i32
      %dma_start3A_38 = arith.constant 0 : i32
      %dma_start3A_39 = tpu.memref_slice %arg3[%arg0, %arg1, %dma_start3A_37, %dma_start3A_38] : memref<2x16x160x128xi32, #tpu.memory_space<hbm>> -> memref<1x1x160x128xi32, #tpu.memory_space<hbm>>
      %dma_start3A_40 = tpu.memref_squeeze %dma_start3A_39 : memref<1x1x160x128xi32, #tpu.memory_space<hbm>> -> memref<160x128xi32, #tpu.memory_space<hbm>>
      %dma_start3A_41 = arith.constant 0 : i32
      %dma_start3A_42 = arith.constant 0 : i32
      %dma_start3A_43 = tpu.memref_slice %arg3[%arg0, %arg1, %dma_start3A_41, %dma_start3A_42] : memref<2x16x160x128xi32, #tpu.memory_space<hbm>> -> memref<1x1x160x128xi32, #tpu.memory_space<hbm>>
      %dma_start3A_44 = tpu.memref_squeeze %dma_start3A_43 : memref<1x1x160x128xi32, #tpu.memory_space<hbm>> -> memref<160x128xi32, #tpu.memory_space<hbm>>
      tpu.enqueue_dma source(%dma_start3A_44 : memref<160x128xi32, #tpu.memory_space<hbm>>) target(%arg7 : memref<160x128xi32, #tpu.memory_space<vmem>>) target_semaphore(%run_scoped3A_36 : memref<!tpu.dma_semaphore, #tpu.memory_space<semaphore_mem>>)
      %dma_wait3A_45 = arith.constant 0 : i32
      %dma_wait3A_46 = arith.constant 0 : i32
      %dma_wait3A_47 = tpu.memref_slice %arg3[%arg0, %arg1, %dma_wait3A_45, %dma_wait3A_46] : memref<2x16x160x128xi32, #tpu.memory_space<hbm>> -> memref<1x1x160x128xi32, #tpu.memory_space<hbm>>
      %dma_wait3A_48 = tpu.memref_squeeze %dma_wait3A_47 : memref<1x1x160x128xi32, #tpu.memory_space<hbm>> -> memref<160x128xi32, #tpu.memory_space<hbm>>
      %dma_wait3A_49 = arith.constant 0 : i32
      %dma_wait3A_50 = arith.constant 0 : i32
      %dma_wait3A_51 = tpu.memref_slice %arg3[%arg0, %arg1, %dma_wait3A_49, %dma_wait3A_50] : memref<2x16x160x128xi32, #tpu.memory_space<hbm>> -> memref<1x1x160x128xi32, #tpu.memory_space<hbm>>
      %dma_wait3A_52 = tpu.memref_squeeze %dma_wait3A_51 : memref<1x1x160x128xi32, #tpu.memory_space<hbm>> -> memref<160x128xi32, #tpu.memory_space<hbm>>
      tpu.wait_dma2 semaphore(%run_scoped3A_36 : memref<!tpu.dma_semaphore, #tpu.memory_space<semaphore_mem>>) src(%dma_wait3A_52 : memref<160x128xi32, #tpu.memory_space<hbm>>) dst(%arg7 : memref<160x128xi32, #tpu.memory_space<vmem>>)
      tpu.yield
    }) : () -> ()
    "tpu.region"() ({
      %run_scoped3A_36 = tpu.sem_alloc : memref<!tpu.dma_semaphore, #tpu.memory_space<semaphore_mem>>
      %dma_start3A_37 = arith.constant 0 : i32
      %dma_start3A_38 = arith.constant 0 : i32
      %dma_start3A_39 = tpu.memref_slice %arg4[%arg1, %dma_start3A_37, %dma_start3A_38] : memref<16x160x128xi32, #tpu.memory_space<hbm>> -> memref<1x160x128xi32, #tpu.memory_space<hbm>>
      %dma_start3A_40 = tpu.memref_squeeze %dma_start3A_39 : memref<1x160x128xi32, #tpu.memory_space<hbm>> -> memref<160x128xi32, #tpu.memory_space<hbm>>
      %dma_start3A_41 = arith.constant 0 : i32
      %dma_start3A_42 = arith.constant 0 : i32
      %dma_start3A_43 = tpu.memref_slice %arg4[%arg1, %dma_start3A_41, %dma_start3A_42] : memref<16x160x128xi32, #tpu.memory_space<hbm>> -> memref<1x160x128xi32, #tpu.memory_space<hbm>>
      %dma_start3A_44 = tpu.memref_squeeze %dma_start3A_43 : memref<1x160x128xi32, #tpu.memory_space<hbm>> -> memref<160x128xi32, #tpu.memory_space<hbm>>
      tpu.enqueue_dma source(%dma_start3A_44 : memref<160x128xi32, #tpu.memory_space<hbm>>) target(%arg8 : memref<160x128xi32, #tpu.memory_space<vmem>>) target_semaphore(%run_scoped3A_36 : memref<!tpu.dma_semaphore, #tpu.memory_space<semaphore_mem>>)
      %dma_wait3A_45 = arith.constant 0 : i32
      %dma_wait3A_46 = arith.constant 0 : i32
      %dma_wait3A_47 = tpu.memref_slice %arg4[%arg1, %dma_wait3A_45, %dma_wait3A_46] : memref<16x160x128xi32, #tpu.memory_space<hbm>> -> memref<1x160x128xi32, #tpu.memory_space<hbm>>
      %dma_wait3A_48 = tpu.memref_squeeze %dma_wait3A_47 : memref<1x160x128xi32, #tpu.memory_space<hbm>> -> memref<160x128xi32, #tpu.memory_space<hbm>>
      %dma_wait3A_49 = arith.constant 0 : i32
      %dma_wait3A_50 = arith.constant 0 : i32
      %dma_wait3A_51 = tpu.memref_slice %arg4[%arg1, %dma_wait3A_49, %dma_wait3A_50] : memref<16x160x128xi32, #tpu.memory_space<hbm>> -> memref<1x160x128xi32, #tpu.memory_space<hbm>>
      %dma_wait3A_52 = tpu.memref_squeeze %dma_wait3A_51 : memref<1x160x128xi32, #tpu.memory_space<hbm>> -> memref<160x128xi32, #tpu.memory_space<hbm>>
      tpu.wait_dma2 semaphore(%run_scoped3A_36 : memref<!tpu.dma_semaphore, #tpu.memory_space<semaphore_mem>>) src(%dma_wait3A_52 : memref<160x128xi32, #tpu.memory_space<hbm>>) dst(%arg8 : memref<160x128xi32, #tpu.memory_space<vmem>>)
      tpu.yield
    }) : () -> ()
    %barrier3A = arith.constant 0 : index
    tpu.barrier barrier_id(%barrier3A)
    %dma_start3A = arith.constant 0 : i32
    %dma_start3A_1 = arith.constant 0 : i32
    %dma_start3A_2 = tpu.memref_slice %arg7[%dma_start3A, %dma_start3A_1] : memref<160x128xi32, #tpu.memory_space<vmem>> -> memref<1x128xi32, #tpu.memory_space<vmem>>
    %dma_start3A_3 = tpu.memref_squeeze %dma_start3A_2 : memref<1x128xi32, #tpu.memory_space<vmem>> -> memref<128xi32, #tpu.memory_space<vmem>>
    %dma_start3A_4 = arith.constant 0 : i32
    %dma_start3A_5 = arith.constant 0 : i32
    %dma_start3A_6 = tpu.memref_slice %arg2[%dma_start3A_4, %dma_start3A_5] : memref<20480x64xf32, #tpu.memory_space<hbm>> -> memref<20480x64xf32, #tpu.memory_space<hbm>>
    tpu.enqueue_indirect_dma source(%dma_start3A_6 : memref<20480x64xf32, #tpu.memory_space<hbm>>) target(%arg9 : memref<128x64xf32, #tpu.memory_space<vmem>>) offsets(%dma_start3A_3 : memref<128xi32, #tpu.memory_space<vmem>>) semaphore(%arg13 : memref<!tpu.dma_semaphore, #tpu.memory_space<semaphore_mem>>)
    %dma_start3A_7 = arith.constant 1 : i32
    %dma_start3A_8 = arith.constant 0 : i32
    %dma_start3A_9 = tpu.memref_slice %arg7[%dma_start3A_7, %dma_start3A_8] : memref<160x128xi32, #tpu.memory_space<vmem>> -> memref<1x128xi32, #tpu.memory_space<vmem>>
    %dma_start3A_10 = tpu.memref_squeeze %dma_start3A_9 : memref<1x128xi32, #tpu.memory_space<vmem>> -> memref<128xi32, #tpu.memory_space<vmem>>
    %dma_start3A_11 = arith.constant 0 : i32
    %dma_start3A_12 = arith.constant 0 : i32
    %dma_start3A_13 = tpu.memref_slice %arg2[%dma_start3A_11, %dma_start3A_12] : memref<20480x64xf32, #tpu.memory_space<hbm>> -> memref<20480x64xf32, #tpu.memory_space<hbm>>
    tpu.enqueue_indirect_dma source(%dma_start3A_13 : memref<20480x64xf32, #tpu.memory_space<hbm>>) target(%arg10 : memref<128x64xf32, #tpu.memory_space<vmem>>) offsets(%dma_start3A_10 : memref<128xi32, #tpu.memory_space<vmem>>) semaphore(%arg14 : memref<!tpu.dma_semaphore, #tpu.memory_space<semaphore_mem>>)
    %dma_start3A_14 = arith.constant 2 : i32
    %dma_start3A_15 = arith.constant 0 : i32
    %dma_start3A_16 = tpu.memref_slice %arg7[%dma_start3A_14, %dma_start3A_15] : memref<160x128xi32, #tpu.memory_space<vmem>> -> memref<1x128xi32, #tpu.memory_space<vmem>>
    %dma_start3A_17 = tpu.memref_squeeze %dma_start3A_16 : memref<1x128xi32, #tpu.memory_space<vmem>> -> memref<128xi32, #tpu.memory_space<vmem>>
    %dma_start3A_18 = arith.constant 0 : i32
    %dma_start3A_19 = arith.constant 0 : i32
    %dma_start3A_20 = tpu.memref_slice %arg2[%dma_start3A_18, %dma_start3A_19] : memref<20480x64xf32, #tpu.memory_space<hbm>> -> memref<20480x64xf32, #tpu.memory_space<hbm>>
    tpu.enqueue_indirect_dma source(%dma_start3A_20 : memref<20480x64xf32, #tpu.memory_space<hbm>>) target(%arg11 : memref<128x64xf32, #tpu.memory_space<vmem>>) offsets(%dma_start3A_17 : memref<128xi32, #tpu.memory_space<vmem>>) semaphore(%arg15 : memref<!tpu.dma_semaphore, #tpu.memory_space<semaphore_mem>>)
    %scan3A = arith.constant 0 : i32
    %scan3A_21 = arith.constant 53 : i32
    %scan3A_22 = arith.addi %scan3A, %scan3A_21 : i32
    %scan3A_23 = arith.constant 1 : i32
    scf.for %scan3A_36 = %scan3A to %scan3A_22 step %scan3A_23  : i32 {
      %mul3A_37 = arith.constant 3 : i32
      %mul3A_38 = arith.muli %mul3A_37, %scan3A_36 : i32
      %dma_wait3A_39 = arith.constant 0 : i32
      %dma_wait3A_40 = tpu.memref_slice %arg7[%mul3A_38, %dma_wait3A_39] : memref<160x128xi32, #tpu.memory_space<vmem>> -> memref<1x128xi32, #tpu.memory_space<vmem>>
      %dma_wait3A_41 = tpu.memref_squeeze %dma_wait3A_40 : memref<1x128xi32, #tpu.memory_space<vmem>> -> memref<128xi32, #tpu.memory_space<vmem>>
      %dma_wait3A_42 = arith.constant 0 : i32
      %dma_wait3A_43 = arith.constant 0 : i32
      %dma_wait3A_44 = tpu.memref_slice %arg2[%dma_wait3A_42, %dma_wait3A_43] : memref<20480x64xf32, #tpu.memory_space<hbm>> -> memref<20480x64xf32, #tpu.memory_space<hbm>>
      tpu.wait_indirect_dma semaphore(%arg13 : memref<!tpu.dma_semaphore, #tpu.memory_space<semaphore_mem>>) src(%dma_wait3A_44 : memref<20480x64xf32, #tpu.memory_space<hbm>>) dst(%arg9 : memref<128x64xf32, #tpu.memory_space<vmem>>)
      "tpu.region"() ({
        %run_scoped3A_78 = tpu.sem_alloc : memref<!tpu.dma_semaphore, #tpu.memory_space<semaphore_mem>>
        %dma_start3A_79 = arith.constant 0 : i32
        %dma_start3A_80 = tpu.memref_slice %arg8[%mul3A_38, %dma_start3A_79] : memref<160x128xi32, #tpu.memory_space<vmem>> -> memref<1x128xi32, #tpu.memory_space<vmem>>
        %dma_start3A_81 = tpu.memref_squeeze %dma_start3A_80 : memref<1x128xi32, #tpu.memory_space<vmem>> -> memref<128xi32, #tpu.memory_space<vmem>>
        %dma_start3A_82 = arith.constant 0 : i32
        %dma_start3A_83 = arith.constant 0 : i32
        %dma_start3A_84 = tpu.memref_slice %arg12[%dma_start3A_82, %dma_start3A_83] : memref<10240x64xf32, #tpu.memory_space<vmem_shared>> -> memref<10240x64xf32, #tpu.memory_space<vmem_shared>>
        tpu.enqueue_indirect_dma source(%arg9 : memref<128x64xf32, #tpu.memory_space<vmem>>) target(%dma_start3A_84 : memref<10240x64xf32, #tpu.memory_space<vmem_shared>>) offsets(%dma_start3A_81 : memref<128xi32, #tpu.memory_space<vmem>>) semaphore(%run_scoped3A_78 : memref<!tpu.dma_semaphore, #tpu.memory_space<semaphore_mem>>) {add = true}
        %dma_wait3A_85 = arith.constant 0 : i32
        %dma_wait3A_86 = tpu.memref_slice %arg8[%mul3A_38, %dma_wait3A_85] : memref<160x128xi32, #tpu.memory_space<vmem>> -> memref<1x128xi32, #tpu.memory_space<vmem>>
        %dma_wait3A_87 = tpu.memref_squeeze %dma_wait3A_86 : memref<1x128xi32, #tpu.memory_space<vmem>> -> memref<128xi32, #tpu.memory_space<vmem>>
        %dma_wait3A_88 = arith.constant 0 : i32
        %dma_wait3A_89 = arith.constant 0 : i32
        %dma_wait3A_90 = tpu.memref_slice %arg12[%dma_wait3A_88, %dma_wait3A_89] : memref<10240x64xf32, #tpu.memory_space<vmem_shared>> -> memref<10240x64xf32, #tpu.memory_space<vmem_shared>>
        tpu.wait_indirect_dma semaphore(%run_scoped3A_78 : memref<!tpu.dma_semaphore, #tpu.memory_space<semaphore_mem>>) src(%arg9 : memref<128x64xf32, #tpu.memory_space<vmem>>) dst(%dma_wait3A_90 : memref<10240x64xf32, #tpu.memory_space<vmem_shared>>)
        tpu.yield
      }) : () -> ()
      %add3A = arith.constant 3 : i32
      %add3A_45 = arith.addi %mul3A_38, %add3A : i32
      %lt3A = arith.constant 160 : i32
      %lt3A_46 = arith.cmpi slt, %add3A_45, %lt3A : i32
      %convert_element_type3A = arith.extui %lt3A_46 : i1 to i32
      %cond3A = arith.constant 0 : i32
      %cond3A_47 = arith.cmpi ne, %convert_element_type3A, %cond3A : i32
      scf.if %cond3A_47 {
        %add3A_78 = arith.constant 3 : i32
        %add3A_79 = arith.addi %mul3A_38, %add3A_78 : i32
        %dma_start3A_80 = arith.constant 0 : i32
        %dma_start3A_81 = tpu.memref_slice %arg7[%add3A_79, %dma_start3A_80] : memref<160x128xi32, #tpu.memory_space<vmem>> -> memref<1x128xi32, #tpu.memory_space<vmem>>
        %dma_start3A_82 = tpu.memref_squeeze %dma_start3A_81 : memref<1x128xi32, #tpu.memory_space<vmem>> -> memref<128xi32, #tpu.memory_space<vmem>>
        %dma_start3A_83 = arith.constant 0 : i32
        %dma_start3A_84 = arith.constant 0 : i32
        %dma_start3A_85 = tpu.memref_slice %arg2[%dma_start3A_83, %dma_start3A_84] : memref<20480x64xf32, #tpu.memory_space<hbm>> -> memref<20480x64xf32, #tpu.memory_space<hbm>>
        tpu.enqueue_indirect_dma source(%dma_start3A_85 : memref<20480x64xf32, #tpu.memory_space<hbm>>) target(%arg9 : memref<128x64xf32, #tpu.memory_space<vmem>>) offsets(%dma_start3A_82 : memref<128xi32, #tpu.memory_space<vmem>>) semaphore(%arg13 : memref<!tpu.dma_semaphore, #tpu.memory_space<semaphore_mem>>)
      } else {
      }
      %add3A_48 = arith.constant 1 : i32
      %add3A_49 = arith.addi %mul3A_38, %add3A_48 : i32
      %dma_wait3A_50 = arith.constant 0 : i32
      %dma_wait3A_51 = tpu.memref_slice %arg7[%add3A_49, %dma_wait3A_50] : memref<160x128xi32, #tpu.memory_space<vmem>> -> memref<1x128xi32, #tpu.memory_space<vmem>>
      %dma_wait3A_52 = tpu.memref_squeeze %dma_wait3A_51 : memref<1x128xi32, #tpu.memory_space<vmem>> -> memref<128xi32, #tpu.memory_space<vmem>>
      %dma_wait3A_53 = arith.constant 0 : i32
      %dma_wait3A_54 = arith.constant 0 : i32
      %dma_wait3A_55 = tpu.memref_slice %arg2[%dma_wait3A_53, %dma_wait3A_54] : memref<20480x64xf32, #tpu.memory_space<hbm>> -> memref<20480x64xf32, #tpu.memory_space<hbm>>
      tpu.wait_indirect_dma semaphore(%arg14 : memref<!tpu.dma_semaphore, #tpu.memory_space<semaphore_mem>>) src(%dma_wait3A_55 : memref<20480x64xf32, #tpu.memory_space<hbm>>) dst(%arg10 : memref<128x64xf32, #tpu.memory_space<vmem>>)
      "tpu.region"() ({
        %run_scoped3A_78 = tpu.sem_alloc : memref<!tpu.dma_semaphore, #tpu.memory_space<semaphore_mem>>
        %dma_start3A_79 = arith.constant 0 : i32
        %dma_start3A_80 = tpu.memref_slice %arg8[%add3A_49, %dma_start3A_79] : memref<160x128xi32, #tpu.memory_space<vmem>> -> memref<1x128xi32, #tpu.memory_space<vmem>>
        %dma_start3A_81 = tpu.memref_squeeze %dma_start3A_80 : memref<1x128xi32, #tpu.memory_space<vmem>> -> memref<128xi32, #tpu.memory_space<vmem>>
        %dma_start3A_82 = arith.constant 0 : i32
        %dma_start3A_83 = arith.constant 0 : i32
        %dma_start3A_84 = tpu.memref_slice %arg12[%dma_start3A_82, %dma_start3A_83] : memref<10240x64xf32, #tpu.memory_space<vmem_shared>> -> memref<10240x64xf32, #tpu.memory_space<vmem_shared>>
        tpu.enqueue_indirect_dma source(%arg10 : memref<128x64xf32, #tpu.memory_space<vmem>>) target(%dma_start3A_84 : memref<10240x64xf32, #tpu.memory_space<vmem_shared>>) offsets(%dma_start3A_81 : memref<128xi32, #tpu.memory_space<vmem>>) semaphore(%run_scoped3A_78 : memref<!tpu.dma_semaphore, #tpu.memory_space<semaphore_mem>>) {add = true}
        %dma_wait3A_85 = arith.constant 0 : i32
        %dma_wait3A_86 = tpu.memref_slice %arg8[%add3A_49, %dma_wait3A_85] : memref<160x128xi32, #tpu.memory_space<vmem>> -> memref<1x128xi32, #tpu.memory_space<vmem>>
        %dma_wait3A_87 = tpu.memref_squeeze %dma_wait3A_86 : memref<1x128xi32, #tpu.memory_space<vmem>> -> memref<128xi32, #tpu.memory_space<vmem>>
        %dma_wait3A_88 = arith.constant 0 : i32
        %dma_wait3A_89 = arith.constant 0 : i32
        %dma_wait3A_90 = tpu.memref_slice %arg12[%dma_wait3A_88, %dma_wait3A_89] : memref<10240x64xf32, #tpu.memory_space<vmem_shared>> -> memref<10240x64xf32, #tpu.memory_space<vmem_shared>>
        tpu.wait_indirect_dma semaphore(%run_scoped3A_78 : memref<!tpu.dma_semaphore, #tpu.memory_space<semaphore_mem>>) src(%arg10 : memref<128x64xf32, #tpu.memory_space<vmem>>) dst(%dma_wait3A_90 : memref<10240x64xf32, #tpu.memory_space<vmem_shared>>)
        tpu.yield
      }) : () -> ()
      %add3A_56 = arith.constant 3 : i32
      %add3A_57 = arith.addi %add3A_49, %add3A_56 : i32
      %lt3A_58 = arith.constant 160 : i32
      %lt3A_59 = arith.cmpi slt, %add3A_57, %lt3A_58 : i32
      %convert_element_type3A_60 = arith.extui %lt3A_59 : i1 to i32
      %cond3A_61 = arith.constant 0 : i32
      %cond3A_62 = arith.cmpi ne, %convert_element_type3A_60, %cond3A_61 : i32
      scf.if %cond3A_62 {
        %add3A_78 = arith.constant 3 : i32
        %add3A_79 = arith.addi %add3A_49, %add3A_78 : i32
        %dma_start3A_80 = arith.constant 0 : i32
        %dma_start3A_81 = tpu.memref_slice %arg7[%add3A_79, %dma_start3A_80] : memref<160x128xi32, #tpu.memory_space<vmem>> -> memref<1x128xi32, #tpu.memory_space<vmem>>
        %dma_start3A_82 = tpu.memref_squeeze %dma_start3A_81 : memref<1x128xi32, #tpu.memory_space<vmem>> -> memref<128xi32, #tpu.memory_space<vmem>>
        %dma_start3A_83 = arith.constant 0 : i32
        %dma_start3A_84 = arith.constant 0 : i32
        %dma_start3A_85 = tpu.memref_slice %arg2[%dma_start3A_83, %dma_start3A_84] : memref<20480x64xf32, #tpu.memory_space<hbm>> -> memref<20480x64xf32, #tpu.memory_space<hbm>>
        tpu.enqueue_indirect_dma source(%dma_start3A_85 : memref<20480x64xf32, #tpu.memory_space<hbm>>) target(%arg10 : memref<128x64xf32, #tpu.memory_space<vmem>>) offsets(%dma_start3A_82 : memref<128xi32, #tpu.memory_space<vmem>>) semaphore(%arg14 : memref<!tpu.dma_semaphore, #tpu.memory_space<semaphore_mem>>)
      } else {
      }
      %add3A_63 = arith.constant 2 : i32
      %add3A_64 = arith.addi %mul3A_38, %add3A_63 : i32
      %dma_wait3A_65 = arith.constant 0 : i32
      %dma_wait3A_66 = tpu.memref_slice %arg7[%add3A_64, %dma_wait3A_65] : memref<160x128xi32, #tpu.memory_space<vmem>> -> memref<1x128xi32, #tpu.memory_space<vmem>>
      %dma_wait3A_67 = tpu.memref_squeeze %dma_wait3A_66 : memref<1x128xi32, #tpu.memory_space<vmem>> -> memref<128xi32, #tpu.memory_space<vmem>>
      %dma_wait3A_68 = arith.constant 0 : i32
      %dma_wait3A_69 = arith.constant 0 : i32
      %dma_wait3A_70 = tpu.memref_slice %arg2[%dma_wait3A_68, %dma_wait3A_69] : memref<20480x64xf32, #tpu.memory_space<hbm>> -> memref<20480x64xf32, #tpu.memory_space<hbm>>
      tpu.wait_indirect_dma semaphore(%arg15 : memref<!tpu.dma_semaphore, #tpu.memory_space<semaphore_mem>>) src(%dma_wait3A_70 : memref<20480x64xf32, #tpu.memory_space<hbm>>) dst(%arg11 : memref<128x64xf32, #tpu.memory_space<vmem>>)
      "tpu.region"() ({
        %run_scoped3A_78 = tpu.sem_alloc : memref<!tpu.dma_semaphore, #tpu.memory_space<semaphore_mem>>
        %dma_start3A_79 = arith.constant 0 : i32
        %dma_start3A_80 = tpu.memref_slice %arg8[%add3A_64, %dma_start3A_79] : memref<160x128xi32, #tpu.memory_space<vmem>> -> memref<1x128xi32, #tpu.memory_space<vmem>>
        %dma_start3A_81 = tpu.memref_squeeze %dma_start3A_80 : memref<1x128xi32, #tpu.memory_space<vmem>> -> memref<128xi32, #tpu.memory_space<vmem>>
        %dma_start3A_82 = arith.constant 0 : i32
        %dma_start3A_83 = arith.constant 0 : i32
        %dma_start3A_84 = tpu.memref_slice %arg12[%dma_start3A_82, %dma_start3A_83] : memref<10240x64xf32, #tpu.memory_space<vmem_shared>> -> memref<10240x64xf32, #tpu.memory_space<vmem_shared>>
        tpu.enqueue_indirect_dma source(%arg11 : memref<128x64xf32, #tpu.memory_space<vmem>>) target(%dma_start3A_84 : memref<10240x64xf32, #tpu.memory_space<vmem_shared>>) offsets(%dma_start3A_81 : memref<128xi32, #tpu.memory_space<vmem>>) semaphore(%run_scoped3A_78 : memref<!tpu.dma_semaphore, #tpu.memory_space<semaphore_mem>>) {add = true}
        %dma_wait3A_85 = arith.constant 0 : i32
        %dma_wait3A_86 = tpu.memref_slice %arg8[%add3A_64, %dma_wait3A_85] : memref<160x128xi32, #tpu.memory_space<vmem>> -> memref<1x128xi32, #tpu.memory_space<vmem>>
        %dma_wait3A_87 = tpu.memref_squeeze %dma_wait3A_86 : memref<1x128xi32, #tpu.memory_space<vmem>> -> memref<128xi32, #tpu.memory_space<vmem>>
        %dma_wait3A_88 = arith.constant 0 : i32
        %dma_wait3A_89 = arith.constant 0 : i32
        %dma_wait3A_90 = tpu.memref_slice %arg12[%dma_wait3A_88, %dma_wait3A_89] : memref<10240x64xf32, #tpu.memory_space<vmem_shared>> -> memref<10240x64xf32, #tpu.memory_space<vmem_shared>>
        tpu.wait_indirect_dma semaphore(%run_scoped3A_78 : memref<!tpu.dma_semaphore, #tpu.memory_space<semaphore_mem>>) src(%arg11 : memref<128x64xf32, #tpu.memory_space<vmem>>) dst(%dma_wait3A_90 : memref<10240x64xf32, #tpu.memory_space<vmem_shared>>)
        tpu.yield
      }) : () -> ()
      %add3A_71 = arith.constant 3 : i32
      %add3A_72 = arith.addi %add3A_64, %add3A_71 : i32
      %lt3A_73 = arith.constant 160 : i32
      %lt3A_74 = arith.cmpi slt, %add3A_72, %lt3A_73 : i32
      %convert_element_type3A_75 = arith.extui %lt3A_74 : i1 to i32
      %cond3A_76 = arith.constant 0 : i32
      %cond3A_77 = arith.cmpi ne, %convert_element_type3A_75, %cond3A_76 : i32
      scf.if %cond3A_77 {
        %add3A_78 = arith.constant 3 : i32
        %add3A_79 = arith.addi %add3A_64, %add3A_78 : i32
        %dma_start3A_80 = arith.constant 0 : i32
        %dma_start3A_81 = tpu.memref_slice %arg7[%add3A_79, %dma_start3A_80] : memref<160x128xi32, #tpu.memory_space<vmem>> -> memref<1x128xi32, #tpu.memory_space<vmem>>
        %dma_start3A_82 = tpu.memref_squeeze %dma_start3A_81 : memref<1x128xi32, #tpu.memory_space<vmem>> -> memref<128xi32, #tpu.memory_space<vmem>>
        %dma_start3A_83 = arith.constant 0 : i32
        %dma_start3A_84 = arith.constant 0 : i32
        %dma_start3A_85 = tpu.memref_slice %arg2[%dma_start3A_83, %dma_start3A_84] : memref<20480x64xf32, #tpu.memory_space<hbm>> -> memref<20480x64xf32, #tpu.memory_space<hbm>>
        tpu.enqueue_indirect_dma source(%dma_start3A_85 : memref<20480x64xf32, #tpu.memory_space<hbm>>) target(%arg11 : memref<128x64xf32, #tpu.memory_space<vmem>>) offsets(%dma_start3A_82 : memref<128xi32, #tpu.memory_space<vmem>>) semaphore(%arg15 : memref<!tpu.dma_semaphore, #tpu.memory_space<semaphore_mem>>)
      } else {
      }
    }
    %scan3A_24 = arith.constant 53 : i32
    %dma_wait3A = arith.constant 159 : i32
    %dma_wait3A_25 = arith.constant 0 : i32
    %dma_wait3A_26 = tpu.memref_slice %arg7[%dma_wait3A, %dma_wait3A_25] : memref<160x128xi32, #tpu.memory_space<vmem>> -> memref<1x128xi32, #tpu.memory_space<vmem>>
    %dma_wait3A_27 = tpu.memref_squeeze %dma_wait3A_26 : memref<1x128xi32, #tpu.memory_space<vmem>> -> memref<128xi32, #tpu.memory_space<vmem>>
    %dma_wait3A_28 = arith.constant 0 : i32
    %dma_wait3A_29 = arith.constant 0 : i32
    %dma_wait3A_30 = tpu.memref_slice %arg2[%dma_wait3A_28, %dma_wait3A_29] : memref<20480x64xf32, #tpu.memory_space<hbm>> -> memref<20480x64xf32, #tpu.memory_space<hbm>>
    tpu.wait_indirect_dma semaphore(%arg13 : memref<!tpu.dma_semaphore, #tpu.memory_space<semaphore_mem>>) src(%dma_wait3A_30 : memref<20480x64xf32, #tpu.memory_space<hbm>>) dst(%arg9 : memref<128x64xf32, #tpu.memory_space<vmem>>)
    %run_scoped3A = arith.constant 159 : i32
    "tpu.region"() ({
      %run_scoped3A_36 = tpu.sem_alloc : memref<!tpu.dma_semaphore, #tpu.memory_space<semaphore_mem>>
      %dma_start3A_37 = arith.constant 0 : i32
      %dma_start3A_38 = tpu.memref_slice %arg8[%run_scoped3A, %dma_start3A_37] : memref<160x128xi32, #tpu.memory_space<vmem>> -> memref<1x128xi32, #tpu.memory_space<vmem>>
      %dma_start3A_39 = tpu.memref_squeeze %dma_start3A_38 : memref<1x128xi32, #tpu.memory_space<vmem>> -> memref<128xi32, #tpu.memory_space<vmem>>
      %dma_start3A_40 = arith.constant 0 : i32
      %dma_start3A_41 = arith.constant 0 : i32
      %dma_start3A_42 = tpu.memref_slice %arg12[%dma_start3A_40, %dma_start3A_41] : memref<10240x64xf32, #tpu.memory_space<vmem_shared>> -> memref<10240x64xf32, #tpu.memory_space<vmem_shared>>
      tpu.enqueue_indirect_dma source(%arg9 : memref<128x64xf32, #tpu.memory_space<vmem>>) target(%dma_start3A_42 : memref<10240x64xf32, #tpu.memory_space<vmem_shared>>) offsets(%dma_start3A_39 : memref<128xi32, #tpu.memory_space<vmem>>) semaphore(%run_scoped3A_36 : memref<!tpu.dma_semaphore, #tpu.memory_space<semaphore_mem>>) {add = true}
      %dma_wait3A_43 = arith.constant 0 : i32
      %dma_wait3A_44 = tpu.memref_slice %arg8[%run_scoped3A, %dma_wait3A_43] : memref<160x128xi32, #tpu.memory_space<vmem>> -> memref<1x128xi32, #tpu.memory_space<vmem>>
      %dma_wait3A_45 = tpu.memref_squeeze %dma_wait3A_44 : memref<1x128xi32, #tpu.memory_space<vmem>> -> memref<128xi32, #tpu.memory_space<vmem>>
      %dma_wait3A_46 = arith.constant 0 : i32
      %dma_wait3A_47 = arith.constant 0 : i32
      %dma_wait3A_48 = tpu.memref_slice %arg12[%dma_wait3A_46, %dma_wait3A_47] : memref<10240x64xf32, #tpu.memory_space<vmem_shared>> -> memref<10240x64xf32, #tpu.memory_space<vmem_shared>>
      tpu.wait_indirect_dma semaphore(%run_scoped3A_36 : memref<!tpu.dma_semaphore, #tpu.memory_space<semaphore_mem>>) src(%arg9 : memref<128x64xf32, #tpu.memory_space<vmem>>) dst(%dma_wait3A_48 : memref<10240x64xf32, #tpu.memory_space<vmem_shared>>)
      tpu.yield
    }) : () -> ()
    %barrier3A_31 = arith.constant 0 : index
    tpu.barrier barrier_id(%barrier3A_31)
    %mul3A_32 = arith.constant 640 : i32
    %mul3A_33 = arith.muli %arg1, %mul3A_32 : i32
    %mul3A_34 = arith.constant 640 : i32
    %mul3A_35 = arith.muli %arg1, %mul3A_34 : i32
    "tpu.region"() ({
      %run_scoped3A_36 = tpu.sem_alloc : memref<!tpu.dma_semaphore, #tpu.memory_space<semaphore_mem>>
      %dma_start3A_37 = arith.constant 0 : i32
      %dma_start3A_38 = tpu.memref_slice %arg6[%arg0, %mul3A_35, %dma_start3A_37] : memref<2x10240x64xf32, #tpu.memory_space<hbm>> -> memref<1x640x64xf32, #tpu.memory_space<hbm>>
      %dma_start3A_39 = tpu.memref_squeeze %dma_start3A_38 : memref<1x640x64xf32, #tpu.memory_space<hbm>> -> memref<640x64xf32, #tpu.memory_space<hbm>>
      %dma_start3A_40 = arith.constant 0 : i32
      %dma_start3A_41 = tpu.memref_slice %arg12[%mul3A_33, %dma_start3A_40] : memref<10240x64xf32, #tpu.memory_space<vmem_shared>> -> memref<640x64xf32, #tpu.memory_space<vmem_shared>>
      tpu.enqueue_dma source(%dma_start3A_41 : memref<640x64xf32, #tpu.memory_space<vmem_shared>>) target(%dma_start3A_39 : memref<640x64xf32, #tpu.memory_space<hbm>>) target_semaphore(%run_scoped3A_36 : memref<!tpu.dma_semaphore, #tpu.memory_space<semaphore_mem>>)
      %dma_wait3A_42 = arith.constant 0 : i32
      %dma_wait3A_43 = tpu.memref_slice %arg6[%arg0, %mul3A_35, %dma_wait3A_42] : memref<2x10240x64xf32, #tpu.memory_space<hbm>> -> memref<1x640x64xf32, #tpu.memory_space<hbm>>
      %dma_wait3A_44 = tpu.memref_squeeze %dma_wait3A_43 : memref<1x640x64xf32, #tpu.memory_space<hbm>> -> memref<640x64xf32, #tpu.memory_space<hbm>>
      %dma_wait3A_45 = arith.constant 0 : i32
      %dma_wait3A_46 = tpu.memref_slice %arg12[%mul3A_33, %dma_wait3A_45] : memref<10240x64xf32, #tpu.memory_space<vmem_shared>> -> memref<640x64xf32, #tpu.memory_space<vmem_shared>>
      tpu.wait_dma2 semaphore(%run_scoped3A_36 : memref<!tpu.dma_semaphore, #tpu.memory_space<semaphore_mem>>) src(%dma_wait3A_46 : memref<640x64xf32, #tpu.memory_space<vmem_shared>>) dst(%dma_wait3A_44 : memref<640x64xf32, #tpu.memory_space<hbm>>)
      tpu.yield
    }) : () -> ()
    return
  }
}

#map = affine_map<(d0, d1) -> (0, 0)>
#map1 = affine_map<(d0, d1) -> (0, 0, 0, 0)>
#map2 = affine_map<(d0, d1) -> (0, 0, 0)>
module attributes {stable_mosaic.version = 14 : i64} {
  func.func @_edge_call(%arg0: i32, %arg1: i32, %arg2: memref<20480x64xf32, #tpu.memory_space<hbm>>, %arg3: memref<2x16x160x128xi32, #tpu.memory_space<hbm>>, %arg4: memref<16x160x128xi32, #tpu.memory_space<hbm>>, %arg5: memref<640x64xf32, #tpu.memory_space<hbm>>, %arg6: memref<2x10240x64xf32, #tpu.memory_space<hbm>>, %arg7: memref<160x128xi32, #tpu.memory_space<vmem>>, %arg8: memref<160x128xi32, #tpu.memory_space<vmem>>, %arg9: memref<128x64xf32, #tpu.memory_space<vmem>>, %arg10: memref<128x64xf32, #tpu.memory_space<vmem>>, %arg11: memref<128x64xf32, #tpu.memory_space<vmem>>, %arg12: memref<10240x64xf32, #tpu.memory_space<vmem_shared>>, %arg13: memref<!tpu.dma_semaphore, #tpu.memory_space<semaphore_mem>>, %arg14: memref<!tpu.dma_semaphore, #tpu.memory_space<semaphore_mem>>, %arg15: memref<!tpu.dma_semaphore, #tpu.memory_space<semaphore_mem>>) attributes {dimension_semantics = [#tpu.dimension_semantics<core_parallel>, #tpu.dimension_semantics<subcore_parallel>], iteration_bounds = array<i64: 2, 16>, scalar_prefetch = 0 : i64, scratch_operands = 9 : i64, tpu.core_type = #tpu.core_type<sc_vector_subcore>, window_params = [{transform_indices = #map}, {transform_indices = #map1}, {transform_indices = #map2}, {transform_indices = #map}, {transform_indices = #map2}]} {
    %mul3A = arith.constant 640 : i32
    %mul3A_0 = arith.muli %arg1, %mul3A : i32
    "tpu.region"() ({
      %run_scoped3A_36 = tpu.sem_alloc : memref<!tpu.dma_semaphore, #tpu.memory_space<semaphore_mem>>
      %dma_start3A_37 = arith.constant 0 : i32
      %dma_start3A_38 = tpu.memref_slice %arg12[%mul3A_0, %dma_start3A_37] : memref<10240x64xf32, #tpu.memory_space<vmem_shared>> -> memref<640x64xf32, #tpu.memory_space<vmem_shared>>
      tpu.enqueue_dma source(%arg5 : memref<640x64xf32, #tpu.memory_space<hbm>>) target(%dma_start3A_38 : memref<640x64xf32, #tpu.memory_space<vmem_shared>>) target_semaphore(%run_scoped3A_36 : memref<!tpu.dma_semaphore, #tpu.memory_space<semaphore_mem>>)
      %dma_wait3A_39 = arith.constant 0 : i32
      %dma_wait3A_40 = tpu.memref_slice %arg12[%mul3A_0, %dma_wait3A_39] : memref<10240x64xf32, #tpu.memory_space<vmem_shared>> -> memref<640x64xf32, #tpu.memory_space<vmem_shared>>
      tpu.wait_dma2 semaphore(%run_scoped3A_36 : memref<!tpu.dma_semaphore, #tpu.memory_space<semaphore_mem>>) src(%arg5 : memref<640x64xf32, #tpu.memory_space<hbm>>) dst(%dma_wait3A_40 : memref<640x64xf32, #tpu.memory_space<vmem_shared>>)
      tpu.yield
    }) : () -> ()
    "tpu.region"() ({
      %run_scoped3A_36 = tpu.sem_alloc : memref<!tpu.dma_semaphore, #tpu.memory_space<semaphore_mem>>
      %dma_start3A_37 = arith.constant 0 : i32
      %dma_start3A_38 = arith.constant 0 : i32
      %dma_start3A_39 = tpu.memref_slice %arg3[%arg0, %arg1, %dma_start3A_37, %dma_start3A_38] : memref<2x16x160x128xi32, #tpu.memory_space<hbm>> -> memref<1x1x160x128xi32, #tpu.memory_space<hbm>>
      %dma_start3A_40 = tpu.memref_squeeze %dma_start3A_39 : memref<1x1x160x128xi32, #tpu.memory_space<hbm>> -> memref<160x128xi32, #tpu.memory_space<hbm>>
      %dma_start3A_41 = arith.constant 0 : i32
      %dma_start3A_42 = arith.constant 0 : i32
      %dma_start3A_43 = tpu.memref_slice %arg3[%arg0, %arg1, %dma_start3A_41, %dma_start3A_42] : memref<2x16x160x128xi32, #tpu.memory_space<hbm>> -> memref<1x1x160x128xi32, #tpu.memory_space<hbm>>
      %dma_start3A_44 = tpu.memref_squeeze %dma_start3A_43 : memref<1x1x160x128xi32, #tpu.memory_space<hbm>> -> memref<160x128xi32, #tpu.memory_space<hbm>>
      tpu.enqueue_dma source(%dma_start3A_44 : memref<160x128xi32, #tpu.memory_space<hbm>>) target(%arg7 : memref<160x128xi32, #tpu.memory_space<vmem>>) target_semaphore(%run_scoped3A_36 : memref<!tpu.dma_semaphore, #tpu.memory_space<semaphore_mem>>)
      %dma_wait3A_45 = arith.constant 0 : i32
      %dma_wait3A_46 = arith.constant 0 : i32
      %dma_wait3A_47 = tpu.memref_slice %arg3[%arg0, %arg1, %dma_wait3A_45, %dma_wait3A_46] : memref<2x16x160x128xi32, #tpu.memory_space<hbm>> -> memref<1x1x160x128xi32, #tpu.memory_space<hbm>>
      %dma_wait3A_48 = tpu.memref_squeeze %dma_wait3A_47 : memref<1x1x160x128xi32, #tpu.memory_space<hbm>> -> memref<160x128xi32, #tpu.memory_space<hbm>>
      %dma_wait3A_49 = arith.constant 0 : i32
      %dma_wait3A_50 = arith.constant 0 : i32
      %dma_wait3A_51 = tpu.memref_slice %arg3[%arg0, %arg1, %dma_wait3A_49, %dma_wait3A_50] : memref<2x16x160x128xi32, #tpu.memory_space<hbm>> -> memref<1x1x160x128xi32, #tpu.memory_space<hbm>>
      %dma_wait3A_52 = tpu.memref_squeeze %dma_wait3A_51 : memref<1x1x160x128xi32, #tpu.memory_space<hbm>> -> memref<160x128xi32, #tpu.memory_space<hbm>>
      tpu.wait_dma2 semaphore(%run_scoped3A_36 : memref<!tpu.dma_semaphore, #tpu.memory_space<semaphore_mem>>) src(%dma_wait3A_52 : memref<160x128xi32, #tpu.memory_space<hbm>>) dst(%arg7 : memref<160x128xi32, #tpu.memory_space<vmem>>)
      tpu.yield
    }) : () -> ()
    "tpu.region"() ({
      %run_scoped3A_36 = tpu.sem_alloc : memref<!tpu.dma_semaphore, #tpu.memory_space<semaphore_mem>>
      %dma_start3A_37 = arith.constant 0 : i32
      %dma_start3A_38 = arith.constant 0 : i32
      %dma_start3A_39 = tpu.memref_slice %arg4[%arg1, %dma_start3A_37, %dma_start3A_38] : memref<16x160x128xi32, #tpu.memory_space<hbm>> -> memref<1x160x128xi32, #tpu.memory_space<hbm>>
      %dma_start3A_40 = tpu.memref_squeeze %dma_start3A_39 : memref<1x160x128xi32, #tpu.memory_space<hbm>> -> memref<160x128xi32, #tpu.memory_space<hbm>>
      %dma_start3A_41 = arith.constant 0 : i32
      %dma_start3A_42 = arith.constant 0 : i32
      %dma_start3A_43 = tpu.memref_slice %arg4[%arg1, %dma_start3A_41, %dma_start3A_42] : memref<16x160x128xi32, #tpu.memory_space<hbm>> -> memref<1x160x128xi32, #tpu.memory_space<hbm>>
      %dma_start3A_44 = tpu.memref_squeeze %dma_start3A_43 : memref<1x160x128xi32, #tpu.memory_space<hbm>> -> memref<160x128xi32, #tpu.memory_space<hbm>>
      tpu.enqueue_dma source(%dma_start3A_44 : memref<160x128xi32, #tpu.memory_space<hbm>>) target(%arg8 : memref<160x128xi32, #tpu.memory_space<vmem>>) target_semaphore(%run_scoped3A_36 : memref<!tpu.dma_semaphore, #tpu.memory_space<semaphore_mem>>)
      %dma_wait3A_45 = arith.constant 0 : i32
      %dma_wait3A_46 = arith.constant 0 : i32
      %dma_wait3A_47 = tpu.memref_slice %arg4[%arg1, %dma_wait3A_45, %dma_wait3A_46] : memref<16x160x128xi32, #tpu.memory_space<hbm>> -> memref<1x160x128xi32, #tpu.memory_space<hbm>>
      %dma_wait3A_48 = tpu.memref_squeeze %dma_wait3A_47 : memref<1x160x128xi32, #tpu.memory_space<hbm>> -> memref<160x128xi32, #tpu.memory_space<hbm>>
      %dma_wait3A_49 = arith.constant 0 : i32
      %dma_wait3A_50 = arith.constant 0 : i32
      %dma_wait3A_51 = tpu.memref_slice %arg4[%arg1, %dma_wait3A_49, %dma_wait3A_50] : memref<16x160x128xi32, #tpu.memory_space<hbm>> -> memref<1x160x128xi32, #tpu.memory_space<hbm>>
      %dma_wait3A_52 = tpu.memref_squeeze %dma_wait3A_51 : memref<1x160x128xi32, #tpu.memory_space<hbm>> -> memref<160x128xi32, #tpu.memory_space<hbm>>
      tpu.wait_dma2 semaphore(%run_scoped3A_36 : memref<!tpu.dma_semaphore, #tpu.memory_space<semaphore_mem>>) src(%dma_wait3A_52 : memref<160x128xi32, #tpu.memory_space<hbm>>) dst(%arg8 : memref<160x128xi32, #tpu.memory_space<vmem>>)
      tpu.yield
    }) : () -> ()
    %barrier3A = arith.constant 0 : index
    tpu.barrier barrier_id(%barrier3A)
    %dma_start3A = arith.constant 0 : i32
    %dma_start3A_1 = arith.constant 0 : i32
    %dma_start3A_2 = tpu.memref_slice %arg7[%dma_start3A, %dma_start3A_1] : memref<160x128xi32, #tpu.memory_space<vmem>> -> memref<1x128xi32, #tpu.memory_space<vmem>>
    %dma_start3A_3 = tpu.memref_squeeze %dma_start3A_2 : memref<1x128xi32, #tpu.memory_space<vmem>> -> memref<128xi32, #tpu.memory_space<vmem>>
    %dma_start3A_4 = arith.constant 0 : i32
    %dma_start3A_5 = arith.constant 0 : i32
    %dma_start3A_6 = tpu.memref_slice %arg2[%dma_start3A_4, %dma_start3A_5] : memref<20480x64xf32, #tpu.memory_space<hbm>> -> memref<20480x64xf32, #tpu.memory_space<hbm>>
    tpu.enqueue_indirect_dma source(%dma_start3A_6 : memref<20480x64xf32, #tpu.memory_space<hbm>>) target(%arg9 : memref<128x64xf32, #tpu.memory_space<vmem>>) offsets(%dma_start3A_3 : memref<128xi32, #tpu.memory_space<vmem>>) semaphore(%arg13 : memref<!tpu.dma_semaphore, #tpu.memory_space<semaphore_mem>>)
    %dma_start3A_7 = arith.constant 1 : i32
    %dma_start3A_8 = arith.constant 0 : i32
    %dma_start3A_9 = tpu.memref_slice %arg7[%dma_start3A_7, %dma_start3A_8] : memref<160x128xi32, #tpu.memory_space<vmem>> -> memref<1x128xi32, #tpu.memory_space<vmem>>
    %dma_start3A_10 = tpu.memref_squeeze %dma_start3A_9 : memref<1x128xi32, #tpu.memory_space<vmem>> -> memref<128xi32, #tpu.memory_space<vmem>>
    %dma_start3A_11 = arith.constant 0 : i32
    %dma_start3A_12 = arith.constant 0 : i32
    %dma_start3A_13 = tpu.memref_slice %arg2[%dma_start3A_11, %dma_start3A_12] : memref<20480x64xf32, #tpu.memory_space<hbm>> -> memref<20480x64xf32, #tpu.memory_space<hbm>>
    tpu.enqueue_indirect_dma source(%dma_start3A_13 : memref<20480x64xf32, #tpu.memory_space<hbm>>) target(%arg10 : memref<128x64xf32, #tpu.memory_space<vmem>>) offsets(%dma_start3A_10 : memref<128xi32, #tpu.memory_space<vmem>>) semaphore(%arg14 : memref<!tpu.dma_semaphore, #tpu.memory_space<semaphore_mem>>)
    %dma_start3A_14 = arith.constant 2 : i32
    %dma_start3A_15 = arith.constant 0 : i32
    %dma_start3A_16 = tpu.memref_slice %arg7[%dma_start3A_14, %dma_start3A_15] : memref<160x128xi32, #tpu.memory_space<vmem>> -> memref<1x128xi32, #tpu.memory_space<vmem>>
    %dma_start3A_17 = tpu.memref_squeeze %dma_start3A_16 : memref<1x128xi32, #tpu.memory_space<vmem>> -> memref<128xi32, #tpu.memory_space<vmem>>
    %dma_start3A_18 = arith.constant 0 : i32
    %dma_start3A_19 = arith.constant 0 : i32
    %dma_start3A_20 = tpu.memref_slice %arg2[%dma_start3A_18, %dma_start3A_19] : memref<20480x64xf32, #tpu.memory_space<hbm>> -> memref<20480x64xf32, #tpu.memory_space<hbm>>
    tpu.enqueue_indirect_dma source(%dma_start3A_20 : memref<20480x64xf32, #tpu.memory_space<hbm>>) target(%arg11 : memref<128x64xf32, #tpu.memory_space<vmem>>) offsets(%dma_start3A_17 : memref<128xi32, #tpu.memory_space<vmem>>) semaphore(%arg15 : memref<!tpu.dma_semaphore, #tpu.memory_space<semaphore_mem>>)
    %scan3A = arith.constant 0 : i32
    %scan3A_21 = arith.constant 53 : i32
    %scan3A_22 = arith.addi %scan3A, %scan3A_21 : i32
    %scan3A_23 = arith.constant 1 : i32
    scf.for %scan3A_36 = %scan3A to %scan3A_22 step %scan3A_23  : i32 {
      %mul3A_37 = arith.constant 3 : i32
      %mul3A_38 = arith.muli %mul3A_37, %scan3A_36 : i32
      %dma_wait3A_39 = arith.constant 0 : i32
      %dma_wait3A_40 = tpu.memref_slice %arg7[%mul3A_38, %dma_wait3A_39] : memref<160x128xi32, #tpu.memory_space<vmem>> -> memref<1x128xi32, #tpu.memory_space<vmem>>
      %dma_wait3A_41 = tpu.memref_squeeze %dma_wait3A_40 : memref<1x128xi32, #tpu.memory_space<vmem>> -> memref<128xi32, #tpu.memory_space<vmem>>
      %dma_wait3A_42 = arith.constant 0 : i32
      %dma_wait3A_43 = arith.constant 0 : i32
      %dma_wait3A_44 = tpu.memref_slice %arg2[%dma_wait3A_42, %dma_wait3A_43] : memref<20480x64xf32, #tpu.memory_space<hbm>> -> memref<20480x64xf32, #tpu.memory_space<hbm>>
      tpu.wait_indirect_dma semaphore(%arg13 : memref<!tpu.dma_semaphore, #tpu.memory_space<semaphore_mem>>) src(%dma_wait3A_44 : memref<20480x64xf32, #tpu.memory_space<hbm>>) dst(%arg9 : memref<128x64xf32, #tpu.memory_space<vmem>>)
      "tpu.region"() ({
        %run_scoped3A_78 = tpu.sem_alloc : memref<!tpu.dma_semaphore, #tpu.memory_space<semaphore_mem>>
        %dma_start3A_79 = arith.constant 0 : i32
        %dma_start3A_80 = tpu.memref_slice %arg8[%mul3A_38, %dma_start3A_79] : memref<160x128xi32, #tpu.memory_space<vmem>> -> memref<1x128xi32, #tpu.memory_space<vmem>>
        %dma_start3A_81 = tpu.memref_squeeze %dma_start3A_80 : memref<1x128xi32, #tpu.memory_space<vmem>> -> memref<128xi32, #tpu.memory_space<vmem>>
        %dma_start3A_82 = arith.constant 0 : i32
        %dma_start3A_83 = arith.constant 0 : i32
        %dma_start3A_84 = tpu.memref_slice %arg12[%dma_start3A_82, %dma_start3A_83] : memref<10240x64xf32, #tpu.memory_space<vmem_shared>> -> memref<10240x64xf32, #tpu.memory_space<vmem_shared>>
        tpu.enqueue_indirect_dma source(%arg9 : memref<128x64xf32, #tpu.memory_space<vmem>>) target(%dma_start3A_84 : memref<10240x64xf32, #tpu.memory_space<vmem_shared>>) offsets(%dma_start3A_81 : memref<128xi32, #tpu.memory_space<vmem>>) semaphore(%run_scoped3A_78 : memref<!tpu.dma_semaphore, #tpu.memory_space<semaphore_mem>>) {add = true}
        %dma_wait3A_85 = arith.constant 0 : i32
        %dma_wait3A_86 = tpu.memref_slice %arg8[%mul3A_38, %dma_wait3A_85] : memref<160x128xi32, #tpu.memory_space<vmem>> -> memref<1x128xi32, #tpu.memory_space<vmem>>
        %dma_wait3A_87 = tpu.memref_squeeze %dma_wait3A_86 : memref<1x128xi32, #tpu.memory_space<vmem>> -> memref<128xi32, #tpu.memory_space<vmem>>
        %dma_wait3A_88 = arith.constant 0 : i32
        %dma_wait3A_89 = arith.constant 0 : i32
        %dma_wait3A_90 = tpu.memref_slice %arg12[%dma_wait3A_88, %dma_wait3A_89] : memref<10240x64xf32, #tpu.memory_space<vmem_shared>> -> memref<10240x64xf32, #tpu.memory_space<vmem_shared>>
        tpu.wait_indirect_dma semaphore(%run_scoped3A_78 : memref<!tpu.dma_semaphore, #tpu.memory_space<semaphore_mem>>) src(%arg9 : memref<128x64xf32, #tpu.memory_space<vmem>>) dst(%dma_wait3A_90 : memref<10240x64xf32, #tpu.memory_space<vmem_shared>>)
        tpu.yield
      }) : () -> ()
      %add3A = arith.constant 3 : i32
      %add3A_45 = arith.addi %mul3A_38, %add3A : i32
      %lt3A = arith.constant 160 : i32
      %lt3A_46 = arith.cmpi slt, %add3A_45, %lt3A : i32
      %convert_element_type3A = arith.extui %lt3A_46 : i1 to i32
      %cond3A = arith.constant 0 : i32
      %cond3A_47 = arith.cmpi ne, %convert_element_type3A, %cond3A : i32
      scf.if %cond3A_47 {
        %add3A_78 = arith.constant 3 : i32
        %add3A_79 = arith.addi %mul3A_38, %add3A_78 : i32
        %dma_start3A_80 = arith.constant 0 : i32
        %dma_start3A_81 = tpu.memref_slice %arg7[%add3A_79, %dma_start3A_80] : memref<160x128xi32, #tpu.memory_space<vmem>> -> memref<1x128xi32, #tpu.memory_space<vmem>>
        %dma_start3A_82 = tpu.memref_squeeze %dma_start3A_81 : memref<1x128xi32, #tpu.memory_space<vmem>> -> memref<128xi32, #tpu.memory_space<vmem>>
        %dma_start3A_83 = arith.constant 0 : i32
        %dma_start3A_84 = arith.constant 0 : i32
        %dma_start3A_85 = tpu.memref_slice %arg2[%dma_start3A_83, %dma_start3A_84] : memref<20480x64xf32, #tpu.memory_space<hbm>> -> memref<20480x64xf32, #tpu.memory_space<hbm>>
        tpu.enqueue_indirect_dma source(%dma_start3A_85 : memref<20480x64xf32, #tpu.memory_space<hbm>>) target(%arg9 : memref<128x64xf32, #tpu.memory_space<vmem>>) offsets(%dma_start3A_82 : memref<128xi32, #tpu.memory_space<vmem>>) semaphore(%arg13 : memref<!tpu.dma_semaphore, #tpu.memory_space<semaphore_mem>>)
      } else {
      }
      %add3A_48 = arith.constant 1 : i32
      %add3A_49 = arith.addi %mul3A_38, %add3A_48 : i32
      %dma_wait3A_50 = arith.constant 0 : i32
      %dma_wait3A_51 = tpu.memref_slice %arg7[%add3A_49, %dma_wait3A_50] : memref<160x128xi32, #tpu.memory_space<vmem>> -> memref<1x128xi32, #tpu.memory_space<vmem>>
      %dma_wait3A_52 = tpu.memref_squeeze %dma_wait3A_51 : memref<1x128xi32, #tpu.memory_space<vmem>> -> memref<128xi32, #tpu.memory_space<vmem>>
      %dma_wait3A_53 = arith.constant 0 : i32
      %dma_wait3A_54 = arith.constant 0 : i32
      %dma_wait3A_55 = tpu.memref_slice %arg2[%dma_wait3A_53, %dma_wait3A_54] : memref<20480x64xf32, #tpu.memory_space<hbm>> -> memref<20480x64xf32, #tpu.memory_space<hbm>>
      tpu.wait_indirect_dma semaphore(%arg14 : memref<!tpu.dma_semaphore, #tpu.memory_space<semaphore_mem>>) src(%dma_wait3A_55 : memref<20480x64xf32, #tpu.memory_space<hbm>>) dst(%arg10 : memref<128x64xf32, #tpu.memory_space<vmem>>)
      "tpu.region"() ({
        %run_scoped3A_78 = tpu.sem_alloc : memref<!tpu.dma_semaphore, #tpu.memory_space<semaphore_mem>>
        %dma_start3A_79 = arith.constant 0 : i32
        %dma_start3A_80 = tpu.memref_slice %arg8[%add3A_49, %dma_start3A_79] : memref<160x128xi32, #tpu.memory_space<vmem>> -> memref<1x128xi32, #tpu.memory_space<vmem>>
        %dma_start3A_81 = tpu.memref_squeeze %dma_start3A_80 : memref<1x128xi32, #tpu.memory_space<vmem>> -> memref<128xi32, #tpu.memory_space<vmem>>
        %dma_start3A_82 = arith.constant 0 : i32
        %dma_start3A_83 = arith.constant 0 : i32
        %dma_start3A_84 = tpu.memref_slice %arg12[%dma_start3A_82, %dma_start3A_83] : memref<10240x64xf32, #tpu.memory_space<vmem_shared>> -> memref<10240x64xf32, #tpu.memory_space<vmem_shared>>
        tpu.enqueue_indirect_dma source(%arg10 : memref<128x64xf32, #tpu.memory_space<vmem>>) target(%dma_start3A_84 : memref<10240x64xf32, #tpu.memory_space<vmem_shared>>) offsets(%dma_start3A_81 : memref<128xi32, #tpu.memory_space<vmem>>) semaphore(%run_scoped3A_78 : memref<!tpu.dma_semaphore, #tpu.memory_space<semaphore_mem>>) {add = true}
        %dma_wait3A_85 = arith.constant 0 : i32
        %dma_wait3A_86 = tpu.memref_slice %arg8[%add3A_49, %dma_wait3A_85] : memref<160x128xi32, #tpu.memory_space<vmem>> -> memref<1x128xi32, #tpu.memory_space<vmem>>
        %dma_wait3A_87 = tpu.memref_squeeze %dma_wait3A_86 : memref<1x128xi32, #tpu.memory_space<vmem>> -> memref<128xi32, #tpu.memory_space<vmem>>
        %dma_wait3A_88 = arith.constant 0 : i32
        %dma_wait3A_89 = arith.constant 0 : i32
        %dma_wait3A_90 = tpu.memref_slice %arg12[%dma_wait3A_88, %dma_wait3A_89] : memref<10240x64xf32, #tpu.memory_space<vmem_shared>> -> memref<10240x64xf32, #tpu.memory_space<vmem_shared>>
        tpu.wait_indirect_dma semaphore(%run_scoped3A_78 : memref<!tpu.dma_semaphore, #tpu.memory_space<semaphore_mem>>) src(%arg10 : memref<128x64xf32, #tpu.memory_space<vmem>>) dst(%dma_wait3A_90 : memref<10240x64xf32, #tpu.memory_space<vmem_shared>>)
        tpu.yield
      }) : () -> ()
      %add3A_56 = arith.constant 3 : i32
      %add3A_57 = arith.addi %add3A_49, %add3A_56 : i32
      %lt3A_58 = arith.constant 160 : i32
      %lt3A_59 = arith.cmpi slt, %add3A_57, %lt3A_58 : i32
      %convert_element_type3A_60 = arith.extui %lt3A_59 : i1 to i32
      %cond3A_61 = arith.constant 0 : i32
      %cond3A_62 = arith.cmpi ne, %convert_element_type3A_60, %cond3A_61 : i32
      scf.if %cond3A_62 {
        %add3A_78 = arith.constant 3 : i32
        %add3A_79 = arith.addi %add3A_49, %add3A_78 : i32
        %dma_start3A_80 = arith.constant 0 : i32
        %dma_start3A_81 = tpu.memref_slice %arg7[%add3A_79, %dma_start3A_80] : memref<160x128xi32, #tpu.memory_space<vmem>> -> memref<1x128xi32, #tpu.memory_space<vmem>>
        %dma_start3A_82 = tpu.memref_squeeze %dma_start3A_81 : memref<1x128xi32, #tpu.memory_space<vmem>> -> memref<128xi32, #tpu.memory_space<vmem>>
        %dma_start3A_83 = arith.constant 0 : i32
        %dma_start3A_84 = arith.constant 0 : i32
        %dma_start3A_85 = tpu.memref_slice %arg2[%dma_start3A_83, %dma_start3A_84] : memref<20480x64xf32, #tpu.memory_space<hbm>> -> memref<20480x64xf32, #tpu.memory_space<hbm>>
        tpu.enqueue_indirect_dma source(%dma_start3A_85 : memref<20480x64xf32, #tpu.memory_space<hbm>>) target(%arg10 : memref<128x64xf32, #tpu.memory_space<vmem>>) offsets(%dma_start3A_82 : memref<128xi32, #tpu.memory_space<vmem>>) semaphore(%arg14 : memref<!tpu.dma_semaphore, #tpu.memory_space<semaphore_mem>>)
      } else {
      }
      %add3A_63 = arith.constant 2 : i32
      %add3A_64 = arith.addi %mul3A_38, %add3A_63 : i32
      %dma_wait3A_65 = arith.constant 0 : i32
      %dma_wait3A_66 = tpu.memref_slice %arg7[%add3A_64, %dma_wait3A_65] : memref<160x128xi32, #tpu.memory_space<vmem>> -> memref<1x128xi32, #tpu.memory_space<vmem>>
      %dma_wait3A_67 = tpu.memref_squeeze %dma_wait3A_66 : memref<1x128xi32, #tpu.memory_space<vmem>> -> memref<128xi32, #tpu.memory_space<vmem>>
      %dma_wait3A_68 = arith.constant 0 : i32
      %dma_wait3A_69 = arith.constant 0 : i32
      %dma_wait3A_70 = tpu.memref_slice %arg2[%dma_wait3A_68, %dma_wait3A_69] : memref<20480x64xf32, #tpu.memory_space<hbm>> -> memref<20480x64xf32, #tpu.memory_space<hbm>>
      tpu.wait_indirect_dma semaphore(%arg15 : memref<!tpu.dma_semaphore, #tpu.memory_space<semaphore_mem>>) src(%dma_wait3A_70 : memref<20480x64xf32, #tpu.memory_space<hbm>>) dst(%arg11 : memref<128x64xf32, #tpu.memory_space<vmem>>)
      "tpu.region"() ({
        %run_scoped3A_78 = tpu.sem_alloc : memref<!tpu.dma_semaphore, #tpu.memory_space<semaphore_mem>>
        %dma_start3A_79 = arith.constant 0 : i32
        %dma_start3A_80 = tpu.memref_slice %arg8[%add3A_64, %dma_start3A_79] : memref<160x128xi32, #tpu.memory_space<vmem>> -> memref<1x128xi32, #tpu.memory_space<vmem>>
        %dma_start3A_81 = tpu.memref_squeeze %dma_start3A_80 : memref<1x128xi32, #tpu.memory_space<vmem>> -> memref<128xi32, #tpu.memory_space<vmem>>
        %dma_start3A_82 = arith.constant 0 : i32
        %dma_start3A_83 = arith.constant 0 : i32
        %dma_start3A_84 = tpu.memref_slice %arg12[%dma_start3A_82, %dma_start3A_83] : memref<10240x64xf32, #tpu.memory_space<vmem_shared>> -> memref<10240x64xf32, #tpu.memory_space<vmem_shared>>
        tpu.enqueue_indirect_dma source(%arg11 : memref<128x64xf32, #tpu.memory_space<vmem>>) target(%dma_start3A_84 : memref<10240x64xf32, #tpu.memory_space<vmem_shared>>) offsets(%dma_start3A_81 : memref<128xi32, #tpu.memory_space<vmem>>) semaphore(%run_scoped3A_78 : memref<!tpu.dma_semaphore, #tpu.memory_space<semaphore_mem>>) {add = true}
        %dma_wait3A_85 = arith.constant 0 : i32
        %dma_wait3A_86 = tpu.memref_slice %arg8[%add3A_64, %dma_wait3A_85] : memref<160x128xi32, #tpu.memory_space<vmem>> -> memref<1x128xi32, #tpu.memory_space<vmem>>
        %dma_wait3A_87 = tpu.memref_squeeze %dma_wait3A_86 : memref<1x128xi32, #tpu.memory_space<vmem>> -> memref<128xi32, #tpu.memory_space<vmem>>
        %dma_wait3A_88 = arith.constant 0 : i32
        %dma_wait3A_89 = arith.constant 0 : i32
        %dma_wait3A_90 = tpu.memref_slice %arg12[%dma_wait3A_88, %dma_wait3A_89] : memref<10240x64xf32, #tpu.memory_space<vmem_shared>> -> memref<10240x64xf32, #tpu.memory_space<vmem_shared>>
        tpu.wait_indirect_dma semaphore(%run_scoped3A_78 : memref<!tpu.dma_semaphore, #tpu.memory_space<semaphore_mem>>) src(%arg11 : memref<128x64xf32, #tpu.memory_space<vmem>>) dst(%dma_wait3A_90 : memref<10240x64xf32, #tpu.memory_space<vmem_shared>>)
        tpu.yield
      }) : () -> ()
      %add3A_71 = arith.constant 3 : i32
      %add3A_72 = arith.addi %add3A_64, %add3A_71 : i32
      %lt3A_73 = arith.constant 160 : i32
      %lt3A_74 = arith.cmpi slt, %add3A_72, %lt3A_73 : i32
      %convert_element_type3A_75 = arith.extui %lt3A_74 : i1 to i32
      %cond3A_76 = arith.constant 0 : i32
      %cond3A_77 = arith.cmpi ne, %convert_element_type3A_75, %cond3A_76 : i32
      scf.if %cond3A_77 {
        %add3A_78 = arith.constant 3 : i32
        %add3A_79 = arith.addi %add3A_64, %add3A_78 : i32
        %dma_start3A_80 = arith.constant 0 : i32
        %dma_start3A_81 = tpu.memref_slice %arg7[%add3A_79, %dma_start3A_80] : memref<160x128xi32, #tpu.memory_space<vmem>> -> memref<1x128xi32, #tpu.memory_space<vmem>>
        %dma_start3A_82 = tpu.memref_squeeze %dma_start3A_81 : memref<1x128xi32, #tpu.memory_space<vmem>> -> memref<128xi32, #tpu.memory_space<vmem>>
        %dma_start3A_83 = arith.constant 0 : i32
        %dma_start3A_84 = arith.constant 0 : i32
        %dma_start3A_85 = tpu.memref_slice %arg2[%dma_start3A_83, %dma_start3A_84] : memref<20480x64xf32, #tpu.memory_space<hbm>> -> memref<20480x64xf32, #tpu.memory_space<hbm>>
        tpu.enqueue_indirect_dma source(%dma_start3A_85 : memref<20480x64xf32, #tpu.memory_space<hbm>>) target(%arg11 : memref<128x64xf32, #tpu.memory_space<vmem>>) offsets(%dma_start3A_82 : memref<128xi32, #tpu.memory_space<vmem>>) semaphore(%arg15 : memref<!tpu.dma_semaphore, #tpu.memory_space<semaphore_mem>>)
      } else {
      }
    }
    %scan3A_24 = arith.constant 53 : i32
    %dma_wait3A = arith.constant 159 : i32
    %dma_wait3A_25 = arith.constant 0 : i32
    %dma_wait3A_26 = tpu.memref_slice %arg7[%dma_wait3A, %dma_wait3A_25] : memref<160x128xi32, #tpu.memory_space<vmem>> -> memref<1x128xi32, #tpu.memory_space<vmem>>
    %dma_wait3A_27 = tpu.memref_squeeze %dma_wait3A_26 : memref<1x128xi32, #tpu.memory_space<vmem>> -> memref<128xi32, #tpu.memory_space<vmem>>
    %dma_wait3A_28 = arith.constant 0 : i32
    %dma_wait3A_29 = arith.constant 0 : i32
    %dma_wait3A_30 = tpu.memref_slice %arg2[%dma_wait3A_28, %dma_wait3A_29] : memref<20480x64xf32, #tpu.memory_space<hbm>> -> memref<20480x64xf32, #tpu.memory_space<hbm>>
    tpu.wait_indirect_dma semaphore(%arg13 : memref<!tpu.dma_semaphore, #tpu.memory_space<semaphore_mem>>) src(%dma_wait3A_30 : memref<20480x64xf32, #tpu.memory_space<hbm>>) dst(%arg9 : memref<128x64xf32, #tpu.memory_space<vmem>>)
    %run_scoped3A = arith.constant 159 : i32
    "tpu.region"() ({
      %run_scoped3A_36 = tpu.sem_alloc : memref<!tpu.dma_semaphore, #tpu.memory_space<semaphore_mem>>
      %dma_start3A_37 = arith.constant 0 : i32
      %dma_start3A_38 = tpu.memref_slice %arg8[%run_scoped3A, %dma_start3A_37] : memref<160x128xi32, #tpu.memory_space<vmem>> -> memref<1x128xi32, #tpu.memory_space<vmem>>
      %dma_start3A_39 = tpu.memref_squeeze %dma_start3A_38 : memref<1x128xi32, #tpu.memory_space<vmem>> -> memref<128xi32, #tpu.memory_space<vmem>>
      %dma_start3A_40 = arith.constant 0 : i32
      %dma_start3A_41 = arith.constant 0 : i32
      %dma_start3A_42 = tpu.memref_slice %arg12[%dma_start3A_40, %dma_start3A_41] : memref<10240x64xf32, #tpu.memory_space<vmem_shared>> -> memref<10240x64xf32, #tpu.memory_space<vmem_shared>>
      tpu.enqueue_indirect_dma source(%arg9 : memref<128x64xf32, #tpu.memory_space<vmem>>) target(%dma_start3A_42 : memref<10240x64xf32, #tpu.memory_space<vmem_shared>>) offsets(%dma_start3A_39 : memref<128xi32, #tpu.memory_space<vmem>>) semaphore(%run_scoped3A_36 : memref<!tpu.dma_semaphore, #tpu.memory_space<semaphore_mem>>) {add = true}
      %dma_wait3A_43 = arith.constant 0 : i32
      %dma_wait3A_44 = tpu.memref_slice %arg8[%run_scoped3A, %dma_wait3A_43] : memref<160x128xi32, #tpu.memory_space<vmem>> -> memref<1x128xi32, #tpu.memory_space<vmem>>
      %dma_wait3A_45 = tpu.memref_squeeze %dma_wait3A_44 : memref<1x128xi32, #tpu.memory_space<vmem>> -> memref<128xi32, #tpu.memory_space<vmem>>
      %dma_wait3A_46 = arith.constant 0 : i32
      %dma_wait3A_47 = arith.constant 0 : i32
      %dma_wait3A_48 = tpu.memref_slice %arg12[%dma_wait3A_46, %dma_wait3A_47] : memref<10240x64xf32, #tpu.memory_space<vmem_shared>> -> memref<10240x64xf32, #tpu.memory_space<vmem_shared>>
      tpu.wait_indirect_dma semaphore(%run_scoped3A_36 : memref<!tpu.dma_semaphore, #tpu.memory_space<semaphore_mem>>) src(%arg9 : memref<128x64xf32, #tpu.memory_space<vmem>>) dst(%dma_wait3A_48 : memref<10240x64xf32, #tpu.memory_space<vmem_shared>>)
      tpu.yield
    }) : () -> ()
    %barrier3A_31 = arith.constant 0 : index
    tpu.barrier barrier_id(%barrier3A_31)
    %mul3A_32 = arith.constant 640 : i32
    %mul3A_33 = arith.muli %arg1, %mul3A_32 : i32
    %mul3A_34 = arith.constant 640 : i32
    %mul3A_35 = arith.muli %arg1, %mul3A_34 : i32
    "tpu.region"() ({
      %run_scoped3A_36 = tpu.sem_alloc : memref<!tpu.dma_semaphore, #tpu.memory_space<semaphore_mem>>
      %dma_start3A_37 = arith.constant 0 : i32
      %dma_start3A_38 = tpu.memref_slice %arg6[%arg0, %mul3A_35, %dma_start3A_37] : memref<2x10240x64xf32, #tpu.memory_space<hbm>> -> memref<1x640x64xf32, #tpu.memory_space<hbm>>
      %dma_start3A_39 = tpu.memref_squeeze %dma_start3A_38 : memref<1x640x64xf32, #tpu.memory_space<hbm>> -> memref<640x64xf32, #tpu.memory_space<hbm>>
      %dma_start3A_40 = arith.constant 0 : i32
      %dma_start3A_41 = tpu.memref_slice %arg12[%mul3A_33, %dma_start3A_40] : memref<10240x64xf32, #tpu.memory_space<vmem_shared>> -> memref<640x64xf32, #tpu.memory_space<vmem_shared>>
      tpu.enqueue_dma source(%dma_start3A_41 : memref<640x64xf32, #tpu.memory_space<vmem_shared>>) target(%dma_start3A_39 : memref<640x64xf32, #tpu.memory_space<hbm>>) target_semaphore(%run_scoped3A_36 : memref<!tpu.dma_semaphore, #tpu.memory_space<semaphore_mem>>)
      %dma_wait3A_42 = arith.constant 0 : i32
      %dma_wait3A_43 = tpu.memref_slice %arg6[%arg0, %mul3A_35, %dma_wait3A_42] : memref<2x10240x64xf32, #tpu.memory_space<hbm>> -> memref<1x640x64xf32, #tpu.memory_space<hbm>>
      %dma_wait3A_44 = tpu.memref_squeeze %dma_wait3A_43 : memref<1x640x64xf32, #tpu.memory_space<hbm>> -> memref<640x64xf32, #tpu.memory_space<hbm>>
      %dma_wait3A_45 = arith.constant 0 : i32
      %dma_wait3A_46 = tpu.memref_slice %arg12[%mul3A_33, %dma_wait3A_45] : memref<10240x64xf32, #tpu.memory_space<vmem_shared>> -> memref<640x64xf32, #tpu.memory_space<vmem_shared>>
      tpu.wait_dma2 semaphore(%run_scoped3A_36 : memref<!tpu.dma_semaphore, #tpu.memory_space<semaphore_mem>>) src(%dma_wait3A_46 : memref<640x64xf32, #tpu.memory_space<vmem_shared>>) dst(%dma_wait3A_44 : memref<640x64xf32, #tpu.memory_space<hbm>>)
      tpu.yield
    }) : () -> ()
    return
  }
}

module attributes {stable_mosaic.version = 14 : i64} {
  func.func @_dinv_body(%arg0: memref<32x80x128xf32, #tpu.memory_space<vmem>>, %arg1: memref<80x128xf32, #tpu.memory_space<vmem>>) attributes {dimension_semantics = [], scalar_prefetch = 0 : i64, scratch_operands = 0 : i64, tpu.core_type = #tpu.core_type<tc>} {
    %get3A = arith.constant 0 : index
    %get3A_0 = arith.constant 0 : index
    %get3A_1 = arith.constant 0 : index
    %get3A_2 = vector.load %arg0[%get3A, %get3A_0, %get3A_1] : memref<32x80x128xf32, #tpu.memory_space<vmem>>, vector<32x80x128xf32>
    %reduce_sum3A = arith.constant dense<0.000000e+00> : vector<80x128xf32>
    %reduce_sum3A_3 = vector.multi_reduction <add>, %get3A_2, %reduce_sum3A [0] : vector<32x80x128xf32> to vector<80x128xf32>
    %add3A = arith.constant 1.000000e+00 : f32
    %add3A_4 = vector.broadcast %add3A : f32 to vector<80x128xf32>
    %add3A_5 = arith.addf %reduce_sum3A_3, %add3A_4 : vector<80x128xf32>
    %rsqrt3A = math.rsqrt %add3A_5 : vector<80x128xf32>
    %iota3A = tpu.iota {dimensions = array<i32: 0>} : vector<80x128xi32>
    %iota3A_6 = tpu.iota {dimensions = array<i32: 1>} : vector<80x128xi32>
    %mul3A = arith.constant 128 : i32
    %mul3A_7 = vector.broadcast %mul3A : i32 to vector<80x128xi32>
    %mul3A_8 = arith.muli %iota3A, %mul3A_7 : vector<80x128xi32>
    %add3A_9 = arith.addi %mul3A_8, %iota3A_6 : vector<80x128xi32>
    %lt3A = arith.constant 10000 : i32
    %lt3A_10 = vector.broadcast %lt3A : i32 to vector<80x128xi32>
    %lt3A_11 = arith.cmpi slt, %add3A_9, %lt3A_10 : vector<80x128xi32>
    %jit3A = arith.constant 0.000000e+00 : f32
    %broadcast_in_dim3A = vector.broadcast %jit3A : f32 to vector<80x128xf32>
    %select_n3A = arith.select %lt3A_11, %rsqrt3A, %broadcast_in_dim3A : vector<80x128xi1>, vector<80x128xf32>
    %swap3A = arith.constant 0 : index
    %swap3A_12 = arith.constant 0 : index
    %swap3A_13 = vector.load %arg1[%swap3A, %swap3A_12] : memref<80x128xf32, #tpu.memory_space<vmem>>, vector<80x128xf32>
    tpu.vector_store %arg1[%swap3A, %swap3A_12], %select_n3A {strides = array<i32>} : memref<80x128xf32, #tpu.memory_space<vmem>>, vector<80x128xf32>,
    return
  }
}

module attributes {stable_mosaic.version = 14 : i64} {
  func.func @_mm_body(%arg0: i32, %arg1: memref<2048x128xf32, #tpu.memory_space<vmem>>, %arg2: memref<128x128xf32, #tpu.memory_space<vmem>>, %arg3: memref<2048x1xf32, #tpu.memory_space<vmem>>, %arg4: memref<2048x128xf32, #tpu.memory_space<vmem>>) attributes {dimension_semantics = [#tpu.dimension_semantics<arbitrary>], iteration_bounds = array<i64: 5>, scalar_prefetch = 0 : i64, scratch_operands = 0 : i64, tpu.core_type = #tpu.core_type<tc>, window_params = [{transform_indices = @transform_0, window_bounds = array<i64: 2048, 128>}, {pipeline_mode = #tpu.pipeline_mode<synchronous>, transform_indices = @transform_1, window_bounds = array<i64: 128, 128>}, {transform_indices = @transform_2, window_bounds = array<i64: 2048, 1>}, {transform_indices = @transform_3, window_bounds = array<i64: 2048, 128>}]} {
    %get3A = arith.constant 0 : index
    %get3A_0 = arith.constant 0 : index
    %get3A_1 = vector.load %arg1[%get3A, %get3A_0] : memref<2048x128xf32, #tpu.memory_space<vmem>>, vector<2048x128xf32>
    %get3A_2 = arith.constant 0 : index
    %get3A_3 = arith.constant 0 : index
    %get3A_4 = vector.load %arg2[%get3A_2, %get3A_3] : memref<128x128xf32, #tpu.memory_space<vmem>>, vector<128x128xf32>
    %dot_general3A = arith.constant dense<0.000000e+00> : vector<2048x128xf32>
    %dot_general3A_5 = tpu.matmul %get3A_1, %get3A_4, %dot_general3A {dimension_numbers = #tpu.dot_dimension_numbers<[1], [0], [0], [1], [0, 0, 1, 1], [], []>, transpose_lhs_hint = false} : vector<2048x128xf32>, vector<128x128xf32>, vector<2048x128xf32> -> vector<2048x128xf32>
    %iota3A = tpu.iota {dimensions = array<i32: 0>} : vector<2048x1xi32>
    %mul3A = arith.constant 2048 : i32
    %mul3A_6 = arith.muli %arg0, %mul3A : i32
    %add3A = vector.broadcast %mul3A_6 : i32 to vector<2048x1xi32>
    %add3A_7 = arith.addi %iota3A, %add3A : vector<2048x1xi32>
    %lt3A = arith.constant 10000 : i32
    %lt3A_8 = vector.broadcast %lt3A : i32 to vector<2048x1xi32>
    %lt3A_9 = arith.cmpi slt, %add3A_7, %lt3A_8 : vector<2048x1xi32>
    %get3A_10 = arith.constant 0 : index
    %get3A_11 = arith.constant 0 : index
    %get3A_12 = vector.load %arg3[%get3A_10, %get3A_11] : memref<2048x1xf32, #tpu.memory_space<vmem>>, vector<2048x1xf32>
    %mul3A_13 = vector.broadcast %get3A_12 : vector<2048x1xf32> to vector<2048x128xf32>
    %mul3A_14 = arith.mulf %dot_general3A_5, %mul3A_13 : vector<2048x128xf32>
    %jit3A = arith.constant 0.000000e+00 : f32
    %broadcast_in_dim3A = vector.shape_cast %lt3A_9 : vector<2048x1xi1> to vector<2048x1xi1>
    %broadcast_in_dim3A_15 = vector.broadcast %broadcast_in_dim3A : vector<2048x1xi1> to vector<2048x128xi1>
    %broadcast_in_dim3A_16 = vector.broadcast %jit3A : f32 to vector<2048x128xf32>
    %select_n3A = arith.select %broadcast_in_dim3A_15, %mul3A_14, %broadcast_in_dim3A_16 : vector<2048x128xi1>, vector<2048x128xf32>
    %swap3A = arith.constant 0 : index
    %swap3A_17 = arith.constant 0 : index
    %swap3A_18 = vector.load %arg4[%swap3A, %swap3A_17] : memref<2048x128xf32, #tpu.memory_space<vmem>>, vector<2048x128xf32>
    tpu.vector_store %arg4[%swap3A, %swap3A_17], %select_n3A {strides = array<i32>} : memref<2048x128xf32, #tpu.memory_space<vmem>>, vector<2048x128xf32>,
    return
  }
  func.func @transform_0(%arg0: i32) -> (i32, i32) {
    %c0_i32 = arith.constant 0 : i32
    %c0_i32_0 = arith.constant 0 : i32
    return %arg0, %c0_i32 : i32, i32
  }
  func.func @transform_1(%arg0: i32) -> (i32, i32) {
    %c0_i32 = arith.constant 0 : i32
    %c0_i32_0 = arith.constant 0 : i32
    %c0_i32_1 = arith.constant 0 : i32
    return %c0_i32, %c0_i32_0 : i32, i32
  }
  func.func @transform_2(%arg0: i32) -> (i32, i32) {
    %c0_i32 = arith.constant 0 : i32
    %c0_i32_0 = arith.constant 0 : i32
    return %arg0, %c0_i32 : i32, i32
  }
  func.func @transform_3(%arg0: i32) -> (i32, i32) {
    %c0_i32 = arith.constant 0 : i32
    %c0_i32_0 = arith.constant 0 : i32
    return %arg0, %c0_i32 : i32, i32
  }
}

module attributes {stable_mosaic.version = 14 : i64} {
  func.func @_layer_body(%arg0: i32, %arg1: i32, %arg2: memref<2x2048x64xf32, #tpu.memory_space<vmem>>, %arg3: memref<2048x128xf32, #tpu.memory_space<vmem>>, %arg4: memref<2048x1xf32, #tpu.memory_space<vmem>>, %arg5: memref<1x128xf32, #tpu.memory_space<vmem>>, %arg6: memref<1x128xf32, #tpu.memory_space<vmem>>, %arg7: memref<128x128xf32, #tpu.memory_space<vmem>>, %arg8: memref<2048x128xf32, #tpu.memory_space<vmem>>, %arg9: memref<10240x128xf32, #tpu.memory_space<vmem>>, %arg10: memref<8x128xf32, #tpu.memory_space<vmem>>) attributes {dimension_semantics = [#tpu.dimension_semantics<arbitrary>, #tpu.dimension_semantics<arbitrary>], iteration_bounds = array<i64: 2, 5>, scalar_prefetch = 0 : i64, scratch_operands = 2 : i64, tpu.core_type = #tpu.core_type<tc>, window_params = [{transform_indices = @transform_0, window_bounds = array<i64: 2, 2048, 64>}, {transform_indices = @transform_1, window_bounds = array<i64: 2048, 128>}, {transform_indices = @transform_2, window_bounds = array<i64: 2048, 1>}, {pipeline_mode = #tpu.pipeline_mode<synchronous>, transform_indices = @transform_3, window_bounds = array<i64: 1, 128>}, {pipeline_mode = #tpu.pipeline_mode<synchronous>, transform_indices = @transform_4, window_bounds = array<i64: 1, 128>}, {pipeline_mode = #tpu.pipeline_mode<synchronous>, transform_indices = @transform_5, window_bounds = array<i64: 128, 128>}, {transform_indices = @transform_6, window_bounds = array<i64: 2048, 128>}]} {
    %eq3A = arith.constant 0 : i32
    %eq3A_0 = arith.cmpi eq, %arg0, %eq3A : i32
    %convert_element_type3A = arith.extui %eq3A_0 : i1 to i32
    %cond3A = arith.constant 0 : i32
    %cond3A_1 = arith.cmpi ne, %convert_element_type3A, %cond3A : i32
    scf.if %cond3A_1 {
      %get3A = arith.constant 0 : index
      %get3A_7 = arith.constant 0 : index
      %get3A_8 = arith.constant 0 : index
      %get3A_9 = vector.load %arg2[%get3A, %get3A_7, %get3A_8] : memref<2x2048x64xf32, #tpu.memory_space<vmem>>, vector<1x2048x64xf32>
      %get3A_10 = vector.shape_cast %get3A_9 : vector<1x2048x64xf32> to vector<2048x64xf32>
      %get3A_11 = arith.constant 1 : index
      %get3A_12 = arith.constant 0 : index
      %get3A_13 = arith.constant 0 : index
      %get3A_14 = vector.load %arg2[%get3A_11, %get3A_12, %get3A_13] : memref<2x2048x64xf32, #tpu.memory_space<vmem>>, vector<1x2048x64xf32>
      %get3A_15 = vector.shape_cast %get3A_14 : vector<1x2048x64xf32> to vector<2048x64xf32>
      %concatenate3A = tpu.concatenate %get3A_10, %get3A_15 in 1 : vector<2048x64xf32>, vector<2048x64xf32> -> vector<2048x128xf32>
      %get3A_16 = arith.constant 0 : index
      %get3A_17 = arith.constant 0 : index
      %get3A_18 = vector.load %arg3[%get3A_16, %get3A_17] : memref<2048x128xf32, #tpu.memory_space<vmem>>, vector<2048x128xf32>
      %add3A = arith.addf %concatenate3A, %get3A_18 : vector<2048x128xf32>
      %get3A_19 = arith.constant 0 : index
      %get3A_20 = arith.constant 0 : index
      %get3A_21 = vector.load %arg4[%get3A_19, %get3A_20] : memref<2048x1xf32, #tpu.memory_space<vmem>>, vector<2048x1xf32>
      %mul3A = vector.broadcast %get3A_21 : vector<2048x1xf32> to vector<2048x128xf32>
      %mul3A_22 = arith.mulf %add3A, %mul3A : vector<2048x128xf32>
      %mul3A_23 = arith.constant 2048 : i32
      %mul3A_24 = arith.muli %arg1, %mul3A_23 : i32
      %swap3A = arith.index_cast %mul3A_24 : i32 to index
      %swap3A_25 = arith.constant 0 : index
      %swap3A_26 = vector.load %arg9[%swap3A, %swap3A_25] : memref<10240x128xf32, #tpu.memory_space<vmem>>, vector<2048x128xf32>
      tpu.vector_store %arg9[%swap3A, %swap3A_25], %mul3A_22 {strides = array<i32>} : memref<10240x128xf32, #tpu.memory_space<vmem>>, vector<2048x128xf32>,
      %eq3A_27 = arith.constant 0 : i32
      %eq3A_28 = arith.cmpi eq, %arg1, %eq3A_27 : i32
      %convert_element_type3A_29 = arith.extui %eq3A_28 : i1 to i32
      %cond3A_30 = arith.constant 0 : i32
      %cond3A_31 = arith.cmpi ne, %convert_element_type3A_29, %cond3A_30 : i32
      scf.if %cond3A_31 {
        %broadcast_in_dim3A_51 = arith.constant 0.000000e+00 : f32
        %broadcast_in_dim3A_52 = vector.broadcast %broadcast_in_dim3A_51 : f32 to vector<8x128xf32>
        %swap3A_53 = arith.constant 0 : index
        %swap3A_54 = arith.constant 0 : index
        %swap3A_55 = vector.load %arg10[%swap3A_53, %swap3A_54] : memref<8x128xf32, #tpu.memory_space<vmem>>, vector<8x128xf32>
        tpu.vector_store %arg10[%swap3A_53, %swap3A_54], %broadcast_in_dim3A_52 {strides = array<i32>} : memref<8x128xf32, #tpu.memory_space<vmem>>, vector<8x128xf32>,
      } else {
      }
      %get3A_32 = arith.constant 0 : index
      %get3A_33 = arith.constant 0 : index
      %get3A_34 = vector.load %arg10[%get3A_32, %get3A_33] : memref<8x128xf32, #tpu.memory_space<vmem>>, vector<1x128xf32>
      %reduce_sum3A = arith.constant dense<0.000000e+00> : vector<128xf32>
      %reduce_sum3A_35 = vector.multi_reduction <add>, %mul3A_22, %reduce_sum3A [0] : vector<2048x128xf32> to vector<128xf32>
      %broadcast_in_dim3A = vector.shape_cast %reduce_sum3A_35 : vector<128xf32> to vector<1x128xf32>
      %add3A_36 = arith.addf %get3A_34, %broadcast_in_dim3A : vector<1x128xf32>
      %swap3A_37 = arith.constant 0 : index
      %swap3A_38 = arith.constant 0 : index
      %swap3A_39 = vector.load %arg10[%swap3A_37, %swap3A_38] : memref<8x128xf32, #tpu.memory_space<vmem>>, vector<1x128xf32>
      tpu.vector_store %arg10[%swap3A_37, %swap3A_38], %add3A_36 {strides = array<i32>} : memref<8x128xf32, #tpu.memory_space<vmem>>, vector<1x128xf32>,
      %get3A_40 = arith.constant 1 : index
      %get3A_41 = arith.constant 0 : index
      %get3A_42 = vector.load %arg10[%get3A_40, %get3A_41] : memref<8x128xf32, #tpu.memory_space<vmem>>, vector<1x128xf32>
      %mul3A_43 = arith.mulf %mul3A_22, %mul3A_22 : vector<2048x128xf32>
      %reduce_sum3A_44 = arith.constant dense<0.000000e+00> : vector<128xf32>
      %reduce_sum3A_45 = vector.multi_reduction <add>, %mul3A_43, %reduce_sum3A_44 [0] : vector<2048x128xf32> to vector<128xf32>
      %broadcast_in_dim3A_46 = vector.shape_cast %reduce_sum3A_45 : vector<128xf32> to vector<1x128xf32>
      %add3A_47 = arith.addf %get3A_42, %broadcast_in_dim3A_46 : vector<1x128xf32>
      %swap3A_48 = arith.constant 1 : index
      %swap3A_49 = arith.constant 0 : index
      %swap3A_50 = vector.load %arg10[%swap3A_48, %swap3A_49] : memref<8x128xf32, #tpu.memory_space<vmem>>, vector<1x128xf32>
      tpu.vector_store %arg10[%swap3A_48, %swap3A_49], %add3A_47 {strides = array<i32>} : memref<8x128xf32, #tpu.memory_space<vmem>>, vector<1x128xf32>,
    } else {
    }
    %eq3A_2 = arith.constant 1 : i32
    %eq3A_3 = arith.cmpi eq, %arg0, %eq3A_2 : i32
    %convert_element_type3A_4 = arith.extui %eq3A_3 : i1 to i32
    %cond3A_5 = arith.constant 0 : i32
    %cond3A_6 = arith.cmpi ne, %convert_element_type3A_4, %cond3A_5 : i32
    scf.if %cond3A_6 {
      %get3A = arith.constant 0 : index
      %get3A_7 = arith.constant 0 : index
      %get3A_8 = vector.load %arg5[%get3A, %get3A_7] : memref<1x128xf32, #tpu.memory_space<vmem>>, vector<1x128xf32>
      %get3A_9 = arith.constant 0 : index
      %get3A_10 = arith.constant 0 : index
      %get3A_11 = vector.load %arg6[%get3A_9, %get3A_10] : memref<1x128xf32, #tpu.memory_space<vmem>>, vector<1x128xf32>
      %get3A_12 = arith.constant 0 : index
      %get3A_13 = arith.constant 0 : index
      %get3A_14 = vector.load %arg10[%get3A_12, %get3A_13] : memref<8x128xf32, #tpu.memory_space<vmem>>, vector<1x128xf32>
      %div3A = arith.constant 1.000000e+04 : f32
      %div3A_15 = vector.broadcast %div3A : f32 to vector<1x128xf32>
      %div3A_16 = arith.divf %get3A_14, %div3A_15 : vector<1x128xf32>
      %get3A_17 = arith.constant 1 : index
      %get3A_18 = arith.constant 0 : index
      %get3A_19 = vector.load %arg10[%get3A_17, %get3A_18] : memref<8x128xf32, #tpu.memory_space<vmem>>, vector<1x128xf32>
      %div3A_20 = arith.constant 1.000000e+04 : f32
      %div3A_21 = vector.broadcast %div3A_20 : f32 to vector<1x128xf32>
      %div3A_22 = arith.divf %get3A_19, %div3A_21 : vector<1x128xf32>
      %mul3A = arith.mulf %div3A_16, %div3A_16 : vector<1x128xf32>
      %sub3A = arith.subf %div3A_22, %mul3A : vector<1x128xf32>
      %add3A = arith.constant 9.99999974E-6 : f32
      %add3A_23 = vector.broadcast %add3A : f32 to vector<1x128xf32>
      %add3A_24 = arith.addf %sub3A, %add3A_23 : vector<1x128xf32>
      %rsqrt3A = math.rsqrt %add3A_24 : vector<1x128xf32>
      %mul3A_25 = arith.mulf %get3A_8, %rsqrt3A : vector<1x128xf32>
      %mul3A_26 = arith.mulf %div3A_16, %mul3A_25 : vector<1x128xf32>
      %sub3A_27 = arith.subf %get3A_11, %mul3A_26 : vector<1x128xf32>
      %mul3A_28 = arith.constant 2048 : i32
      %mul3A_29 = arith.muli %arg1, %mul3A_28 : i32
      %get3A_30 = arith.index_cast %mul3A_29 : i32 to index
      %get3A_31 = arith.constant 0 : index
      %get3A_32 = vector.load %arg9[%get3A_30, %get3A_31] : memref<10240x128xf32, #tpu.memory_space<vmem>>, vector<2048x128xf32>
      %mul3A_33 = vector.broadcast %mul3A_25 : vector<1x128xf32> to vector<2048x128xf32>
      %mul3A_34 = arith.mulf %get3A_32, %mul3A_33 : vector<2048x128xf32>
      %add3A_35 = vector.broadcast %sub3A_27 : vector<1x128xf32> to vector<2048x128xf32>
      %add3A_36 = arith.addf %mul3A_34, %add3A_35 : vector<2048x128xf32>
      %max3A = arith.constant 0.000000e+00 : f32
      %max3A_37 = vector.broadcast %max3A : f32 to vector<2048x128xf32>
      %max3A_38 = arith.maximumf %add3A_36, %max3A_37 : vector<2048x128xf32>
      %get3A_39 = arith.constant 0 : index
      %get3A_40 = arith.constant 0 : index
      %get3A_41 = vector.load %arg7[%get3A_39, %get3A_40] : memref<128x128xf32, #tpu.memory_space<vmem>>, vector<128x128xf32>
      %dot_general3A = arith.constant dense<0.000000e+00> : vector<2048x128xf32>
      %dot_general3A_42 = tpu.matmul %max3A_38, %get3A_41, %dot_general3A {dimension_numbers = #tpu.dot_dimension_numbers<[1], [0], [0], [1], [0, 0, 1, 1], [], []>, transpose_lhs_hint = false} : vector<2048x128xf32>, vector<128x128xf32>, vector<2048x128xf32> -> vector<2048x128xf32>
      %get3A_43 = arith.constant 0 : index
      %get3A_44 = arith.constant 0 : index
      %get3A_45 = vector.load %arg4[%get3A_43, %get3A_44] : memref<2048x1xf32, #tpu.memory_space<vmem>>, vector<2048x1xf32>
      %mul3A_46 = vector.broadcast %get3A_45 : vector<2048x1xf32> to vector<2048x128xf32>
      %mul3A_47 = arith.mulf %dot_general3A_42, %mul3A_46 : vector<2048x128xf32>
      %swap3A = arith.constant 0 : index
      %swap3A_48 = arith.constant 0 : index
      %swap3A_49 = vector.load %arg8[%swap3A, %swap3A_48] : memref<2048x128xf32, #tpu.memory_space<vmem>>, vector<2048x128xf32>
      tpu.vector_store %arg8[%swap3A, %swap3A_48], %mul3A_47 {strides = array<i32>} : memref<2048x128xf32, #tpu.memory_space<vmem>>, vector<2048x128xf32>,
    } else {
    }
    return
  }
  func.func @transform_0(%arg0: i32, %arg1: i32) -> (i32, i32, i32) {
    %sub3A = arith.constant 1 : i32
    %sub3A_0 = arith.subi %sub3A, %arg0 : i32
    %mul3A = arith.muli %arg1, %sub3A_0 : i32
    %c0_i32 = arith.constant 0 : i32
    %c0_i32_1 = arith.constant 0 : i32
    %c0_i32_2 = arith.constant 0 : i32
    return %c0_i32, %mul3A, %c0_i32_1 : i32, i32, i32
  }
  func.func @transform_1(%arg0: i32, %arg1: i32) -> (i32, i32) {
    %sub3A = arith.constant 1 : i32
    %sub3A_0 = arith.subi %sub3A, %arg0 : i32
    %mul3A = arith.muli %arg1, %sub3A_0 : i32
    %c0_i32 = arith.constant 0 : i32
    %c0_i32_1 = arith.constant 0 : i32
    return %mul3A, %c0_i32 : i32, i32
  }
  func.func @transform_2(%arg0: i32, %arg1: i32) -> (i32, i32) {
    %c0_i32 = arith.constant 0 : i32
    %c0_i32_0 = arith.constant 0 : i32
    return %arg1, %c0_i32 : i32, i32
  }
  func.func @transform_3(%arg0: i32, %arg1: i32) -> (i32, i32) {
    %c0_i32 = arith.constant 0 : i32
    %c0_i32_0 = arith.constant 0 : i32
    %c0_i32_1 = arith.constant 0 : i32
    return %c0_i32, %c0_i32_0 : i32, i32
  }
  func.func @transform_4(%arg0: i32, %arg1: i32) -> (i32, i32) {
    %c0_i32 = arith.constant 0 : i32
    %c0_i32_0 = arith.constant 0 : i32
    %c0_i32_1 = arith.constant 0 : i32
    return %c0_i32, %c0_i32_0 : i32, i32
  }
  func.func @transform_5(%arg0: i32, %arg1: i32) -> (i32, i32) {
    %c0_i32 = arith.constant 0 : i32
    %c0_i32_0 = arith.constant 0 : i32
    %c0_i32_1 = arith.constant 0 : i32
    return %c0_i32, %c0_i32_0 : i32, i32
  }
  func.func @transform_6(%arg0: i32, %arg1: i32) -> (i32, i32) {
    %mul3A = arith.muli %arg0, %arg1 : i32
    %c0_i32 = arith.constant 0 : i32
    %c0_i32_0 = arith.constant 0 : i32
    return %mul3A, %c0_i32 : i32, i32
  }
}

module attributes {stable_mosaic.version = 14 : i64} {
  func.func @_final_body(%arg0: i32, %arg1: i32, %arg2: memref<2x2048x64xf32, #tpu.memory_space<vmem>>, %arg3: memref<2048x128xf32, #tpu.memory_space<vmem>>, %arg4: memref<2048x1xf32, #tpu.memory_space<vmem>>, %arg5: memref<1x128xf32, #tpu.memory_space<vmem>>, %arg6: memref<1x128xf32, #tpu.memory_space<vmem>>, %arg7: memref<128x128xf32, #tpu.memory_space<vmem>>, %arg8: memref<1x128xf32, #tpu.memory_space<vmem>>, %arg9: memref<2048x128xf32, #tpu.memory_space<vmem>>, %arg10: memref<10240x128xf32, #tpu.memory_space<vmem>>, %arg11: memref<8x128xf32, #tpu.memory_space<vmem>>) attributes {dimension_semantics = [#tpu.dimension_semantics<arbitrary>, #tpu.dimension_semantics<arbitrary>], iteration_bounds = array<i64: 2, 5>, scalar_prefetch = 0 : i64, scratch_operands = 2 : i64, tpu.core_type = #tpu.core_type<tc>, window_params = [{transform_indices = @transform_0, window_bounds = array<i64: 2, 2048, 64>}, {transform_indices = @transform_1, window_bounds = array<i64: 2048, 128>}, {transform_indices = @transform_2, window_bounds = array<i64: 2048, 1>}, {pipeline_mode = #tpu.pipeline_mode<synchronous>, transform_indices = @transform_3, window_bounds = array<i64: 1, 128>}, {pipeline_mode = #tpu.pipeline_mode<synchronous>, transform_indices = @transform_4, window_bounds = array<i64: 1, 128>}, {pipeline_mode = #tpu.pipeline_mode<synchronous>, transform_indices = @transform_5, window_bounds = array<i64: 128, 128>}, {pipeline_mode = #tpu.pipeline_mode<synchronous>, transform_indices = @transform_6, window_bounds = array<i64: 1, 128>}, {transform_indices = @transform_7, window_bounds = array<i64: 2048, 128>}]} {
    %eq3A = arith.constant 0 : i32
    %eq3A_0 = arith.cmpi eq, %arg0, %eq3A : i32
    %convert_element_type3A = arith.extui %eq3A_0 : i1 to i32
    %cond3A = arith.constant 0 : i32
    %cond3A_1 = arith.cmpi ne, %convert_element_type3A, %cond3A : i32
    scf.if %cond3A_1 {
      %get3A = arith.constant 0 : index
      %get3A_7 = arith.constant 0 : index
      %get3A_8 = arith.constant 0 : index
      %get3A_9 = vector.load %arg2[%get3A, %get3A_7, %get3A_8] : memref<2x2048x64xf32, #tpu.memory_space<vmem>>, vector<1x2048x64xf32>
      %get3A_10 = vector.shape_cast %get3A_9 : vector<1x2048x64xf32> to vector<2048x64xf32>
      %get3A_11 = arith.constant 1 : index
      %get3A_12 = arith.constant 0 : index
      %get3A_13 = arith.constant 0 : index
      %get3A_14 = vector.load %arg2[%get3A_11, %get3A_12, %get3A_13] : memref<2x2048x64xf32, #tpu.memory_space<vmem>>, vector<1x2048x64xf32>
      %get3A_15 = vector.shape_cast %get3A_14 : vector<1x2048x64xf32> to vector<2048x64xf32>
      %concatenate3A = tpu.concatenate %get3A_10, %get3A_15 in 1 : vector<2048x64xf32>, vector<2048x64xf32> -> vector<2048x128xf32>
      %get3A_16 = arith.constant 0 : index
      %get3A_17 = arith.constant 0 : index
      %get3A_18 = vector.load %arg3[%get3A_16, %get3A_17] : memref<2048x128xf32, #tpu.memory_space<vmem>>, vector<2048x128xf32>
      %add3A = arith.addf %concatenate3A, %get3A_18 : vector<2048x128xf32>
      %get3A_19 = arith.constant 0 : index
      %get3A_20 = arith.constant 0 : index
      %get3A_21 = vector.load %arg4[%get3A_19, %get3A_20] : memref<2048x1xf32, #tpu.memory_space<vmem>>, vector<2048x1xf32>
      %mul3A = vector.broadcast %get3A_21 : vector<2048x1xf32> to vector<2048x128xf32>
      %mul3A_22 = arith.mulf %add3A, %mul3A : vector<2048x128xf32>
      %mul3A_23 = arith.constant 2048 : i32
      %mul3A_24 = arith.muli %arg1, %mul3A_23 : i32
      %swap3A = arith.index_cast %mul3A_24 : i32 to index
      %swap3A_25 = arith.constant 0 : index
      %swap3A_26 = vector.load %arg10[%swap3A, %swap3A_25] : memref<10240x128xf32, #tpu.memory_space<vmem>>, vector<2048x128xf32>
      tpu.vector_store %arg10[%swap3A, %swap3A_25], %mul3A_22 {strides = array<i32>} : memref<10240x128xf32, #tpu.memory_space<vmem>>, vector<2048x128xf32>,
      %eq3A_27 = arith.constant 0 : i32
      %eq3A_28 = arith.cmpi eq, %arg1, %eq3A_27 : i32
      %convert_element_type3A_29 = arith.extui %eq3A_28 : i1 to i32
      %cond3A_30 = arith.constant 0 : i32
      %cond3A_31 = arith.cmpi ne, %convert_element_type3A_29, %cond3A_30 : i32
      scf.if %cond3A_31 {
        %broadcast_in_dim3A_51 = arith.constant 0.000000e+00 : f32
        %broadcast_in_dim3A_52 = vector.broadcast %broadcast_in_dim3A_51 : f32 to vector<8x128xf32>
        %swap3A_53 = arith.constant 0 : index
        %swap3A_54 = arith.constant 0 : index
        %swap3A_55 = vector.load %arg11[%swap3A_53, %swap3A_54] : memref<8x128xf32, #tpu.memory_space<vmem>>, vector<8x128xf32>
        tpu.vector_store %arg11[%swap3A_53, %swap3A_54], %broadcast_in_dim3A_52 {strides = array<i32>} : memref<8x128xf32, #tpu.memory_space<vmem>>, vector<8x128xf32>,
      } else {
      }
      %get3A_32 = arith.constant 0 : index
      %get3A_33 = arith.constant 0 : index
      %get3A_34 = vector.load %arg11[%get3A_32, %get3A_33] : memref<8x128xf32, #tpu.memory_space<vmem>>, vector<1x128xf32>
      %reduce_sum3A = arith.constant dense<0.000000e+00> : vector<128xf32>
      %reduce_sum3A_35 = vector.multi_reduction <add>, %mul3A_22, %reduce_sum3A [0] : vector<2048x128xf32> to vector<128xf32>
      %broadcast_in_dim3A = vector.shape_cast %reduce_sum3A_35 : vector<128xf32> to vector<1x128xf32>
      %add3A_36 = arith.addf %get3A_34, %broadcast_in_dim3A : vector<1x128xf32>
      %swap3A_37 = arith.constant 0 : index
      %swap3A_38 = arith.constant 0 : index
      %swap3A_39 = vector.load %arg11[%swap3A_37, %swap3A_38] : memref<8x128xf32, #tpu.memory_space<vmem>>, vector<1x128xf32>
      tpu.vector_store %arg11[%swap3A_37, %swap3A_38], %add3A_36 {strides = array<i32>} : memref<8x128xf32, #tpu.memory_space<vmem>>, vector<1x128xf32>,
      %get3A_40 = arith.constant 1 : index
      %get3A_41 = arith.constant 0 : index
      %get3A_42 = vector.load %arg11[%get3A_40, %get3A_41] : memref<8x128xf32, #tpu.memory_space<vmem>>, vector<1x128xf32>
      %mul3A_43 = arith.mulf %mul3A_22, %mul3A_22 : vector<2048x128xf32>
      %reduce_sum3A_44 = arith.constant dense<0.000000e+00> : vector<128xf32>
      %reduce_sum3A_45 = vector.multi_reduction <add>, %mul3A_43, %reduce_sum3A_44 [0] : vector<2048x128xf32> to vector<128xf32>
      %broadcast_in_dim3A_46 = vector.shape_cast %reduce_sum3A_45 : vector<128xf32> to vector<1x128xf32>
      %add3A_47 = arith.addf %get3A_42, %broadcast_in_dim3A_46 : vector<1x128xf32>
      %swap3A_48 = arith.constant 1 : index
      %swap3A_49 = arith.constant 0 : index
      %swap3A_50 = vector.load %arg11[%swap3A_48, %swap3A_49] : memref<8x128xf32, #tpu.memory_space<vmem>>, vector<1x128xf32>
      tpu.vector_store %arg11[%swap3A_48, %swap3A_49], %add3A_47 {strides = array<i32>} : memref<8x128xf32, #tpu.memory_space<vmem>>, vector<1x128xf32>,
    } else {
    }
    %eq3A_2 = arith.constant 1 : i32
    %eq3A_3 = arith.cmpi eq, %arg0, %eq3A_2 : i32
    %convert_element_type3A_4 = arith.extui %eq3A_3 : i1 to i32
    %cond3A_5 = arith.constant 0 : i32
    %cond3A_6 = arith.cmpi ne, %convert_element_type3A_4, %cond3A_5 : i32
    scf.if %cond3A_6 {
      %get3A = arith.constant 0 : index
      %get3A_7 = arith.constant 0 : index
      %get3A_8 = vector.load %arg5[%get3A, %get3A_7] : memref<1x128xf32, #tpu.memory_space<vmem>>, vector<1x128xf32>
      %get3A_9 = arith.constant 0 : index
      %get3A_10 = arith.constant 0 : index
      %get3A_11 = vector.load %arg6[%get3A_9, %get3A_10] : memref<1x128xf32, #tpu.memory_space<vmem>>, vector<1x128xf32>
      %get3A_12 = arith.constant 0 : index
      %get3A_13 = arith.constant 0 : index
      %get3A_14 = vector.load %arg11[%get3A_12, %get3A_13] : memref<8x128xf32, #tpu.memory_space<vmem>>, vector<1x128xf32>
      %div3A = arith.constant 1.000000e+04 : f32
      %div3A_15 = vector.broadcast %div3A : f32 to vector<1x128xf32>
      %div3A_16 = arith.divf %get3A_14, %div3A_15 : vector<1x128xf32>
      %get3A_17 = arith.constant 1 : index
      %get3A_18 = arith.constant 0 : index
      %get3A_19 = vector.load %arg11[%get3A_17, %get3A_18] : memref<8x128xf32, #tpu.memory_space<vmem>>, vector<1x128xf32>
      %div3A_20 = arith.constant 1.000000e+04 : f32
      %div3A_21 = vector.broadcast %div3A_20 : f32 to vector<1x128xf32>
      %div3A_22 = arith.divf %get3A_19, %div3A_21 : vector<1x128xf32>
      %mul3A = arith.mulf %div3A_16, %div3A_16 : vector<1x128xf32>
      %sub3A = arith.subf %div3A_22, %mul3A : vector<1x128xf32>
      %add3A = arith.constant 9.99999974E-6 : f32
      %add3A_23 = vector.broadcast %add3A : f32 to vector<1x128xf32>
      %add3A_24 = arith.addf %sub3A, %add3A_23 : vector<1x128xf32>
      %rsqrt3A = math.rsqrt %add3A_24 : vector<1x128xf32>
      %mul3A_25 = arith.mulf %get3A_8, %rsqrt3A : vector<1x128xf32>
      %mul3A_26 = arith.mulf %div3A_16, %mul3A_25 : vector<1x128xf32>
      %sub3A_27 = arith.subf %get3A_11, %mul3A_26 : vector<1x128xf32>
      %mul3A_28 = arith.constant 2048 : i32
      %mul3A_29 = arith.muli %arg1, %mul3A_28 : i32
      %get3A_30 = arith.index_cast %mul3A_29 : i32 to index
      %get3A_31 = arith.constant 0 : index
      %get3A_32 = vector.load %arg10[%get3A_30, %get3A_31] : memref<10240x128xf32, #tpu.memory_space<vmem>>, vector<2048x128xf32>
      %mul3A_33 = vector.broadcast %mul3A_25 : vector<1x128xf32> to vector<2048x128xf32>
      %mul3A_34 = arith.mulf %get3A_32, %mul3A_33 : vector<2048x128xf32>
      %add3A_35 = vector.broadcast %sub3A_27 : vector<1x128xf32> to vector<2048x128xf32>
      %add3A_36 = arith.addf %mul3A_34, %add3A_35 : vector<2048x128xf32>
      %max3A = arith.constant 0.000000e+00 : f32
      %max3A_37 = vector.broadcast %max3A : f32 to vector<2048x128xf32>
      %max3A_38 = arith.maximumf %add3A_36, %max3A_37 : vector<2048x128xf32>
      %get3A_39 = arith.constant 0 : index
      %get3A_40 = arith.constant 0 : index
      %get3A_41 = vector.load %arg7[%get3A_39, %get3A_40] : memref<128x128xf32, #tpu.memory_space<vmem>>, vector<128x128xf32>
      %dot_general3A = arith.constant dense<0.000000e+00> : vector<2048x128xf32>
      %dot_general3A_42 = tpu.matmul %max3A_38, %get3A_41, %dot_general3A {dimension_numbers = #tpu.dot_dimension_numbers<[1], [0], [0], [1], [0, 0, 1, 1], [], []>, transpose_lhs_hint = false} : vector<2048x128xf32>, vector<128x128xf32>, vector<2048x128xf32> -> vector<2048x128xf32>
      %get3A_43 = arith.constant 0 : index
      %get3A_44 = arith.constant 0 : index
      %get3A_45 = vector.load %arg8[%get3A_43, %get3A_44] : memref<1x128xf32, #tpu.memory_space<vmem>>, vector<1x128xf32>
      %add3A_46 = vector.broadcast %get3A_45 : vector<1x128xf32> to vector<2048x128xf32>
      %add3A_47 = arith.addf %dot_general3A_42, %add3A_46 : vector<2048x128xf32>
      %logistic3A = arith.negf %add3A_47 : vector<2048x128xf32>
      %logistic3A_48 = math.exp %logistic3A : vector<2048x128xf32>
      %logistic3A_49 = arith.constant 1.000000e+00 : f32
      %logistic3A_50 = vector.broadcast %logistic3A_49 : f32 to vector<2048x128xf32>
      %logistic3A_51 = arith.addf %logistic3A_50, %logistic3A_48 : vector<2048x128xf32>
      %logistic3A_52 = arith.divf %logistic3A_50, %logistic3A_51 : vector<2048x128xf32>
      %swap3A = arith.constant 0 : index
      %swap3A_53 = arith.constant 0 : index
      %swap3A_54 = vector.load %arg9[%swap3A, %swap3A_53] : memref<2048x128xf32, #tpu.memory_space<vmem>>, vector<2048x128xf32>
      tpu.vector_store %arg9[%swap3A, %swap3A_53], %logistic3A_52 {strides = array<i32>} : memref<2048x128xf32, #tpu.memory_space<vmem>>, vector<2048x128xf32>,
    } else {
    }
    return
  }
  func.func @transform_0(%arg0: i32, %arg1: i32) -> (i32, i32, i32) {
    %sub3A = arith.constant 1 : i32
    %sub3A_0 = arith.subi %sub3A, %arg0 : i32
    %mul3A = arith.muli %arg1, %sub3A_0 : i32
    %c0_i32 = arith.constant 0 : i32
    %c0_i32_1 = arith.constant 0 : i32
    %c0_i32_2 = arith.constant 0 : i32
    return %c0_i32, %mul3A, %c0_i32_1 : i32, i32, i32
  }
  func.func @transform_1(%arg0: i32, %arg1: i32) -> (i32, i32) {
    %sub3A = arith.constant 1 : i32
    %sub3A_0 = arith.subi %sub3A, %arg0 : i32
    %mul3A = arith.muli %arg1, %sub3A_0 : i32
    %c0_i32 = arith.constant 0 : i32
    %c0_i32_1 = arith.constant 0 : i32
    return %mul3A, %c0_i32 : i32, i32
  }
  func.func @transform_2(%arg0: i32, %arg1: i32) -> (i32, i32) {
    %c0_i32 = arith.constant 0 : i32
    %c0_i32_0 = arith.constant 0 : i32
    return %arg1, %c0_i32 : i32, i32
  }
  func.func @transform_3(%arg0: i32, %arg1: i32) -> (i32, i32) {
    %c0_i32 = arith.constant 0 : i32
    %c0_i32_0 = arith.constant 0 : i32
    %c0_i32_1 = arith.constant 0 : i32
    return %c0_i32, %c0_i32_0 : i32, i32
  }
  func.func @transform_4(%arg0: i32, %arg1: i32) -> (i32, i32) {
    %c0_i32 = arith.constant 0 : i32
    %c0_i32_0 = arith.constant 0 : i32
    %c0_i32_1 = arith.constant 0 : i32
    return %c0_i32, %c0_i32_0 : i32, i32
  }
  func.func @transform_5(%arg0: i32, %arg1: i32) -> (i32, i32) {
    %c0_i32 = arith.constant 0 : i32
    %c0_i32_0 = arith.constant 0 : i32
    %c0_i32_1 = arith.constant 0 : i32
    return %c0_i32, %c0_i32_0 : i32, i32
  }
  func.func @transform_6(%arg0: i32, %arg1: i32) -> (i32, i32) {
    %c0_i32 = arith.constant 0 : i32
    %c0_i32_0 = arith.constant 0 : i32
    %c0_i32_1 = arith.constant 0 : i32
    return %c0_i32, %c0_i32_0 : i32, i32
  }
  func.func @transform_7(%arg0: i32, %arg1: i32) -> (i32, i32) {
    %mul3A = arith.muli %arg0, %arg1 : i32
    %c0_i32 = arith.constant 0 : i32
    %c0_i32_0 = arith.constant 0 : i32
    return %mul3A, %c0_i32 : i32, i32
  }
}

</mosaic_0001>

<sc_bundles>
// kernel: kernel.11.cloned.1.call-start
scs
__scs_entry_jumppad:
0x0: {  	(pc) =	sbr.rel $0x88, $3  }
0x1: {  	(tag) =	ssettag $0x0;
	lr =	simm.s32 $0x1  }
0x2: {  	[smem:$0x3F94] =	sst lr;
	_ =	strace $0xD0000000  }
0x3: {  	_ = 	snop  }
0x4: {  	_ = 	snop  }
0x5: {  	_ = 	snop  }
0x6: {  	_ = 	snop  }
0x7: {  	_ = 	snop  }
__scs_overlays_trampoline_lowered:
0x8: {  	[smem:$0x3FA3] =	sst s0  }
0x9: {  	[smem:$0x3FA4] =	sst s1  }
0xa: {  	[smem:$0x3FA5] =	sst s2  }
0xb: {  	[smem:$0x3FA6] =	sst s3  }
0xc: {  	[smem:$0x3FA7] =	sst s4  }
0xd: {  	[smem:$0x3FA8] =	sst s5  }
0xe: {  	[smem:$0x3FA9] =	sst s6  }
0xf: {  	[smem:$0x3FAA] =	sst s7  }
0x10: {  	[smem:$0x3FAB] =	sst s8  }
0x11: {  	[smem:$0x3FAC] =	sst s9;
	s0 =	simm.s32 @!p0 $0x0  }
0x12: {  	s1 =	sld [smem:$0x3F92];
	s0 =	simm.s32 @p0 $0x1  }
0x13: {  	[smem:$0x3FAD] =	sst s0;
	s0 =	simm.s32 @!p1 $0x0  }
0x14: {  	s2 =	sld [smem:$0x3F91];
	s0 =	simm.s32 @p1 $0x1  }
0x15: {  	[smem:$0x3FAE] =	sst s0;
	s0 =	simm.s32 @!p2 $0x0  }
0x16: {  	s3 =	sld [smem:$0x3FDB];
	s0 =	simm.s32 @p2 $0x1  }
0x17: {  	s4 =	simm.s32 $0x1BF5;
	[smem:$0x3FB0] =	sst s0  }
0x18: {  	s0 =	sld [smem:$0x3F93];
	_ =	swait.ge [sflag:s4], $0x0  }
0x19: {  	s7 =	sld [smem:$0x3F94]  }
0x1a: {  	s8 =	sadd.s32 $0xFFFFE003, lr  }
0x1b: {  	s9 =	sadd.s32 $0xFFFFFEF7, lr;
	s5 =	simm.s32 $0xFFFFFFFF;
	p2 =	slt.u32 s8, $0xFFFFF086  }
0x1c: {  	p1 =	slt.u32 s9, $0xF7A;
	s5 =	simm.s32 @!p2 $0x0  }
0x1d: {  	s5 =	simm.s32 @p1 $0x1;
	p0 =	seq.s32 s7, s2  }
0x1e: {  	s7 =	smul.u32 @!p0 $0xF7A, s2;
	p2 =	seq.s32 @!p0 s5, $0x0  }
0x1f: {  	s9 =	smul.u32 $0xF7A, s1;
	s8 =	simm.s32 @!p0 $0x1BF5;
	p2 =	por !p2, p0  }
0x20: {  	[sflag:s8] =	ssyncset.s32 @!p0 $0xFFFFF086;
	s6 =	sadd.s32 @!p0 s3, s7;
	s7 =	simm.s32 @!p0 $0x108  }
0x21: {  	s3 =	sadd.s32 s3, s9;
	s6 =	sadd.s32 @!p0 $0x88, s6;
	s7 =	simm.s32 @p2 $0x1082  }
0x22: {  	[simem:s7], [sflag:s8] =	dma.local @!p0 [hbm:s6], $0xF7A  }
0x23: {  	s9 =	sor.u32 $0xD0000000, s2;
	s6 =	simm.s32 $0x108;
	_ =	swait.ge @!p0 [sflag:s8], $0x0  }
0x24: {  	s3 =	sadd.s32 $0x88, s3;
	s6 =	simm.s32 @!p1 $0x1082;
	[sflag:s4] =	ssyncset.s32 $0xFFFFF086  }
0x25: {  	[simem:s6], [sflag:s4] =	dma.local [hbm:s3], $0xF7A  }
0x26: {  	[smem:$0x3F94] =	sst s1;
	(tag) =	ssettag s2;
	_ =	strace s9  }
0x27: {  	s1 =	sld [smem:$0x3FA4]  }
0x28: {  	s2 =	sld [smem:$0x3FA5]  }
0x29: {  	s4 =	sld [smem:$0x3FA7]  }
0x2a: {  	p0 =	seq.s32 s5, $0x0;
	s5 =	sld [smem:$0x3FA8]  }
0x2b: {  	s6 =	sld [smem:$0x3FA9]  }
0x2c: {  	s7 =	sld [smem:$0x3FAA]  }
0x2d: {  	s3 =	simm.s32 $0x108;
	s8 =	sld [smem:$0x3FAB]  }
0x2e: {  	s3 =	simm.s32 @!p0 $0x1082;
	s9 =	sld [smem:$0x3FAC]  }
0x2f: {  	lr =	sadd.s32 s0, s3;
	s0 =	sld [smem:$0x3FA3]  }
0x30: {  	s3 =	sld [smem:$0x3FA6]  }
0x31: {  	[smem:$0x3FAF] =	sst s10  }
0x32: {  	s10 =	sld [smem:$0x3FAD];
	_ =	sdelay $0x3  }
0x33: {  	p0 =	seq.s32 s10, $0x1;
	s10 =	sld [smem:$0x3FAF];
	_ =	sdelay $0x3  }
0x34: {  	[smem:$0x3FAF] =	sst s10  }
0x35: {  	s10 =	sld [smem:$0x3FAE];
	_ =	sdelay $0x3  }
0x36: {  	p1 =	seq.s32 s10, $0x1;
	s10 =	sld [smem:$0x3FAF];
	_ =	sdelay $0x3  }
0x37: {  	[smem:$0x3FAF] =	sst s10  }
0x38: {  	s10 =	sld [smem:$0x3FB0]  }
0x39: {  	_ = 	snop;
	(pc) =	sbr.ind lr, $3  }
0x3a: {  	_ = 	snop  }
0x3b: {  	_ = 	snop  }
0x3c: {  	p2 =	seq.s32 s10, $0x1;
	s10 =	sld [smem:$0x3FAF]  }
0x3d: {  	_ =	shalt  }
0x3e: {  	_ =	shalt  }
0x3f: {  	_ =	shalt  }
0x40: {  	_ =	shalt  }
0x41: {  	_ =	shalt  }
0x42: {  	_ =	shalt  }
0x43: {  	_ =	shalt  }
0x44: {  	_ =	shalt  }
0x45: {  	_ =	shalt  }
0x46: {  	_ =	shalt  }
0x47: {  	_ =	shalt  }
0x48: {  	_ =	shalt  }
0x49: {  	_ =	shalt  }
0x4a: {  	_ =	shalt  }
0x4b: {  	_ =	shalt  }
0x4c: {  	_ =	shalt  }
0x4d: {  	_ =	shalt  }
0x4e: {  	_ =	shalt  }
0x4f: {  	_ =	shalt  }
0x50: {  	_ =	shalt  }
0x51: {  	_ =	shalt  }
0x52: {  	_ =	shalt  }
0x53: {  	_ =	shalt  }
0x54: {  	_ =	shalt  }
0x55: {  	_ =	shalt  }
0x56: {  	_ =	shalt  }
0x57: {  	_ =	shalt  }
0x58: {  	_ =	shalt  }
0x59: {  	_ =	shalt  }
0x5a: {  	_ =	shalt  }
0x5b: {  	_ =	shalt  }
0x5c: {  	_ =	shalt  }
0x5d: {  	_ =	shalt  }
0x5e: {  	_ =	shalt  }
0x5f: {  	_ =	shalt  }
0x60: {  	_ =	shalt  }
0x61: {  	_ =	shalt  }
0x62: {  	_ =	shalt  }
0x63: {  	_ =	shalt  }
0x64: {  	_ =	shalt  }
0x65: {  	_ =	shalt  }
0x66: {  	_ =	shalt  }
0x67: {  	_ =	shalt  }
0x68: {  	_ =	shalt  }
0x69: {  	_ =	shalt  }
0x6a: {  	_ =	shalt  }
0x6b: {  	_ =	shalt  }
0x6c: {  	_ =	shalt  }
0x6d: {  	_ =	shalt  }
0x6e: {  	_ =	shalt  }
0x6f: {  	_ =	shalt  }
0x70: {  	_ =	shalt  }
0x71: {  	_ =	shalt  }
0x72: {  	_ =	shalt  }
0x73: {  	_ =	shalt  }
0x74: {  	_ =	shalt  }
0x75: {  	_ =	shalt  }
0x76: {  	_ =	shalt  }
0x77: {  	_ =	shalt  }
0x78: {  	_ =	shalt  }
0x79: {  	_ =	shalt  }
0x7a: {  	_ =	shalt  }
0x7b: {  	_ =	shalt  }
0x7c: {  	_ =	shalt  }
0x7d: {  	_ =	shalt  }
0x7e: {  	_ =	shalt  }
0x7f: {  	_ =	shalt  }
0x80: {  	_ =	shalt  }
0x81: {  	_ =	shalt  }
0x82: {  	_ =	shalt  }
0x83: {  	_ =	shalt  }
0x84: {  	_ =	shalt  }
0x85: {  	_ =	shalt  }
0x86: {  	_ =	shalt  }
0x87: {  	_ =	shalt  }
.Lfunc_end0:
.L_simem_size_0:
called_computation_lowered:
.L_overlay_start_0:
0x88: {  	s2 =	sld [smem:$0x3FD9]  }
0x89: {  	s3 =	sld [smem:$0x3FFE];
	_ =	sdelay $0x1  }
0x8a: {  	s1 =	srdreg.scid  }
0x8b: {  	s0 =	sand.u32 $0x1, s1  }
0x8c: {  	s16 =	sshll.u32 s0, $0xA;
	s2 =	sadd.s32 s3, s2  }
0x8d: {  	s2 =	sadd.s32 s2, s16  }
0x8e: {  	[smem:$0x3FBB] =	sst s2  }
0x8f: {  	_ = 	snop  }
0x90: {  	(tm) =	ssettm $0x1  }
0x91: {  	s17 =	sld [smem:$0x3FFB];
	_ =	sdelay $0x3  }
0x92: {  	_ =	strace s17  }
0x93: {  	s2 =	sld [smem:$0x3FFC];
	_ =	sdelay $0x3  }
0x94: {  	_ =	strace s2  }
0x95: {  	s2 =	sld [smem:$0x3FFD];
	_ =	sdelay $0x3  }
0x96: {  	_ =	strace s2  }
0x97: {  	_ =	strace $0x8FFFFFFF  }
0x98: {  	s18 =	sld [smem:$0x3FDB];
	_ =	sdelay $0x1  }
0x99: {  	s19 =	simm.s32 $_scs_section_size  }
0x9a: {  	s4 =	simm.s32 $_size__tile_overlayer_lowered;
	s5 =	simm.s32 $_tile_overlayer_lowered  }
0x9b: {  	s22 =	simm.s32 $0x1BFF;
	s21 =	sshll.u32 s5, $0x1;
	s2 =	sadd.s32 s19, s18  }
0x9c: {  	s6 =	simm.s32 $0x0;
	s20 =	sshll.u32 s4, $0x1;
	s4 =	sadd.s32 s21, s2  }
0x9d: {  	[timem:s6], [sflag:s22] =	dma.local [hbm:s4], s20  }
0x9e: {  	_ =	swait.ge [sflag:s22], s20  }
0x9f: {  	s3 =	ssub.s32 $0x0, s20;
	[sflag:s22] =	ssyncset.done $0x0  }
0xa0: {  	[sflag:s22] =	ssyncadd.s32 s3;
	_ =	sdelay $0x1  }
0xa1: {  	s23 =	simm.s32 $0x1B8B  }
0xa2: {  	_ =	swait.ge [sflag:s23], $0x1  }
0xa3: {  	[sflag:s23] =	ssyncset.done $0x0  }
0xa4: {  	s25 =	simm.s32 $0x1B8E;
	s24 =	sld [smem:$0x3FFE];
	[sflag:s23] =	ssyncadd.s32 $0xFFFFFFFF  }
0xa5: {  	s26 =	simm.s32 $execute0_lowered;
	[smem:$0x3FD2] =	sst s25  }
0xa6: {  	s4 =	sshll.u32 s26, $0x1;
	_ =	strace $0x80000046;
	[dreg:$0x1] =	wrdreg $0xFFFFFFFF  }
0xa7: {  	s28 =	simm.s32 $_size_execute0_lowered;
	s2 =	sadd.s32 s2, s4;
	[dreg:$0x0] =	wrdreg $0x0  }
0xa8: {  	s4 =	sshll.u32 s28, $0x1;
	[dreg:$0x2] =	wrdreg s2  }
0xa9: {  	[dreg:$0x3] =	wrdreg s4  }
0xaa: {  	[dreg:$0x4] =	wrdreg $0xC0  }
0xab: {  	_ =	task [dreg:s6], $0x5FFFF  }
0xac: {  	[dreg:$0x1] =	wrdreg $0xFFFFFFFF  }
0xad: {  	[dreg:$0x0] =	wrdreg $0x60  }
0xae: {  	[dreg:$0x2] =	wrdreg s24  }
0xaf: {  	[dreg:$0x3] =	wrdreg $0x9  }
0xb0: {  	_ =	task.clear_ibuf [dreg:s6], $0x4FFFF;
	_ =	strace $0x90000046  }
0xb1: {  	s29 =	simm.s32 $0x9;
	_ =	strace $0x80000048  }
0xb2: {  	_ =	swait.ge [sflag:s29], $0x1  }
0xb3: {  	[sflag:s29] =	ssyncadd.s32 $0xFFFFFFFF  }
0xb4: {  	_ =	strace $0x90000048  }
0xb5: {  	_ =	sfence  }
0xb6: {  	s30 =	sld [smem:$0x0];
	_ =	sdelay $0x2  }
0xb7: {  	s31 =	sshll.u32 s1, $0xD;
	s1 =	sshrl.u32 s1, $0x2  }
0xb8: {  	s3 =	sand.u32 $0x4000, s31;
	s1 =	sadd.s32 s1, s30  }
0xb9: {  	s0 =	sor.u32 s3, s0;
	s1 =	sshll.u32 s1, $0x11  }
0xba: {  	s0 =	sor.u32 s1, s0  }
0xbb: {  	s0 =	sadd.s32 $0x8F2B, s0  }
0xbc: {  	[sflag:s0] =	ssyncadd.remote.s32 $0x1  }
0xbd: {  	_ =	sfence.sel $0xFFFF  }
0xbe: {  	[dreg:$0x0] =	wrdreg $0xFFFFFFFF;
	(pc) =	sbr.abs _section_cstart, $3  }
0xbf: {  	[dreg:$0x1] =	wrdreg $0xFFFFFFFF  }
0xc0: {  	_ =	task.clear_ibuf [dreg:s6], $0x2FFFF;
	_ =	strace $0x9FFFFFFF  }
0xc1: {  	(tm) =	ssettm $0x7FFFFFFF  }
tec
execute0_lowered:
.L_overlay_start_1:
0x0: {  	(tag) =	ssettag $0x1  }
0x1: {  	s0 =	srdreg.scid  }
0x2: {  	s4 =	rddreg [dreg:$0x0];
	s3 =	sand.u32 $0x1, s0  }
0x3: {  	s1 =	stileid.u32;
	s7 =	simm.s32 $0x2800;
	s2 =	sshll.u32 s3, $0x4  }
0x4: {  	s0 =	rddreg [dreg:$0x1];
	s3 =	ssub.s32 $0x2, s3;
	s5 =	sor.u32 s1, s2  }
0x5: {  	s2 =	simm.s32 $0x0;
	s6 =	sshrl.u32 s3, $0x1;
	s5 =	smul.u32 $0x500, s5  }
0x6: {  	s8 =	simm.s32 $0x0;
	[smem:$0x7FF] =	sst s2;
	s31 =	ssub.s32 s3, s6  }
0x7: {  	s6 =	simm.s32 $0x1;
	_ =	strace $0x80000047;
	s4 =	sadd.s32 s5, s4  }
0x8: {  	v0 =	vimm.f32 $0.0e+00;
	v1 =	vimm.f32 $1.000000000e+00;
	s5 =	smax.u32 s31, $0x1;
	s3 =	sadd.s32 $0x4600, s4;
	s4 =	sadd.s32 $0xE600, s4  }
.LBB2_1:
0x9: {  	s9 =	simm.s32 $0x40;
	s10 =	simm.s32 $0x0  }
.LBB2_2:
0xa: {  	p0 =	sne.s32 s9, $0x9FC0;
	[tilespmem:s10+$0x2800] =	vst v0;
	s10 =	smov.u32 s9;
	s9 =	sadd.s32 $0x40, s9  }
.Ltmp0:
0xb: {  	(pc) =	sbr.rel @p0 .LBB2_2-.Ltmp0, $2  }
0xc: {  	_ =	sdelay $0x2  }
0xd: {  	s10 =	sshra.s32 s10, $0x2  }
0xe: {  	[tilespmem:s10+$0x2800] =	vst v0;
	s9 =	simm.s32 $0x0  }
0xf: {  	[tilespmem:s9], [sflag:$0x1] =	stream.linear.gather [hbm4b:s3+s9], $0x2800, $0x38;
	[tilespmem:$0x5000] =	vst v63  }
0x10: {  	_ =	swait.ge [sflag:s6], $0x2800  }
0x11: {  	[sflag:s6] =	ssyncset.done $0x0  }
0x12: {  	s10 =	simm.s32 $0x0;
	s9 =	simm.s32 $0x40;
	[sflag:s6] =	ssyncadd.s32 $0xFFFFD800  }
.LBB2_4:
0x13: {  	p0 =	sne.s32 s9, $0x9FC0;
	v2 =	vld [tilespmem:s10+$0x0];
	_ =	sdelay $0x3  }
.Ltmp1:
0x14: {  	(pc) =	sbr.rel @p0 .LBB2_4-.Ltmp1, $2  }
0x15: {  	_ =	sdelay $0x2  }
0x16: {  	s10 =	sshra.s32 s9, $0x2;
	s9 =	sadd.s32 $0x40, s9;
	[tilespmem:v2+s7+$0x0] =	vst.idx.add.f32.msk $0xffff, v1  }
0x17: {  	v2 =	vld [tilespmem:s10+$0x0];
	_ =	sdelay $0x5  }
0x18: {  	s8 =	sadd.s32 $0x1, s8  }
0x19: {  	p0 =	sne.s32 s8, s5  }
.Ltmp2:
0x1a: {  	[tilespmem:v2+s7+$0x0] =	vst.idx.add.f32.msk $0xffff, v1;
	(pc) =	sbr.rel @p0 .LBB2_1-.Ltmp2, $4  }
0x1b: {  	[hbm4b:s4+s2] =	stream.linear.scatter [tilespmem:s7], [sflag:$0x1], $0x2800, $0x38;
	[tilespmem:$0x5000] =	vst v63  }
0x1c: {  	_ =	swait.ge [sflag:s6], $0x2800  }
0x1d: {  	[sflag:s6] =	ssyncset.done $0x0  }
0x1e: {  	[sflag:s6] =	ssyncadd.s32 $0xFFFFD800  }
0x1f: {  	_ =	sfence.sel $0x180000  }
0x20: {  	[bflag:$0x0] =	sbarrier.arrive $0xFFFF  }
0x21: {  	p0 =	sne.s32 s1, $0x0;
	_ =	strace $0x90000047  }
0x22: {  	s0 =	sadd.s32 @!p0 $0x100000, s0;
	[bflag:$0x2] =	sbarrier.arrive $0xFFFF  }
0x23: {  	[sflag:s0] =	ssyncadd.tile.s32 @!p0 $0x1;
	_ =	shalt  }
.Lfunc_end2:
_tile_overlayer_lowered:
.L_overlay_start_2:
0x24: {  	(tag) =	ssettag $0x2  }
0x25: {  	s0 =	rddreg [dreg:$0x0];
	s2 =	stileid.u32  }
0x26: {  	s1 =	rddreg [dreg:$0x1];
	p0 =	sne.s32 s2, $0x0  }
0x27: {  	s3 =	rddreg [dreg:$0x2];
	[bflag:$0x3] =	sbarrier.arrive $0xFFFF;
	s2 =	simm.s32 @!p0 $0x1C01  }
0x28: {  	[timem:s3], [sflag:s2] =	dma.local @!p0 [hbm:s0], s1  }
0x29: {  	s0 =	simm.s32 @!p0 $0x1  }
0x2a: {  	_ =	swait.ge @!p0 [sflag:s0], s1  }
0x2b: {  	s1 =	ssub.s32 @!p0 $0x0, s1;
	[sflag:s0] =	ssyncset.done @!p0 $0x0  }
0x2c: {  	[sflag:s0] =	ssyncadd.s32 @!p0 s1  }
0x2d: {  	[bflag:$0x3] =	sbarrier.arrive $0xFFFF  }
0x2e: {  	_ =	shalt  }

// kernel: kernel.14.cloned.1.call-start
scs
__scs_entry_jumppad:
0x0: {  	(pc) =	sbr.rel $0x88, $3  }
0x1: {  	(tag) =	ssettag $0x0;
	lr =	simm.s32 $0x1  }
0x2: {  	[smem:$0x3F94] =	sst lr;
	_ =	strace $0xD0000000  }
0x3: {  	_ = 	snop  }
0x4: {  	_ = 	snop  }
0x5: {  	_ = 	snop  }
0x6: {  	_ = 	snop  }
0x7: {  	_ = 	snop  }
__scs_overlays_trampoline_lowered:
0x8: {  	[smem:$0x3FA3] =	sst s0  }
0x9: {  	[smem:$0x3FA4] =	sst s1  }
0xa: {  	[smem:$0x3FA5] =	sst s2  }
0xb: {  	[smem:$0x3FA6] =	sst s3  }
0xc: {  	[smem:$0x3FA7] =	sst s4  }
0xd: {  	[smem:$0x3FA8] =	sst s5  }
0xe: {  	[smem:$0x3FA9] =	sst s6  }
0xf: {  	[smem:$0x3FAA] =	sst s7  }
0x10: {  	[smem:$0x3FAB] =	sst s8  }
0x11: {  	[smem:$0x3FAC] =	sst s9;
	s0 =	simm.s32 @!p0 $0x0  }
0x12: {  	s1 =	sld [smem:$0x3F92];
	s0 =	simm.s32 @p0 $0x1  }
0x13: {  	[smem:$0x3FAD] =	sst s0;
	s0 =	simm.s32 @!p1 $0x0  }
0x14: {  	s2 =	sld [smem:$0x3F91];
	s0 =	simm.s32 @p1 $0x1  }
0x15: {  	[smem:$0x3FAE] =	sst s0;
	s0 =	simm.s32 @!p2 $0x0  }
0x16: {  	s3 =	sld [smem:$0x3FDB];
	s0 =	simm.s32 @p2 $0x1  }
0x17: {  	s4 =	simm.s32 $0x1BF5;
	[smem:$0x3FB0] =	sst s0  }
0x18: {  	s0 =	sld [smem:$0x3F93];
	_ =	swait.ge [sflag:s4], $0x0  }
0x19: {  	s7 =	sld [smem:$0x3F94]  }
0x1a: {  	s8 =	sadd.s32 $0xFFFFE003, lr  }
0x1b: {  	s9 =	sadd.s32 $0xFFFFFEF7, lr;
	s5 =	simm.s32 $0xFFFFFFFF;
	p2 =	slt.u32 s8, $0xFFFFF086  }
0x1c: {  	p1 =	slt.u32 s9, $0xF7A;
	s5 =	simm.s32 @!p2 $0x0  }
0x1d: {  	s5 =	simm.s32 @p1 $0x1;
	p0 =	seq.s32 s7, s2  }
0x1e: {  	s7 =	smul.u32 @!p0 $0xF7A, s2;
	p2 =	seq.s32 @!p0 s5, $0x0  }
0x1f: {  	s9 =	smul.u32 $0xF7A, s1;
	s8 =	simm.s32 @!p0 $0x1BF5;
	p2 =	por !p2, p0  }
0x20: {  	[sflag:s8] =	ssyncset.s32 @!p0 $0xFFFFF086;
	s6 =	sadd.s32 @!p0 s3, s7;
	s7 =	simm.s32 @!p0 $0x108  }
0x21: {  	s3 =	sadd.s32 s3, s9;
	s6 =	sadd.s32 @!p0 $0x88, s6;
	s7 =	simm.s32 @p2 $0x1082  }
0x22: {  	[simem:s7], [sflag:s8] =	dma.local @!p0 [hbm:s6], $0xF7A  }
0x23: {  	s9 =	sor.u32 $0xD0000000, s2;
	s6 =	simm.s32 $0x108;
	_ =	swait.ge @!p0 [sflag:s8], $0x0  }
0x24: {  	s3 =	sadd.s32 $0x88, s3;
	s6 =	simm.s32 @!p1 $0x1082;
	[sflag:s4] =	ssyncset.s32 $0xFFFFF086  }
0x25: {  	[simem:s6], [sflag:s4] =	dma.local [hbm:s3], $0xF7A  }
0x26: {  	[smem:$0x3F94] =	sst s1;
	(tag) =	ssettag s2;
	_ =	strace s9  }
0x27: {  	s1 =	sld [smem:$0x3FA4]  }
0x28: {  	s2 =	sld [smem:$0x3FA5]  }
0x29: {  	s4 =	sld [smem:$0x3FA7]  }
0x2a: {  	p0 =	seq.s32 s5, $0x0;
	s5 =	sld [smem:$0x3FA8]  }
0x2b: {  	s6 =	sld [smem:$0x3FA9]  }
0x2c: {  	s7 =	sld [smem:$0x3FAA]  }
0x2d: {  	s3 =	simm.s32 $0x108;
	s8 =	sld [smem:$0x3FAB]  }
0x2e: {  	s3 =	simm.s32 @!p0 $0x1082;
	s9 =	sld [smem:$0x3FAC]  }
0x2f: {  	lr =	sadd.s32 s0, s3;
	s0 =	sld [smem:$0x3FA3]  }
0x30: {  	s3 =	sld [smem:$0x3FA6]  }
0x31: {  	[smem:$0x3FAF] =	sst s10  }
0x32: {  	s10 =	sld [smem:$0x3FAD];
	_ =	sdelay $0x3  }
0x33: {  	p0 =	seq.s32 s10, $0x1;
	s10 =	sld [smem:$0x3FAF];
	_ =	sdelay $0x3  }
0x34: {  	[smem:$0x3FAF] =	sst s10  }
0x35: {  	s10 =	sld [smem:$0x3FAE];
	_ =	sdelay $0x3  }
0x36: {  	p1 =	seq.s32 s10, $0x1;
	s10 =	sld [smem:$0x3FAF];
	_ =	sdelay $0x3  }
0x37: {  	[smem:$0x3FAF] =	sst s10  }
0x38: {  	s10 =	sld [smem:$0x3FB0]  }
0x39: {  	_ = 	snop;
	(pc) =	sbr.ind lr, $3  }
0x3a: {  	_ = 	snop  }
0x3b: {  	_ = 	snop  }
0x3c: {  	p2 =	seq.s32 s10, $0x1;
	s10 =	sld [smem:$0x3FAF]  }
0x3d: {  	_ =	shalt  }
0x3e: {  	_ =	shalt  }
0x3f: {  	_ =	shalt  }
0x40: {  	_ =	shalt  }
0x41: {  	_ =	shalt  }
0x42: {  	_ =	shalt  }
0x43: {  	_ =	shalt  }
0x44: {  	_ =	shalt  }
0x45: {  	_ =	shalt  }
0x46: {  	_ =	shalt  }
0x47: {  	_ =	shalt  }
0x48: {  	_ =	shalt  }
0x49: {  	_ =	shalt  }
0x4a: {  	_ =	shalt  }
0x4b: {  	_ =	shalt  }
0x4c: {  	_ =	shalt  }
0x4d: {  	_ =	shalt  }
0x4e: {  	_ =	shalt  }
0x4f: {  	_ =	shalt  }
0x50: {  	_ =	shalt  }
0x51: {  	_ =	shalt  }
0x52: {  	_ =	shalt  }
0x53: {  	_ =	shalt  }
0x54: {  	_ =	shalt  }
0x55: {  	_ =	shalt  }
0x56: {  	_ =	shalt  }
0x57: {  	_ =	shalt  }
0x58: {  	_ =	shalt  }
0x59: {  	_ =	shalt  }
0x5a: {  	_ =	shalt  }
0x5b: {  	_ =	shalt  }
0x5c: {  	_ =	shalt  }
0x5d: {  	_ =	shalt  }
0x5e: {  	_ =	shalt  }
0x5f: {  	_ =	shalt  }
0x60: {  	_ =	shalt  }
0x61: {  	_ =	shalt  }
0x62: {  	_ =	shalt  }
0x63: {  	_ =	shalt  }
0x64: {  	_ =	shalt  }
0x65: {  	_ =	shalt  }
0x66: {  	_ =	shalt  }
0x67: {  	_ =	shalt  }
0x68: {  	_ =	shalt  }
0x69: {  	_ =	shalt  }
0x6a: {  	_ =	shalt  }
0x6b: {  	_ =	shalt  }
0x6c: {  	_ =	shalt  }
0x6d: {  	_ =	shalt  }
0x6e: {  	_ =	shalt  }
0x6f: {  	_ =	shalt  }
0x70: {  	_ =	shalt  }
0x71: {  	_ =	shalt  }
0x72: {  	_ =	shalt  }
0x73: {  	_ =	shalt  }
0x74: {  	_ =	shalt  }
0x75: {  	_ =	shalt  }
0x76: {  	_ =	shalt  }
0x77: {  	_ =	shalt  }
0x78: {  	_ =	shalt  }
0x79: {  	_ =	shalt  }
0x7a: {  	_ =	shalt  }
0x7b: {  	_ =	shalt  }
0x7c: {  	_ =	shalt  }
0x7d: {  	_ =	shalt  }
0x7e: {  	_ =	shalt  }
0x7f: {  	_ =	shalt  }
0x80: {  	_ =	shalt  }
0x81: {  	_ =	shalt  }
0x82: {  	_ =	shalt  }
0x83: {  	_ =	shalt  }
0x84: {  	_ =	shalt  }
0x85: {  	_ =	shalt  }
0x86: {  	_ =	shalt  }
0x87: {  	_ =	shalt  }
.Lfunc_end0:
.L_simem_size_0:
called_computation.1_lowered:
.L_overlay_start_0:
0x88: {  	s2 =	sld [smem:$0x3FD9]  }
0x89: {  	s3 =	sld [smem:$0x3FFE];
	_ =	sdelay $0x1  }
0x8a: {  	s1 =	srdreg.scid  }
0x8b: {  	s0 =	sand.u32 $0x1, s1  }
0x8c: {  	s16 =	sshll.u32 s0, $0xA;
	s2 =	sadd.s32 s3, s2  }
0x8d: {  	s2 =	sadd.s32 s2, s16  }
0x8e: {  	[smem:$0x3FBB] =	sst s2  }
0x8f: {  	_ = 	snop  }
0x90: {  	(tm) =	ssettm $0x1  }
0x91: {  	s17 =	sld [smem:$0x3FFB];
	_ =	sdelay $0x3  }
0x92: {  	_ =	strace s17  }
0x93: {  	s2 =	sld [smem:$0x3FFC];
	_ =	sdelay $0x3  }
0x94: {  	_ =	strace s2  }
0x95: {  	s2 =	sld [smem:$0x3FFD];
	_ =	sdelay $0x3  }
0x96: {  	_ =	strace s2  }
0x97: {  	_ =	strace $0x8FFFFFFF  }
0x98: {  	s18 =	sld [smem:$0x3FDB];
	_ =	sdelay $0x1  }
0x99: {  	s19 =	simm.s32 $_scs_section_size  }
0x9a: {  	s4 =	simm.s32 $_size__tile_overlayer_lowered;
	s5 =	simm.s32 $_tile_overlayer_lowered  }
0x9b: {  	s22 =	simm.s32 $0x1BFF;
	s21 =	sshll.u32 s5, $0x1;
	s2 =	sadd.s32 s19, s18  }
0x9c: {  	s6 =	simm.s32 $0x0;
	s20 =	sshll.u32 s4, $0x1;
	s4 =	sadd.s32 s21, s2  }
0x9d: {  	[timem:s6], [sflag:s22] =	dma.local [hbm:s4], s20  }
0x9e: {  	_ =	swait.ge [sflag:s22], s20  }
0x9f: {  	s3 =	ssub.s32 $0x0, s20;
	[sflag:s22] =	ssyncset.done $0x0  }
0xa0: {  	[sflag:s22] =	ssyncadd.s32 s3;
	_ =	sdelay $0x1  }
0xa1: {  	s23 =	simm.s32 $0x1B8B  }
0xa2: {  	_ =	swait.ge [sflag:s23], $0x1  }
0xa3: {  	[sflag:s23] =	ssyncset.done $0x0  }
0xa4: {  	s25 =	simm.s32 $0x1B8E;
	s24 =	sld [smem:$0x3FFE];
	[sflag:s23] =	ssyncadd.s32 $0xFFFFFFFF  }
0xa5: {  	s26 =	simm.s32 $execute0_lowered;
	[smem:$0x3FD2] =	sst s25  }
0xa6: {  	s4 =	sshll.u32 s26, $0x1;
	_ =	strace $0x80000049;
	[dreg:$0x1] =	wrdreg $0xFFFFFFFF  }
0xa7: {  	s28 =	simm.s32 $_size_execute0_lowered;
	s2 =	sadd.s32 s2, s4;
	[dreg:$0x0] =	wrdreg $0x0  }
0xa8: {  	s4 =	sshll.u32 s28, $0x1;
	[dreg:$0x2] =	wrdreg s2  }
0xa9: {  	[dreg:$0x3] =	wrdreg s4  }
0xaa: {  	[dreg:$0x4] =	wrdreg $0xC0  }
0xab: {  	_ =	task [dreg:s6], $0x5FFFF  }
0xac: {  	[dreg:$0x1] =	wrdreg $0xFFFFFFFF  }
0xad: {  	[dreg:$0x0] =	wrdreg $0x60  }
0xae: {  	[dreg:$0x2] =	wrdreg s24  }
0xaf: {  	[dreg:$0x3] =	wrdreg $0x100000  }
0xb0: {  	[dreg:$0x4] =	wrdreg $0x9  }
0xb1: {  	_ =	task.clear_ibuf [dreg:s6], $0x5FFFF;
	_ =	strace $0x90000049  }
0xb2: {  	s29 =	simm.s32 $0x9;
	_ =	strace $0x8000004B  }
0xb3: {  	_ =	swait.ge [sflag:s29], $0x1  }
0xb4: {  	[sflag:s29] =	ssyncadd.s32 $0xFFFFFFFF  }
0xb5: {  	_ =	strace $0x9000004B  }
0xb6: {  	_ =	sfence  }
0xb7: {  	s30 =	sld [smem:$0x0];
	_ =	sdelay $0x2  }
0xb8: {  	s31 =	sshll.u32 s1, $0xD;
	s1 =	sshrl.u32 s1, $0x2  }
0xb9: {  	s3 =	sand.u32 $0x4000, s31;
	s1 =	sadd.s32 s1, s30  }
0xba: {  	s0 =	sor.u32 s3, s0;
	s1 =	sshll.u32 s1, $0x11  }
0xbb: {  	s0 =	sor.u32 s1, s0  }
0xbc: {  	s0 =	sadd.s32 $0x8F2B, s0  }
0xbd: {  	[sflag:s0] =	ssyncadd.remote.s32 $0x1  }
0xbe: {  	_ =	sfence.sel $0xFFFF  }
0xbf: {  	[dreg:$0x0] =	wrdreg $0xFFFFFFFF;
	(pc) =	sbr.abs _section_cstart, $3  }
0xc0: {  	[dreg:$0x1] =	wrdreg $0xFFFFFFFF  }
0xc1: {  	_ =	task.clear_ibuf [dreg:s6], $0x2FFFF;
	_ =	strace $0x9FFFFFFF  }
0xc2: {  	(tm) =	ssettm $0x7FFFFFFF  }
0xc3: {  	_ =	shalt  }
tec
execute0_lowered:
.L_overlay_start_1:
0x0: {  	(tag) =	ssettag $0x1  }
0x1: {  	s6 =	rddreg [dreg:$0x0];
	s1 =	srdreg.scid  }
0x2: {  	s0 =	stileid.u32;
	s2 =	rddreg [dreg:$0x1];
	s3 =	simm.s32 $0x0  }
0x3: {  	s15 =	simm.s32 $0xA000;
	s16 =	simm.s32 $0xC000;
	s17 =	simm.s32 $0x100  }
0x4: {  	s18 =	simm.s32 $0xE000;
	s19 =	simm.s32 $0x1;
	s20 =	simm.s32 $0x2  }
0x5: {  	s21 =	simm.s32 $0x3;
	s22 =	simm.s32 $0x9E00;
	s23 =	simm.s32 $0x4F80  }
0x6: {  	s24 =	simm.s32 $0x9E80;
	s25 =	simm.s32 $0x9F00;
	s5 =	smul.u32 $0x5000, s0  }
0x7: {  	s26 =	simm.s32 $0x9F80;
	s7 =	sand.u32 $0x1, s1;
	s8 =	smul.u32 $0xA000, s0  }
0x8: {  	s28 =	simm.s32 $0x0;
	s1 =	rddreg [dreg:$0x2];
	s4 =	smul.u32 $0x50000, s7  }
0x9: {  	[smem:$0x7FF] =	sst s3;
	s10 =	smul.u32 $0xA0000, s7;
	s7 =	ssub.s32 $0x2, s7  }
0xa: {  	s12 =	sshll.u32 s0, $0x6;
	_ =	strace $0x8000004A;
	s31 =	sshrl.u32 s7, $0x1  }
0xb: {  	s14 =	sadd.s32 s8, s2;
	s9 =	sadd.s32 s5, s4;
	s4 =	sadd.s32 $0x2C600, s6  }
0xc: {  	s5 =	sshrl.u32 s5, $0x3;
	s10 =	sadd.s32 s8, s10;
	s13 =	ssub.s32 s7, s31  }
0xd: {  	s9 =	sshrl.u32 s9, $0x3;
	s11 =	sadd.s32 s5, s6;
	s10 =	sshrl.u32 s10, $0x3  }
0xe: {  	s5 =	sadd.s32 $0xE600, s6;
	s9 =	sadd.s32 s9, s6;
	s10 =	sadd.s32 s10, s6  }
0xf: {  	s6 =	sor.u32 $0x1C04, s12;
	s8 =	sadd.s32 $0x4600, s11;
	s11 =	sshrl.u32 s14, $0x3  }
0x10: {  	s12 =	simm.s32 $0x4;
	s14 =	simm.s32 $0x80;
	s7 =	sadd.s32 $0x18600, s9  }
0x11: {  	s9 =	sadd.s32 $0x54600, s10;
	s10 =	smax.u32 s13, $0x1;
	s13 =	simm.s32 $0x5000  }
.LBB2_1:
0x12: {  	[spmem:s11], [sflag:s6] =	dma.local [hbm:s5], $0x1400  }
0x13: {  	_ =	swait.ge [sflag:s12], $0x1400  }
0x14: {  	[sflag:s12] =	ssyncset.done $0x0  }
0x15: {  	[sflag:s12] =	ssyncadd.s32 $0xFFFFEC00  }
0x16: {  	[tilespmem:s3], [sflag:$0x4] =	stream.linear.gather [hbm4b:s7+s3], $0x5000, $0x38;
	[tilespmem:$0x1A000] =	vst v63  }
0x17: {  	_ =	swait.ge [sflag:s12], $0x5000  }
0x18: {  	[sflag:s12] =	ssyncset.done $0x0  }
0x19: {  	[sflag:s12] =	ssyncadd.s32 $0xFFFFB000  }
0x1a: {  	[tilespmem:s13], [sflag:$0x4] =	stream.linear.gather [hbm4b:s8+s3], $0x5000, $0x38;
	[tilespmem:$0x1A000] =	vst v63  }
0x1b: {  	_ =	swait.ge [sflag:s12], $0x5000  }
0x1c: {  	[sflag:s12] =	ssyncset.done $0x0  }
0x1d: {  	[sflag:s12] =	ssyncadd.s32 $0xFFFFB000  }
0x1e: {  	[bflag:$0x0] =	sbarrier.arrive $0xFFFF  }
0x1f: {  	[tilespmem:s15], [sflag:$0x1] =	stream.indirect.gather [hbm4b:s4+s14], $0x40, s3, s14, $0xb8;
	[tilespmem:$0x1A000] =	vst v63  }
0x20: {  	_ = 	snop  }
0x21: {  	[tilespmem:s16], [sflag:$0x2] =	stream.indirect.gather [hbm4b:s4+s14], $0x40, s14, s14, $0xb8;
	[tilespmem:$0x1A000] =	vst v63  }
0x22: {  	_ = 	snop  }
0x23: {  	[tilespmem:s18], [sflag:$0x3] =	stream.indirect.gather [hbm4b:s4+s14], $0x40, s17, s14, $0xb8;
	[tilespmem:$0x1A000] =	vst v63  }
0x24: {  	_ =	swait.ge [sflag:s19], $0x2000  }
0x25: {  	[sflag:s19] =	ssyncset.done $0x0  }
0x26: {  	s29 =	simm.s32 $0x5000;
	[sflag:s19] =	ssyncadd.s32 $0xFFFFE000  }
0x27: {  	[spmem:s2] =	stream.indirect.scatter.add.f32 [tilespmem:s15], [sflag:$0x4], $0x40, s29, s14, $0xb8;
	[tilespmem:$0x1A000] =	vst v63  }
0x28: {  	_ =	swait.ge [sflag:s12], $0x2000  }
0x29: {  	[sflag:s12] =	ssyncset.done $0x0  }
0x2a: {  	s29 =	simm.s32 $0x180;
	[sflag:s12] =	ssyncadd.s32 $0xFFFFE000  }
0x2b: {  	[tilespmem:s15], [sflag:$0x1] =	stream.indirect.gather [hbm4b:s4+s14], $0x40, s29, s14, $0xb8;
	[tilespmem:$0x1A000] =	vst v63  }
0x2c: {  	_ =	swait.ge [sflag:s20], $0x2000  }
0x2d: {  	[sflag:s20] =	ssyncset.done $0x0  }
0x2e: {  	s29 =	simm.s32 $0x5080;
	[sflag:s20] =	ssyncadd.s32 $0xFFFFE000  }
0x2f: {  	[spmem:s2] =	stream.indirect.scatter.add.f32 [tilespmem:s16], [sflag:$0x4], $0x40, s29, s14, $0xb8;
	[tilespmem:$0x1A000] =	vst v63  }
0x30: {  	_ =	swait.ge [sflag:s12], $0x2000  }
0x31: {  	[sflag:s12] =	ssyncset.done $0x0  }
0x32: {  	s29 =	simm.s32 $0x200;
	[sflag:s12] =	ssyncadd.s32 $0xFFFFE000  }
0x33: {  	[tilespmem:s16], [sflag:$0x2] =	stream.indirect.gather [hbm4b:s4+s14], $0x40, s29, s14, $0xb8;
	[tilespmem:$0x1A000] =	vst v63  }
0x34: {  	_ =	swait.ge [sflag:s21], $0x2000  }
0x35: {  	[sflag:s21] =	ssyncset.done $0x0  }
0x36: {  	s29 =	simm.s32 $0x5100;
	[sflag:s21] =	ssyncadd.s32 $0xFFFFE000  }
0x37: {  	[spmem:s2] =	stream.indirect.scatter.add.f32 [tilespmem:s18], [sflag:$0x4], $0x40, s29, s14, $0xb8;
	[tilespmem:$0x1A000] =	vst v63  }
0x38: {  	_ =	swait.ge [sflag:s12], $0x2000  }
0x39: {  	[sflag:s12] =	ssyncset.done $0x0  }
0x3a: {  	s30 =	simm.s32 $0x280;
	s29 =	simm.s32 $0x600;
	[sflag:s12] =	ssyncadd.s32 $0xFFFFE000  }
.LBB2_2:
0x3b: {  	[tilespmem:s18], [sflag:$0x3] =	stream.indirect.gather [hbm4b:s4+s14], $0x40, s30, s14, $0xb8;
	[tilespmem:$0x1A000] =	vst v63  }
0x3c: {  	s30 =	smov.u32 s29  }
0x3d: {  	p0 =	sne.s32 s29, $0x13200;
	s29 =	sadd.s32 $0x600, s29;
	_ =	swait.ge [sflag:s19], $0x2000  }
0x3e: {  	s30 =	sshra.s32 s30, $0x2;
	[sflag:s19] =	ssyncset.done $0x0  }
0x3f: {  	s31 =	sadd.s32 $0x5000, s30;
	[sflag:s19] =	ssyncadd.s32 $0xFFFFE000  }
0x40: {  	[spmem:s2] =	stream.indirect.scatter.add.f32 [tilespmem:s15], [sflag:$0x4], $0x40, s31, s14, $0xb8;
	[tilespmem:$0x1A000] =	vst v63  }
0x41: {  	_ =	swait.ge [sflag:s12], $0x2000  }
0x42: {  	[sflag:s12] =	ssyncset.done $0x0  }
0x43: {  	s31 =	sadd.s32 $0x180, s30;
	[sflag:s12] =	ssyncadd.s32 $0xFFFFE000  }
0x44: {  	[tilespmem:s15], [sflag:$0x1] =	stream.indirect.gather [hbm4b:s4+s14], $0x40, s31, s14, $0xb8;
	[tilespmem:$0x1A000] =	vst v63  }
0x45: {  	_ =	swait.ge [sflag:s20], $0x2000  }
0x46: {  	[sflag:s20] =	ssyncset.done $0x0  }
0x47: {  	s31 =	sadd.s32 $0x5080, s30;
	[sflag:s20] =	ssyncadd.s32 $0xFFFFE000  }
0x48: {  	[spmem:s2] =	stream.indirect.scatter.add.f32 [tilespmem:s16], [sflag:$0x4], $0x40, s31, s14, $0xb8;
	[tilespmem:$0x1A000] =	vst v63  }
0x49: {  	_ =	swait.ge [sflag:s12], $0x2000  }
0x4a: {  	[sflag:s12] =	ssyncset.done $0x0  }
0x4b: {  	s31 =	sadd.s32 $0x200, s30;
	[sflag:s12] =	ssyncadd.s32 $0xFFFFE000  }
0x4c: {  	[tilespmem:s16], [sflag:$0x2] =	stream.indirect.gather [hbm4b:s4+s14], $0x40, s31, s14, $0xb8;
	[tilespmem:$0x1A000] =	vst v63  }
0x4d: {  	_ =	swait.ge [sflag:s21], $0x2000  }
0x4e: {  	[sflag:s21] =	ssyncset.done $0x0  }
.Ltmp0:
0x4f: {  	s31 =	sadd.s32 $0x5100, s30;
	[sflag:s21] =	ssyncadd.s32 $0xFFFFE000;
	(pc) =	sbr.rel @p0 .LBB2_2-.Ltmp0, $4  }
0x50: {  	[spmem:s2] =	stream.indirect.scatter.add.f32 [tilespmem:s18], [sflag:$0x4], $0x40, s31, s14, $0xb8;
	[tilespmem:$0x1A000] =	vst v63  }
0x51: {  	_ =	swait.ge [sflag:s12], $0x2000  }
0x52: {  	[sflag:s12] =	ssyncset.done $0x0  }
0x53: {  	s30 =	sadd.s32 $0x280, s30;
	[sflag:s12] =	ssyncadd.s32 $0xFFFFE000  }
0x54: {  	[tilespmem:s18], [sflag:$0x3] =	stream.indirect.gather [hbm4b:s4+s14], $0x40, s30, s14, $0xb8;
	[tilespmem:$0x1A000] =	vst v63  }
0x55: {  	_ =	swait.ge [sflag:s19], $0x2000  }
0x56: {  	[sflag:s19] =	ssyncset.done $0x0  }
0x57: {  	[sflag:s19] =	ssyncadd.s32 $0xFFFFE000  }
0x58: {  	[spmem:s2] =	stream.indirect.scatter.add.f32 [tilespmem:s15], [sflag:$0x4], $0x40, s22, s14, $0xb8;
	[tilespmem:$0x1A000] =	vst v63  }
0x59: {  	_ =	swait.ge [sflag:s12], $0x2000  }
0x5a: {  	[sflag:s12] =	ssyncset.done $0x0  }
0x5b: {  	[sflag:s12] =	ssyncadd.s32 $0xFFFFE000  }
0x5c: {  	[tilespmem:s15], [sflag:$0x1] =	stream.indirect.gather [hbm4b:s4+s14], $0x40, s23, s14, $0xb8;
	[tilespmem:$0x1A000] =	vst v63  }
0x5d: {  	_ =	swait.ge [sflag:s20], $0x2000  }
0x5e: {  	[sflag:s20] =	ssyncset.done $0x0  }
0x5f: {  	[sflag:s20] =	ssyncadd.s32 $0xFFFFE000  }
0x60: {  	[spmem:s2] =	stream.indirect.scatter.add.f32 [tilespmem:s16], [sflag:$0x4], $0x40, s24, s14, $0xb8;
	[tilespmem:$0x1A000] =	vst v63  }
0x61: {  	_ =	swait.ge [sflag:s12], $0x2000  }
0x62: {  	[sflag:s12] =	ssyncset.done $0x0  }
0x63: {  	[sflag:s12] =	ssyncadd.s32 $0xFFFFE000  }
0x64: {  	_ =	swait.ge [sflag:s21], $0x2000  }
0x65: {  	[sflag:s21] =	ssyncset.done $0x0  }
0x66: {  	[sflag:s21] =	ssyncadd.s32 $0xFFFFE000  }
0x67: {  	[spmem:s2] =	stream.indirect.scatter.add.f32 [tilespmem:s18], [sflag:$0x4], $0x40, s25, s14, $0xb8;
	[tilespmem:$0x1A000] =	vst v63  }
0x68: {  	_ =	swait.ge [sflag:s12], $0x2000  }
0x69: {  	[sflag:s12] =	ssyncset.done $0x0  }
0x6a: {  	[sflag:s12] =	ssyncadd.s32 $0xFFFFE000  }
0x6b: {  	_ =	swait.ge [sflag:s19], $0x2000  }
0x6c: {  	[sflag:s19] =	ssyncset.done $0x0  }
0x6d: {  	[sflag:s19] =	ssyncadd.s32 $0xFFFFE000  }
0x6e: {  	[spmem:s2] =	stream.indirect.scatter.add.f32 [tilespmem:s15], [sflag:$0x4], $0x40, s26, s14, $0xb8;
	[tilespmem:$0x1A000] =	vst v63  }
0x6f: {  	_ =	swait.ge [sflag:s12], $0x2000  }
0x70: {  	s28 =	sadd.s32 $0x1, s28;
	[sflag:s12] =	ssyncset.done $0x0  }
0x71: {  	p0 =	sne.s32 s28, s10;
	[sflag:s12] =	ssyncadd.s32 $0xFFFFE000  }
.Ltmp1:
0x72: {  	[bflag:$0x0] =	sbarrier.arrive $0xFFFF;
	(pc) =	sbr.rel @p0 .LBB2_1-.Ltmp1, $4  }
0x73: {  	[hbm:s9], [sflag:s6] =	dma.local [spmem:s11], $0x1400  }
0x74: {  	_ =	swait.ge [sflag:s12], $0x1400  }
0x75: {  	[sflag:s12] =	ssyncset.done $0x0  }
0x76: {  	[sflag:s12] =	ssyncadd.s32 $0xFFFFEC00  }
0x77: {  	_ =	sfence.sel $0x180000  }
0x78: {  	[bflag:$0x0] =	sbarrier.arrive $0xFFFF  }
0x79: {  	p0 =	sne.s32 s0, $0x0;
	_ =	strace $0x9000004A  }
0x7a: {  	s0 =	sadd.s32 @!p0 $0x100000, s1;
	[bflag:$0x2] =	sbarrier.arrive $0xFFFF  }
0x7b: {  	[sflag:s0] =	ssyncadd.tile.s32 @!p0 $0x1;
	_ =	shalt  }
.Lfunc_end2:
_tile_overlayer_lowered:
.L_overlay_start_2:
0x7c: {  	(tag) =	ssettag $0x2  }
0x7d: {  	s0 =	rddreg [dreg:$0x0];
	s2 =	stileid.u32  }
0x7e: {  	s1 =	rddreg [dreg:$0x1];
	p0 =	sne.s32 s2, $0x0  }
0x7f: {  	s3 =	rddreg [dreg:$0x2];
	[bflag:$0x3] =	sbarrier.arrive $0xFFFF;
	s2 =	simm.s32 @!p0 $0x1C04  }
0x80: {  	[timem:s3], [sflag:s2] =	dma.local @!p0 [hbm:s0], s1  }
0x81: {  	s0 =	simm.s32 @!p0 $0x4  }
0x82: {  	_ =	swait.ge @!p0 [sflag:s0], s1  }
0x83: {  	s1 =	ssub.s32 @!p0 $0x0, s1;
	[sflag:s0] =	ssyncset.done @!p0 $0x0  }
0x84: {  	[sflag:s0] =	ssyncadd.s32 @!p0 s1  }
0x85: {  	[bflag:$0x3] =	sbarrier.arrive $0xFFFF  }
0x86: {  	_ =	shalt  }

// kernel: kernel.17.cloned.1.call-start
scs
__scs_entry_jumppad:
0x0: {  	(pc) =	sbr.rel $0x88, $3  }
0x1: {  	(tag) =	ssettag $0x0;
	lr =	simm.s32 $0x1  }
0x2: {  	[smem:$0x3F94] =	sst lr;
	_ =	strace $0xD0000000  }
0x3: {  	_ = 	snop  }
0x4: {  	_ = 	snop  }
0x5: {  	_ = 	snop  }
0x6: {  	_ = 	snop  }
0x7: {  	_ = 	snop  }
__scs_overlays_trampoline_lowered:
0x8: {  	[smem:$0x3FA3] =	sst s0  }
0x9: {  	[smem:$0x3FA4] =	sst s1  }
0xa: {  	[smem:$0x3FA5] =	sst s2  }
0xb: {  	[smem:$0x3FA6] =	sst s3  }
0xc: {  	[smem:$0x3FA7] =	sst s4  }
0xd: {  	[smem:$0x3FA8] =	sst s5  }
0xe: {  	[smem:$0x3FA9] =	sst s6  }
0xf: {  	[smem:$0x3FAA] =	sst s7  }
0x10: {  	[smem:$0x3FAB] =	sst s8  }
0x11: {  	[smem:$0x3FAC] =	sst s9;
	s0 =	simm.s32 @!p0 $0x0  }
0x12: {  	s1 =	sld [smem:$0x3F92];
	s0 =	simm.s32 @p0 $0x1  }
0x13: {  	[smem:$0x3FAD] =	sst s0;
	s0 =	simm.s32 @!p1 $0x0  }
0x14: {  	s2 =	sld [smem:$0x3F91];
	s0 =	simm.s32 @p1 $0x1  }
0x15: {  	[smem:$0x3FAE] =	sst s0;
	s0 =	simm.s32 @!p2 $0x0  }
0x16: {  	s3 =	sld [smem:$0x3FDB];
	s0 =	simm.s32 @p2 $0x1  }
0x17: {  	s4 =	simm.s32 $0x1BF5;
	[smem:$0x3FB0] =	sst s0  }
0x18: {  	s0 =	sld [smem:$0x3F93];
	_ =	swait.ge [sflag:s4], $0x0  }
0x19: {  	s7 =	sld [smem:$0x3F94]  }
0x1a: {  	s8 =	sadd.s32 $0xFFFFE003, lr  }
0x1b: {  	s9 =	sadd.s32 $0xFFFFFEF7, lr;
	s5 =	simm.s32 $0xFFFFFFFF;
	p2 =	slt.u32 s8, $0xFFFFF086  }
0x1c: {  	p1 =	slt.u32 s9, $0xF7A;
	s5 =	simm.s32 @!p2 $0x0  }
0x1d: {  	s5 =	simm.s32 @p1 $0x1;
	p0 =	seq.s32 s7, s2  }
0x1e: {  	s7 =	smul.u32 @!p0 $0xF7A, s2;
	p2 =	seq.s32 @!p0 s5, $0x0  }
0x1f: {  	s9 =	smul.u32 $0xF7A, s1;
	s8 =	simm.s32 @!p0 $0x1BF5;
	p2 =	por !p2, p0  }
0x20: {  	[sflag:s8] =	ssyncset.s32 @!p0 $0xFFFFF086;
	s6 =	sadd.s32 @!p0 s3, s7;
	s7 =	simm.s32 @!p0 $0x108  }
0x21: {  	s3 =	sadd.s32 s3, s9;
	s6 =	sadd.s32 @!p0 $0x88, s6;
	s7 =	simm.s32 @p2 $0x1082  }
0x22: {  	[simem:s7], [sflag:s8] =	dma.local @!p0 [hbm:s6], $0xF7A  }
0x23: {  	s9 =	sor.u32 $0xD0000000, s2;
	s6 =	simm.s32 $0x108;
	_ =	swait.ge @!p0 [sflag:s8], $0x0  }
0x24: {  	s3 =	sadd.s32 $0x88, s3;
	s6 =	simm.s32 @!p1 $0x1082;
	[sflag:s4] =	ssyncset.s32 $0xFFFFF086  }
0x25: {  	[simem:s6], [sflag:s4] =	dma.local [hbm:s3], $0xF7A  }
0x26: {  	[smem:$0x3F94] =	sst s1;
	(tag) =	ssettag s2;
	_ =	strace s9  }
0x27: {  	s1 =	sld [smem:$0x3FA4]  }
0x28: {  	s2 =	sld [smem:$0x3FA5]  }
0x29: {  	s4 =	sld [smem:$0x3FA7]  }
0x2a: {  	p0 =	seq.s32 s5, $0x0;
	s5 =	sld [smem:$0x3FA8]  }
0x2b: {  	s6 =	sld [smem:$0x3FA9]  }
0x2c: {  	s7 =	sld [smem:$0x3FAA]  }
0x2d: {  	s3 =	simm.s32 $0x108;
	s8 =	sld [smem:$0x3FAB]  }
0x2e: {  	s3 =	simm.s32 @!p0 $0x1082;
	s9 =	sld [smem:$0x3FAC]  }
0x2f: {  	lr =	sadd.s32 s0, s3;
	s0 =	sld [smem:$0x3FA3]  }
0x30: {  	s3 =	sld [smem:$0x3FA6]  }
0x31: {  	[smem:$0x3FAF] =	sst s10  }
0x32: {  	s10 =	sld [smem:$0x3FAD];
	_ =	sdelay $0x3  }
0x33: {  	p0 =	seq.s32 s10, $0x1;
	s10 =	sld [smem:$0x3FAF];
	_ =	sdelay $0x3  }
0x34: {  	[smem:$0x3FAF] =	sst s10  }
0x35: {  	s10 =	sld [smem:$0x3FAE];
	_ =	sdelay $0x3  }
0x36: {  	p1 =	seq.s32 s10, $0x1;
	s10 =	sld [smem:$0x3FAF];
	_ =	sdelay $0x3  }
0x37: {  	[smem:$0x3FAF] =	sst s10  }
0x38: {  	s10 =	sld [smem:$0x3FB0]  }
0x39: {  	_ = 	snop;
	(pc) =	sbr.ind lr, $3  }
0x3a: {  	_ = 	snop  }
0x3b: {  	_ = 	snop  }
0x3c: {  	p2 =	seq.s32 s10, $0x1;
	s10 =	sld [smem:$0x3FAF]  }
0x3d: {  	_ =	shalt  }
0x3e: {  	_ =	shalt  }
0x3f: {  	_ =	shalt  }
0x40: {  	_ =	shalt  }
0x41: {  	_ =	shalt  }
0x42: {  	_ =	shalt  }
0x43: {  	_ =	shalt  }
0x44: {  	_ =	shalt  }
0x45: {  	_ =	shalt  }
0x46: {  	_ =	shalt  }
0x47: {  	_ =	shalt  }
0x48: {  	_ =	shalt  }
0x49: {  	_ =	shalt  }
0x4a: {  	_ =	shalt  }
0x4b: {  	_ =	shalt  }
0x4c: {  	_ =	shalt  }
0x4d: {  	_ =	shalt  }
0x4e: {  	_ =	shalt  }
0x4f: {  	_ =	shalt  }
0x50: {  	_ =	shalt  }
0x51: {  	_ =	shalt  }
0x52: {  	_ =	shalt  }
0x53: {  	_ =	shalt  }
0x54: {  	_ =	shalt  }
0x55: {  	_ =	shalt  }
0x56: {  	_ =	shalt  }
0x57: {  	_ =	shalt  }
0x58: {  	_ =	shalt  }
0x59: {  	_ =	shalt  }
0x5a: {  	_ =	shalt  }
0x5b: {  	_ =	shalt  }
0x5c: {  	_ =	shalt  }
0x5d: {  	_ =	shalt  }
0x5e: {  	_ =	shalt  }
0x5f: {  	_ =	shalt  }
0x60: {  	_ =	shalt  }
0x61: {  	_ =	shalt  }
0x62: {  	_ =	shalt  }
0x63: {  	_ =	shalt  }
0x64: {  	_ =	shalt  }
0x65: {  	_ =	shalt  }
0x66: {  	_ =	shalt  }
0x67: {  	_ =	shalt  }
0x68: {  	_ =	shalt  }
0x69: {  	_ =	shalt  }
0x6a: {  	_ =	shalt  }
0x6b: {  	_ =	shalt  }
0x6c: {  	_ =	shalt  }
0x6d: {  	_ =	shalt  }
0x6e: {  	_ =	shalt  }
0x6f: {  	_ =	shalt  }
0x70: {  	_ =	shalt  }
0x71: {  	_ =	shalt  }
0x72: {  	_ =	shalt  }
0x73: {  	_ =	shalt  }
0x74: {  	_ =	shalt  }
0x75: {  	_ =	shalt  }
0x76: {  	_ =	shalt  }
0x77: {  	_ =	shalt  }
0x78: {  	_ =	shalt  }
0x79: {  	_ =	shalt  }
0x7a: {  	_ =	shalt  }
0x7b: {  	_ =	shalt  }
0x7c: {  	_ =	shalt  }
0x7d: {  	_ =	shalt  }
0x7e: {  	_ =	shalt  }
0x7f: {  	_ =	shalt  }
0x80: {  	_ =	shalt  }
0x81: {  	_ =	shalt  }
0x82: {  	_ =	shalt  }
0x83: {  	_ =	shalt  }
0x84: {  	_ =	shalt  }
0x85: {  	_ =	shalt  }
0x86: {  	_ =	shalt  }
0x87: {  	_ =	shalt  }
.Lfunc_end0:
.L_simem_size_0:
called_computation.2_lowered:
.L_overlay_start_0:
0x88: {  	s2 =	sld [smem:$0x3FD9]  }
0x89: {  	s3 =	sld [smem:$0x3FFE];
	_ =	sdelay $0x1  }
0x8a: {  	s1 =	srdreg.scid  }
0x8b: {  	s0 =	sand.u32 $0x1, s1  }
0x8c: {  	s16 =	sshll.u32 s0, $0xA;
	s2 =	sadd.s32 s3, s2  }
0x8d: {  	s2 =	sadd.s32 s2, s16  }
0x8e: {  	[smem:$0x3FBB] =	sst s2  }
0x8f: {  	_ = 	snop  }
0x90: {  	(tm) =	ssettm $0x1  }
0x91: {  	s17 =	sld [smem:$0x3FFB];
	_ =	sdelay $0x3  }
0x92: {  	_ =	strace s17  }
0x93: {  	s2 =	sld [smem:$0x3FFC];
	_ =	sdelay $0x3  }
0x94: {  	_ =	strace s2  }
0x95: {  	s2 =	sld [smem:$0x3FFD];
	_ =	sdelay $0x3  }
0x96: {  	_ =	strace s2  }
0x97: {  	_ =	strace $0x8FFFFFFF  }
0x98: {  	s18 =	sld [smem:$0x3FDB];
	_ =	sdelay $0x1  }
0x99: {  	s19 =	simm.s32 $_scs_section_size  }
0x9a: {  	s4 =	simm.s32 $_size__tile_overlayer_lowered;
	s5 =	simm.s32 $_tile_overlayer_lowered  }
0x9b: {  	s22 =	simm.s32 $0x1BFF;
	s21 =	sshll.u32 s5, $0x1;
	s2 =	sadd.s32 s19, s18  }
0x9c: {  	s6 =	simm.s32 $0x0;
	s20 =	sshll.u32 s4, $0x1;
	s4 =	sadd.s32 s21, s2  }
0x9d: {  	[timem:s6], [sflag:s22] =	dma.local [hbm:s4], s20  }
0x9e: {  	_ =	swait.ge [sflag:s22], s20  }
0x9f: {  	s3 =	ssub.s32 $0x0, s20;
	[sflag:s22] =	ssyncset.done $0x0  }
0xa0: {  	[sflag:s22] =	ssyncadd.s32 s3;
	_ =	sdelay $0x1  }
0xa1: {  	s23 =	simm.s32 $0x1B8B  }
0xa2: {  	_ =	swait.ge [sflag:s23], $0x1  }
0xa3: {  	[sflag:s23] =	ssyncset.done $0x0  }
0xa4: {  	s25 =	simm.s32 $0x1B8E;
	s24 =	sld [smem:$0x3FFE];
	[sflag:s23] =	ssyncadd.s32 $0xFFFFFFFF  }
0xa5: {  	s26 =	simm.s32 $execute0_lowered;
	[smem:$0x3FD2] =	sst s25  }
0xa6: {  	s4 =	sshll.u32 s26, $0x1;
	_ =	strace $0x8000004C;
	[dreg:$0x1] =	wrdreg $0xFFFFFFFF  }
0xa7: {  	s28 =	simm.s32 $_size_execute0_lowered;
	s2 =	sadd.s32 s2, s4;
	[dreg:$0x0] =	wrdreg $0x0  }
0xa8: {  	s4 =	sshll.u32 s28, $0x1;
	[dreg:$0x2] =	wrdreg s2  }
0xa9: {  	[dreg:$0x3] =	wrdreg s4  }
0xaa: {  	[dreg:$0x4] =	wrdreg $0xC0  }
0xab: {  	_ =	task [dreg:s6], $0x5FFFF  }
0xac: {  	[dreg:$0x1] =	wrdreg $0xFFFFFFFF  }
0xad: {  	[dreg:$0x0] =	wrdreg $0x60  }
0xae: {  	[dreg:$0x2] =	wrdreg s24  }
0xaf: {  	[dreg:$0x3] =	wrdreg $0x100000  }
0xb0: {  	[dreg:$0x4] =	wrdreg $0x9  }
0xb1: {  	_ =	task.clear_ibuf [dreg:s6], $0x5FFFF;
	_ =	strace $0x9000004C  }
0xb2: {  	s29 =	simm.s32 $0x9;
	_ =	strace $0x8000004E  }
0xb3: {  	_ =	swait.ge [sflag:s29], $0x1  }
0xb4: {  	[sflag:s29] =	ssyncadd.s32 $0xFFFFFFFF  }
0xb5: {  	_ =	strace $0x9000004E  }
0xb6: {  	_ =	sfence  }
0xb7: {  	s30 =	sld [smem:$0x0];
	_ =	sdelay $0x2  }
0xb8: {  	s31 =	sshll.u32 s1, $0xD;
	s1 =	sshrl.u32 s1, $0x2  }
0xb9: {  	s3 =	sand.u32 $0x4000, s31;
	s1 =	sadd.s32 s1, s30  }
0xba: {  	s0 =	sor.u32 s3, s0;
	s1 =	sshll.u32 s1, $0x11  }
0xbb: {  	s0 =	sor.u32 s1, s0  }
0xbc: {  	s0 =	sadd.s32 $0x8F2B, s0  }
0xbd: {  	[sflag:s0] =	ssyncadd.remote.s32 $0x1  }
0xbe: {  	_ =	sfence.sel $0xFFFF  }
0xbf: {  	[dreg:$0x0] =	wrdreg $0xFFFFFFFF;
	(pc) =	sbr.abs _section_cstart, $3  }
0xc0: {  	[dreg:$0x1] =	wrdreg $0xFFFFFFFF  }
0xc1: {  	_ =	task.clear_ibuf [dreg:s6], $0x2FFFF;
	_ =	strace $0x9FFFFFFF  }
0xc2: {  	(tm) =	ssettm $0x7FFFFFFF  }
0xc3: {  	_ =	shalt  }
tec
execute0_lowered:
.L_overlay_start_1:
0x0: {  	(tag) =	ssettag $0x1  }
0x1: {  	s6 =	rddreg [dreg:$0x0];
	s1 =	srdreg.scid  }
0x2: {  	s0 =	stileid.u32;
	s2 =	rddreg [dreg:$0x1];
	s3 =	simm.s32 $0x0  }
0x3: {  	s15 =	simm.s32 $0xA000;
	s16 =	simm.s32 $0xC000;
	s17 =	simm.s32 $0x100  }
0x4: {  	s18 =	simm.s32 $0xE000;
	s19 =	simm.s32 $0x1;
	s20 =	simm.s32 $0x2  }
0x5: {  	s21 =	simm.s32 $0x3;
	s22 =	simm.s32 $0x9E00;
	s23 =	simm.s32 $0x4F80  }
0x6: {  	s24 =	simm.s32 $0x9E80;
	s25 =	simm.s32 $0x9F00;
	s5 =	smul.u32 $0x5000, s0  }
0x7: {  	s26 =	simm.s32 $0x9F80;
	s7 =	sand.u32 $0x1, s1;
	s8 =	smul.u32 $0xA000, s0  }
0x8: {  	s28 =	simm.s32 $0x0;
	s1 =	rddreg [dreg:$0x2];
	s4 =	smul.u32 $0x50000, s7  }
0x9: {  	[smem:$0x7FF] =	sst s3;
	s10 =	smul.u32 $0xA0000, s7;
	s7 =	ssub.s32 $0x2, s7  }
0xa: {  	s12 =	sshll.u32 s0, $0x6;
	_ =	strace $0x8000004D;
	s31 =	sshrl.u32 s7, $0x1  }
0xb: {  	s14 =	sadd.s32 s8, s2;
	s9 =	sadd.s32 s5, s4;
	s4 =	sadd.s32 $0x2C600, s6  }
0xc: {  	s5 =	sshrl.u32 s5, $0x3;
	s10 =	sadd.s32 s8, s10;
	s13 =	ssub.s32 s7, s31  }
0xd: {  	s9 =	sshrl.u32 s9, $0x3;
	s11 =	sadd.s32 s5, s6;
	s10 =	sshrl.u32 s10, $0x3  }
0xe: {  	s5 =	sadd.s32 $0xE600, s6;
	s9 =	sadd.s32 s9, s6;
	s10 =	sadd.s32 s10, s6  }
0xf: {  	s6 =	sor.u32 $0x1C04, s12;
	s8 =	sadd.s32 $0x4600, s11;
	s11 =	sshrl.u32 s14, $0x3  }
0x10: {  	s12 =	simm.s32 $0x4;
	s14 =	simm.s32 $0x80;
	s7 =	sadd.s32 $0x18600, s9  }
0x11: {  	s9 =	sadd.s32 $0x54600, s10;
	s10 =	smax.u32 s13, $0x1;
	s13 =	simm.s32 $0x5000  }
.LBB2_1:
0x12: {  	[spmem:s11], [sflag:s6] =	dma.local [hbm:s5], $0x1400  }
0x13: {  	_ =	swait.ge [sflag:s12], $0x1400  }
0x14: {  	[sflag:s12] =	ssyncset.done $0x0  }
0x15: {  	[sflag:s12] =	ssyncadd.s32 $0xFFFFEC00  }
0x16: {  	[tilespmem:s3], [sflag:$0x4] =	stream.linear.gather [hbm4b:s7+s3], $0x5000, $0x38;
	[tilespmem:$0x1A000] =	vst v63  }
0x17: {  	_ =	swait.ge [sflag:s12], $0x5000  }
0x18: {  	[sflag:s12] =	ssyncset.done $0x0  }
0x19: {  	[sflag:s12] =	ssyncadd.s32 $0xFFFFB000  }
0x1a: {  	[tilespmem:s13], [sflag:$0x4] =	stream.linear.gather [hbm4b:s8+s3], $0x5000, $0x38;
	[tilespmem:$0x1A000] =	vst v63  }
0x1b: {  	_ =	swait.ge [sflag:s12], $0x5000  }
0x1c: {  	[sflag:s12] =	ssyncset.done $0x0  }
0x1d: {  	[sflag:s12] =	ssyncadd.s32 $0xFFFFB000  }
0x1e: {  	[bflag:$0x0] =	sbarrier.arrive $0xFFFF  }
0x1f: {  	[tilespmem:s15], [sflag:$0x1] =	stream.indirect.gather [hbm4b:s4+s14], $0x40, s3, s14, $0xb8;
	[tilespmem:$0x1A000] =	vst v63  }
0x20: {  	_ = 	snop  }
0x21: {  	[tilespmem:s16], [sflag:$0x2] =	stream.indirect.gather [hbm4b:s4+s14], $0x40, s14, s14, $0xb8;
	[tilespmem:$0x1A000] =	vst v63  }
0x22: {  	_ = 	snop  }
0x23: {  	[tilespmem:s18], [sflag:$0x3] =	stream.indirect.gather [hbm4b:s4+s14], $0x40, s17, s14, $0xb8;
	[tilespmem:$0x1A000] =	vst v63  }
0x24: {  	_ =	swait.ge [sflag:s19], $0x2000  }
0x25: {  	[sflag:s19] =	ssyncset.done $0x0  }
0x26: {  	s29 =	simm.s32 $0x5000;
	[sflag:s19] =	ssyncadd.s32 $0xFFFFE000  }
0x27: {  	[spmem:s2] =	stream.indirect.scatter.add.f32 [tilespmem:s15], [sflag:$0x4], $0x40, s29, s14, $0xb8;
	[tilespmem:$0x1A000] =	vst v63  }
0x28: {  	_ =	swait.ge [sflag:s12], $0x2000  }
0x29: {  	[sflag:s12] =	ssyncset.done $0x0  }
0x2a: {  	s29 =	simm.s32 $0x180;
	[sflag:s12] =	ssyncadd.s32 $0xFFFFE000  }
0x2b: {  	[tilespmem:s15], [sflag:$0x1] =	stream.indirect.gather [hbm4b:s4+s14], $0x40, s29, s14, $0xb8;
	[tilespmem:$0x1A000] =	vst v63  }
0x2c: {  	_ =	swait.ge [sflag:s20], $0x2000  }
0x2d: {  	[sflag:s20] =	ssyncset.done $0x0  }
0x2e: {  	s29 =	simm.s32 $0x5080;
	[sflag:s20] =	ssyncadd.s32 $0xFFFFE000  }
0x2f: {  	[spmem:s2] =	stream.indirect.scatter.add.f32 [tilespmem:s16], [sflag:$0x4], $0x40, s29, s14, $0xb8;
	[tilespmem:$0x1A000] =	vst v63  }
0x30: {  	_ =	swait.ge [sflag:s12], $0x2000  }
0x31: {  	[sflag:s12] =	ssyncset.done $0x0  }
0x32: {  	s29 =	simm.s32 $0x200;
	[sflag:s12] =	ssyncadd.s32 $0xFFFFE000  }
0x33: {  	[tilespmem:s16], [sflag:$0x2] =	stream.indirect.gather [hbm4b:s4+s14], $0x40, s29, s14, $0xb8;
	[tilespmem:$0x1A000] =	vst v63  }
0x34: {  	_ =	swait.ge [sflag:s21], $0x2000  }
0x35: {  	[sflag:s21] =	ssyncset.done $0x0  }
0x36: {  	s29 =	simm.s32 $0x5100;
	[sflag:s21] =	ssyncadd.s32 $0xFFFFE000  }
0x37: {  	[spmem:s2] =	stream.indirect.scatter.add.f32 [tilespmem:s18], [sflag:$0x4], $0x40, s29, s14, $0xb8;
	[tilespmem:$0x1A000] =	vst v63  }
0x38: {  	_ =	swait.ge [sflag:s12], $0x2000  }
0x39: {  	[sflag:s12] =	ssyncset.done $0x0  }
0x3a: {  	s30 =	simm.s32 $0x280;
	s29 =	simm.s32 $0x600;
	[sflag:s12] =	ssyncadd.s32 $0xFFFFE000  }
.LBB2_2:
0x3b: {  	[tilespmem:s18], [sflag:$0x3] =	stream.indirect.gather [hbm4b:s4+s14], $0x40, s30, s14, $0xb8;
	[tilespmem:$0x1A000] =	vst v63  }
0x3c: {  	s30 =	smov.u32 s29  }
0x3d: {  	p0 =	sne.s32 s29, $0x13200;
	s29 =	sadd.s32 $0x600, s29;
	_ =	swait.ge [sflag:s19], $0x2000  }
0x3e: {  	s30 =	sshra.s32 s30, $0x2;
	[sflag:s19] =	ssyncset.done $0x0  }
0x3f: {  	s31 =	sadd.s32 $0x5000, s30;
	[sflag:s19] =	ssyncadd.s32 $0xFFFFE000  }
0x40: {  	[spmem:s2] =	stream.indirect.scatter.add.f32 [tilespmem:s15], [sflag:$0x4], $0x40, s31, s14, $0xb8;
	[tilespmem:$0x1A000] =	vst v63  }
0x41: {  	_ =	swait.ge [sflag:s12], $0x2000  }
0x42: {  	[sflag:s12] =	ssyncset.done $0x0  }
0x43: {  	s31 =	sadd.s32 $0x180, s30;
	[sflag:s12] =	ssyncadd.s32 $0xFFFFE000  }
0x44: {  	[tilespmem:s15], [sflag:$0x1] =	stream.indirect.gather [hbm4b:s4+s14], $0x40, s31, s14, $0xb8;
	[tilespmem:$0x1A000] =	vst v63  }
0x45: {  	_ =	swait.ge [sflag:s20], $0x2000  }
0x46: {  	[sflag:s20] =	ssyncset.done $0x0  }
0x47: {  	s31 =	sadd.s32 $0x5080, s30;
	[sflag:s20] =	ssyncadd.s32 $0xFFFFE000  }
0x48: {  	[spmem:s2] =	stream.indirect.scatter.add.f32 [tilespmem:s16], [sflag:$0x4], $0x40, s31, s14, $0xb8;
	[tilespmem:$0x1A000] =	vst v63  }
0x49: {  	_ =	swait.ge [sflag:s12], $0x2000  }
0x4a: {  	[sflag:s12] =	ssyncset.done $0x0  }
0x4b: {  	s31 =	sadd.s32 $0x200, s30;
	[sflag:s12] =	ssyncadd.s32 $0xFFFFE000  }
0x4c: {  	[tilespmem:s16], [sflag:$0x2] =	stream.indirect.gather [hbm4b:s4+s14], $0x40, s31, s14, $0xb8;
	[tilespmem:$0x1A000] =	vst v63  }
0x4d: {  	_ =	swait.ge [sflag:s21], $0x2000  }
0x4e: {  	[sflag:s21] =	ssyncset.done $0x0  }
.Ltmp0:
0x4f: {  	s31 =	sadd.s32 $0x5100, s30;
	[sflag:s21] =	ssyncadd.s32 $0xFFFFE000;
	(pc) =	sbr.rel @p0 .LBB2_2-.Ltmp0, $4  }
0x50: {  	[spmem:s2] =	stream.indirect.scatter.add.f32 [tilespmem:s18], [sflag:$0x4], $0x40, s31, s14, $0xb8;
	[tilespmem:$0x1A000] =	vst v63  }
0x51: {  	_ =	swait.ge [sflag:s12], $0x2000  }
0x52: {  	[sflag:s12] =	ssyncset.done $0x0  }
0x53: {  	s30 =	sadd.s32 $0x280, s30;
	[sflag:s12] =	ssyncadd.s32 $0xFFFFE000  }
0x54: {  	[tilespmem:s18], [sflag:$0x3] =	stream.indirect.gather [hbm4b:s4+s14], $0x40, s30, s14, $0xb8;
	[tilespmem:$0x1A000] =	vst v63  }
0x55: {  	_ =	swait.ge [sflag:s19], $0x2000  }
0x56: {  	[sflag:s19] =	ssyncset.done $0x0  }
0x57: {  	[sflag:s19] =	ssyncadd.s32 $0xFFFFE000  }
0x58: {  	[spmem:s2] =	stream.indirect.scatter.add.f32 [tilespmem:s15], [sflag:$0x4], $0x40, s22, s14, $0xb8;
	[tilespmem:$0x1A000] =	vst v63  }
0x59: {  	_ =	swait.ge [sflag:s12], $0x2000  }
0x5a: {  	[sflag:s12] =	ssyncset.done $0x0  }
0x5b: {  	[sflag:s12] =	ssyncadd.s32 $0xFFFFE000  }
0x5c: {  	[tilespmem:s15], [sflag:$0x1] =	stream.indirect.gather [hbm4b:s4+s14], $0x40, s23, s14, $0xb8;
	[tilespmem:$0x1A000] =	vst v63  }
0x5d: {  	_ =	swait.ge [sflag:s20], $0x2000  }
0x5e: {  	[sflag:s20] =	ssyncset.done $0x0  }
0x5f: {  	[sflag:s20] =	ssyncadd.s32 $0xFFFFE000  }
0x60: {  	[spmem:s2] =	stream.indirect.scatter.add.f32 [tilespmem:s16], [sflag:$0x4], $0x40, s24, s14, $0xb8;
	[tilespmem:$0x1A000] =	vst v63  }
0x61: {  	_ =	swait.ge [sflag:s12], $0x2000  }
0x62: {  	[sflag:s12] =	ssyncset.done $0x0  }
0x63: {  	[sflag:s12] =	ssyncadd.s32 $0xFFFFE000  }
0x64: {  	_ =	swait.ge [sflag:s21], $0x2000  }
0x65: {  	[sflag:s21] =	ssyncset.done $0x0  }
0x66: {  	[sflag:s21] =	ssyncadd.s32 $0xFFFFE000  }
0x67: {  	[spmem:s2] =	stream.indirect.scatter.add.f32 [tilespmem:s18], [sflag:$0x4], $0x40, s25, s14, $0xb8;
	[tilespmem:$0x1A000] =	vst v63  }
0x68: {  	_ =	swait.ge [sflag:s12], $0x2000  }
0x69: {  	[sflag:s12] =	ssyncset.done $0x0  }
0x6a: {  	[sflag:s12] =	ssyncadd.s32 $0xFFFFE000  }
0x6b: {  	_ =	swait.ge [sflag:s19], $0x2000  }
0x6c: {  	[sflag:s19] =	ssyncset.done $0x0  }
0x6d: {  	[sflag:s19] =	ssyncadd.s32 $0xFFFFE000  }
0x6e: {  	[spmem:s2] =	stream.indirect.scatter.add.f32 [tilespmem:s15], [sflag:$0x4], $0x40, s26, s14, $0xb8;
	[tilespmem:$0x1A000] =	vst v63  }
0x6f: {  	_ =	swait.ge [sflag:s12], $0x2000  }
0x70: {  	s28 =	sadd.s32 $0x1, s28;
	[sflag:s12] =	ssyncset.done $0x0  }
0x71: {  	p0 =	sne.s32 s28, s10;
	[sflag:s12] =	ssyncadd.s32 $0xFFFFE000  }
.Ltmp1:
0x72: {  	[bflag:$0x0] =	sbarrier.arrive $0xFFFF;
	(pc) =	sbr.rel @p0 .LBB2_1-.Ltmp1, $4  }
0x73: {  	[hbm:s9], [sflag:s6] =	dma.local [spmem:s11], $0x1400  }
0x74: {  	_ =	swait.ge [sflag:s12], $0x1400  }
0x75: {  	[sflag:s12] =	ssyncset.done $0x0  }
0x76: {  	[sflag:s12] =	ssyncadd.s32 $0xFFFFEC00  }
0x77: {  	_ =	sfence.sel $0x180000  }
0x78: {  	[bflag:$0x0] =	sbarrier.arrive $0xFFFF  }
0x79: {  	p0 =	sne.s32 s0, $0x0;
	_ =	strace $0x9000004D  }
0x7a: {  	s0 =	sadd.s32 @!p0 $0x100000, s1;
	[bflag:$0x2] =	sbarrier.arrive $0xFFFF  }
0x7b: {  	[sflag:s0] =	ssyncadd.tile.s32 @!p0 $0x1;
	_ =	shalt  }
.Lfunc_end2:
_tile_overlayer_lowered:
.L_overlay_start_2:
0x7c: {  	(tag) =	ssettag $0x2  }
0x7d: {  	s0 =	rddreg [dreg:$0x0];
	s2 =	stileid.u32  }
0x7e: {  	s1 =	rddreg [dreg:$0x1];
	p0 =	sne.s32 s2, $0x0  }
0x7f: {  	s3 =	rddreg [dreg:$0x2];
	[bflag:$0x3] =	sbarrier.arrive $0xFFFF;
	s2 =	simm.s32 @!p0 $0x1C04  }
0x80: {  	[timem:s3], [sflag:s2] =	dma.local @!p0 [hbm:s0], s1  }
0x81: {  	s0 =	simm.s32 @!p0 $0x4  }
0x82: {  	_ =	swait.ge @!p0 [sflag:s0], s1  }
0x83: {  	s1 =	ssub.s32 @!p0 $0x0, s1;
	[sflag:s0] =	ssyncset.done @!p0 $0x0  }
0x84: {  	[sflag:s0] =	ssyncadd.s32 @!p0 s1  }
0x85: {  	[bflag:$0x3] =	sbarrier.arrive $0xFFFF  }
0x86: {  	_ =	shalt  }

// kernel: kernel.20.cloned.1.call-start
scs
__scs_entry_jumppad:
0x0: {  	(pc) =	sbr.rel $0x88, $3  }
0x1: {  	(tag) =	ssettag $0x0;
	lr =	simm.s32 $0x1  }
0x2: {  	[smem:$0x3F94] =	sst lr;
	_ =	strace $0xD0000000  }
0x3: {  	_ = 	snop  }
0x4: {  	_ = 	snop  }
0x5: {  	_ = 	snop  }
0x6: {  	_ = 	snop  }
0x7: {  	_ = 	snop  }
__scs_overlays_trampoline_lowered:
0x8: {  	[smem:$0x3FA3] =	sst s0  }
0x9: {  	[smem:$0x3FA4] =	sst s1  }
0xa: {  	[smem:$0x3FA5] =	sst s2  }
0xb: {  	[smem:$0x3FA6] =	sst s3  }
0xc: {  	[smem:$0x3FA7] =	sst s4  }
0xd: {  	[smem:$0x3FA8] =	sst s5  }
0xe: {  	[smem:$0x3FA9] =	sst s6  }
0xf: {  	[smem:$0x3FAA] =	sst s7  }
0x10: {  	[smem:$0x3FAB] =	sst s8  }
0x11: {  	[smem:$0x3FAC] =	sst s9;
	s0 =	simm.s32 @!p0 $0x0  }
0x12: {  	s1 =	sld [smem:$0x3F92];
	s0 =	simm.s32 @p0 $0x1  }
0x13: {  	[smem:$0x3FAD] =	sst s0;
	s0 =	simm.s32 @!p1 $0x0  }
0x14: {  	s2 =	sld [smem:$0x3F91];
	s0 =	simm.s32 @p1 $0x1  }
0x15: {  	[smem:$0x3FAE] =	sst s0;
	s0 =	simm.s32 @!p2 $0x0  }
0x16: {  	s3 =	sld [smem:$0x3FDB];
	s0 =	simm.s32 @p2 $0x1  }
0x17: {  	s4 =	simm.s32 $0x1BF5;
	[smem:$0x3FB0] =	sst s0  }
0x18: {  	s0 =	sld [smem:$0x3F93];
	_ =	swait.ge [sflag:s4], $0x0  }
0x19: {  	s7 =	sld [smem:$0x3F94]  }
0x1a: {  	s8 =	sadd.s32 $0xFFFFE003, lr  }
0x1b: {  	s9 =	sadd.s32 $0xFFFFFEF7, lr;
	s5 =	simm.s32 $0xFFFFFFFF;
	p2 =	slt.u32 s8, $0xFFFFF086  }
0x1c: {  	p1 =	slt.u32 s9, $0xF7A;
	s5 =	simm.s32 @!p2 $0x0  }
0x1d: {  	s5 =	simm.s32 @p1 $0x1;
	p0 =	seq.s32 s7, s2  }
0x1e: {  	s7 =	smul.u32 @!p0 $0xF7A, s2;
	p2 =	seq.s32 @!p0 s5, $0x0  }
0x1f: {  	s9 =	smul.u32 $0xF7A, s1;
	s8 =	simm.s32 @!p0 $0x1BF5;
	p2 =	por !p2, p0  }
0x20: {  	[sflag:s8] =	ssyncset.s32 @!p0 $0xFFFFF086;
	s6 =	sadd.s32 @!p0 s3, s7;
	s7 =	simm.s32 @!p0 $0x108  }
0x21: {  	s3 =	sadd.s32 s3, s9;
	s6 =	sadd.s32 @!p0 $0x88, s6;
	s7 =	simm.s32 @p2 $0x1082  }
0x22: {  	[simem:s7], [sflag:s8] =	dma.local @!p0 [hbm:s6], $0xF7A  }
0x23: {  	s9 =	sor.u32 $0xD0000000, s2;
	s6 =	simm.s32 $0x108;
	_ =	swait.ge @!p0 [sflag:s8], $0x0  }
0x24: {  	s3 =	sadd.s32 $0x88, s3;
	s6 =	simm.s32 @!p1 $0x1082;
	[sflag:s4] =	ssyncset.s32 $0xFFFFF086  }
0x25: {  	[simem:s6], [sflag:s4] =	dma.local [hbm:s3], $0xF7A  }
0x26: {  	[smem:$0x3F94] =	sst s1;
	(tag) =	ssettag s2;
	_ =	strace s9  }
0x27: {  	s1 =	sld [smem:$0x3FA4]  }
0x28: {  	s2 =	sld [smem:$0x3FA5]  }
0x29: {  	s4 =	sld [smem:$0x3FA7]  }
0x2a: {  	p0 =	seq.s32 s5, $0x0;
	s5 =	sld [smem:$0x3FA8]  }
0x2b: {  	s6 =	sld [smem:$0x3FA9]  }
0x2c: {  	s7 =	sld [smem:$0x3FAA]  }
0x2d: {  	s3 =	simm.s32 $0x108;
	s8 =	sld [smem:$0x3FAB]  }
0x2e: {  	s3 =	simm.s32 @!p0 $0x1082;
	s9 =	sld [smem:$0x3FAC]  }
0x2f: {  	lr =	sadd.s32 s0, s3;
	s0 =	sld [smem:$0x3FA3]  }
0x30: {  	s3 =	sld [smem:$0x3FA6]  }
0x31: {  	[smem:$0x3FAF] =	sst s10  }
0x32: {  	s10 =	sld [smem:$0x3FAD];
	_ =	sdelay $0x3  }
0x33: {  	p0 =	seq.s32 s10, $0x1;
	s10 =	sld [smem:$0x3FAF];
	_ =	sdelay $0x3  }
0x34: {  	[smem:$0x3FAF] =	sst s10  }
0x35: {  	s10 =	sld [smem:$0x3FAE];
	_ =	sdelay $0x3  }
0x36: {  	p1 =	seq.s32 s10, $0x1;
	s10 =	sld [smem:$0x3FAF];
	_ =	sdelay $0x3  }
0x37: {  	[smem:$0x3FAF] =	sst s10  }
0x38: {  	s10 =	sld [smem:$0x3FB0]  }
0x39: {  	_ = 	snop;
	(pc) =	sbr.ind lr, $3  }
0x3a: {  	_ = 	snop  }
0x3b: {  	_ = 	snop  }
0x3c: {  	p2 =	seq.s32 s10, $0x1;
	s10 =	sld [smem:$0x3FAF]  }
0x3d: {  	_ =	shalt  }
0x3e: {  	_ =	shalt  }
0x3f: {  	_ =	shalt  }
0x40: {  	_ =	shalt  }
0x41: {  	_ =	shalt  }
0x42: {  	_ =	shalt  }
0x43: {  	_ =	shalt  }
0x44: {  	_ =	shalt  }
0x45: {  	_ =	shalt  }
0x46: {  	_ =	shalt  }
0x47: {  	_ =	shalt  }
0x48: {  	_ =	shalt  }
0x49: {  	_ =	shalt  }
0x4a: {  	_ =	shalt  }
0x4b: {  	_ =	shalt  }
0x4c: {  	_ =	shalt  }
0x4d: {  	_ =	shalt  }
0x4e: {  	_ =	shalt  }
0x4f: {  	_ =	shalt  }
0x50: {  	_ =	shalt  }
0x51: {  	_ =	shalt  }
0x52: {  	_ =	shalt  }
0x53: {  	_ =	shalt  }
0x54: {  	_ =	shalt  }
0x55: {  	_ =	shalt  }
0x56: {  	_ =	shalt  }
0x57: {  	_ =	shalt  }
0x58: {  	_ =	shalt  }
0x59: {  	_ =	shalt  }
0x5a: {  	_ =	shalt  }
0x5b: {  	_ =	shalt  }
0x5c: {  	_ =	shalt  }
0x5d: {  	_ =	shalt  }
0x5e: {  	_ =	shalt  }
0x5f: {  	_ =	shalt  }
0x60: {  	_ =	shalt  }
0x61: {  	_ =	shalt  }
0x62: {  	_ =	shalt  }
0x63: {  	_ =	shalt  }
0x64: {  	_ =	shalt  }
0x65: {  	_ =	shalt  }
0x66: {  	_ =	shalt  }
0x67: {  	_ =	shalt  }
0x68: {  	_ =	shalt  }
0x69: {  	_ =	shalt  }
0x6a: {  	_ =	shalt  }
0x6b: {  	_ =	shalt  }
0x6c: {  	_ =	shalt  }
0x6d: {  	_ =	shalt  }
0x6e: {  	_ =	shalt  }
0x6f: {  	_ =	shalt  }
0x70: {  	_ =	shalt  }
0x71: {  	_ =	shalt  }
0x72: {  	_ =	shalt  }
0x73: {  	_ =	shalt  }
0x74: {  	_ =	shalt  }
0x75: {  	_ =	shalt  }
0x76: {  	_ =	shalt  }
0x77: {  	_ =	shalt  }
0x78: {  	_ =	shalt  }
0x79: {  	_ =	shalt  }
0x7a: {  	_ =	shalt  }
0x7b: {  	_ =	shalt  }
0x7c: {  	_ =	shalt  }
0x7d: {  	_ =	shalt  }
0x7e: {  	_ =	shalt  }
0x7f: {  	_ =	shalt  }
0x80: {  	_ =	shalt  }
0x81: {  	_ =	shalt  }
0x82: {  	_ =	shalt  }
0x83: {  	_ =	shalt  }
0x84: {  	_ =	shalt  }
0x85: {  	_ =	shalt  }
0x86: {  	_ =	shalt  }
0x87: {  	_ =	shalt  }
.Lfunc_end0:
.L_simem_size_0:
called_computation.3_lowered:
.L_overlay_start_0:
0x88: {  	s2 =	sld [smem:$0x3FD9]  }
0x89: {  	s3 =	sld [smem:$0x3FFE];
	_ =	sdelay $0x1  }
0x8a: {  	s1 =	srdreg.scid  }
0x8b: {  	s0 =	sand.u32 $0x1, s1  }
0x8c: {  	s16 =	sshll.u32 s0, $0xA;
	s2 =	sadd.s32 s3, s2  }
0x8d: {  	s2 =	sadd.s32 s2, s16  }
0x8e: {  	[smem:$0x3FBB] =	sst s2  }
0x8f: {  	_ = 	snop  }
0x90: {  	(tm) =	ssettm $0x1  }
0x91: {  	s17 =	sld [smem:$0x3FFB];
	_ =	sdelay $0x3  }
0x92: {  	_ =	strace s17  }
0x93: {  	s2 =	sld [smem:$0x3FFC];
	_ =	sdelay $0x3  }
0x94: {  	_ =	strace s2  }
0x95: {  	s2 =	sld [smem:$0x3FFD];
	_ =	sdelay $0x3  }
0x96: {  	_ =	strace s2  }
0x97: {  	_ =	strace $0x8FFFFFFF  }
0x98: {  	s18 =	sld [smem:$0x3FDB];
	_ =	sdelay $0x1  }
0x99: {  	s19 =	simm.s32 $_scs_section_size  }
0x9a: {  	s4 =	simm.s32 $_size__tile_overlayer_lowered;
	s5 =	simm.s32 $_tile_overlayer_lowered  }
0x9b: {  	s22 =	simm.s32 $0x1BFF;
	s21 =	sshll.u32 s5, $0x1;
	s2 =	sadd.s32 s19, s18  }
0x9c: {  	s6 =	simm.s32 $0x0;
	s20 =	sshll.u32 s4, $0x1;
	s4 =	sadd.s32 s21, s2  }
0x9d: {  	[timem:s6], [sflag:s22] =	dma.local [hbm:s4], s20  }
0x9e: {  	_ =	swait.ge [sflag:s22], s20  }
0x9f: {  	s3 =	ssub.s32 $0x0, s20;
	[sflag:s22] =	ssyncset.done $0x0  }
0xa0: {  	[sflag:s22] =	ssyncadd.s32 s3;
	_ =	sdelay $0x1  }
0xa1: {  	s23 =	simm.s32 $0x1B8B  }
0xa2: {  	_ =	swait.ge [sflag:s23], $0x1  }
0xa3: {  	[sflag:s23] =	ssyncset.done $0x0  }
0xa4: {  	s25 =	simm.s32 $0x1B8E;
	s24 =	sld [smem:$0x3FFE];
	[sflag:s23] =	ssyncadd.s32 $0xFFFFFFFF  }
0xa5: {  	s26 =	simm.s32 $execute0_lowered;
	[smem:$0x3FD2] =	sst s25  }
0xa6: {  	s4 =	sshll.u32 s26, $0x1;
	_ =	strace $0x8000004F;
	[dreg:$0x1] =	wrdreg $0xFFFFFFFF  }
0xa7: {  	s28 =	simm.s32 $_size_execute0_lowered;
	s2 =	sadd.s32 s2, s4;
	[dreg:$0x0] =	wrdreg $0x0  }
0xa8: {  	s4 =	sshll.u32 s28, $0x1;
	[dreg:$0x2] =	wrdreg s2  }
0xa9: {  	[dreg:$0x3] =	wrdreg s4  }
0xaa: {  	[dreg:$0x4] =	wrdreg $0xC0  }
0xab: {  	_ =	task [dreg:s6], $0x5FFFF  }
0xac: {  	[dreg:$0x1] =	wrdreg $0xFFFFFFFF  }
0xad: {  	[dreg:$0x0] =	wrdreg $0x60  }
0xae: {  	[dreg:$0x2] =	wrdreg s24  }
0xaf: {  	[dreg:$0x3] =	wrdreg $0x100000  }
0xb0: {  	[dreg:$0x4] =	wrdreg $0x9  }
0xb1: {  	_ =	task.clear_ibuf [dreg:s6], $0x5FFFF;
	_ =	strace $0x9000004F  }
0xb2: {  	s29 =	simm.s32 $0x9;
	_ =	strace $0x80000051  }
0xb3: {  	_ =	swait.ge [sflag:s29], $0x1  }
0xb4: {  	[sflag:s29] =	ssyncadd.s32 $0xFFFFFFFF  }
0xb5: {  	_ =	strace $0x90000051  }
0xb6: {  	_ =	sfence  }
0xb7: {  	s30 =	sld [smem:$0x0];
	_ =	sdelay $0x2  }
0xb8: {  	s31 =	sshll.u32 s1, $0xD;
	s1 =	sshrl.u32 s1, $0x2  }
0xb9: {  	s3 =	sand.u32 $0x4000, s31;
	s1 =	sadd.s32 s1, s30  }
0xba: {  	s0 =	sor.u32 s3, s0;
	s1 =	sshll.u32 s1, $0x11  }
0xbb: {  	s0 =	sor.u32 s1, s0  }
0xbc: {  	s0 =	sadd.s32 $0x8F2B, s0  }
0xbd: {  	[sflag:s0] =	ssyncadd.remote.s32 $0x1  }
0xbe: {  	_ =	sfence.sel $0xFFFF  }
0xbf: {  	[dreg:$0x0] =	wrdreg $0xFFFFFFFF;
	(pc) =	sbr.abs _section_cstart, $3  }
0xc0: {  	[dreg:$0x1] =	wrdreg $0xFFFFFFFF  }
0xc1: {  	_ =	task.clear_ibuf [dreg:s6], $0x2FFFF;
	_ =	strace $0x9FFFFFFF  }
0xc2: {  	(tm) =	ssettm $0x7FFFFFFF  }
0xc3: {  	_ =	shalt  }
tec
execute0_lowered:
.L_overlay_start_1:
0x0: {  	(tag) =	ssettag $0x1  }
0x1: {  	s6 =	rddreg [dreg:$0x0];
	s1 =	srdreg.scid  }
0x2: {  	s0 =	stileid.u32;
	s2 =	rddreg [dreg:$0x1];
	s3 =	simm.s32 $0x0  }
0x3: {  	s15 =	simm.s32 $0xA000;
	s16 =	simm.s32 $0xC000;
	s17 =	simm.s32 $0x100  }
0x4: {  	s18 =	simm.s32 $0xE000;
	s19 =	simm.s32 $0x1;
	s20 =	simm.s32 $0x2  }
0x5: {  	s21 =	simm.s32 $0x3;
	s22 =	simm.s32 $0x9E00;
	s23 =	simm.s32 $0x4F80  }
0x6: {  	s24 =	simm.s32 $0x9E80;
	s25 =	simm.s32 $0x9F00;
	s5 =	smul.u32 $0x5000, s0  }
0x7: {  	s26 =	simm.s32 $0x9F80;
	s7 =	sand.u32 $0x1, s1;
	s8 =	smul.u32 $0xA000, s0  }
0x8: {  	s28 =	simm.s32 $0x0;
	s1 =	rddreg [dreg:$0x2];
	s4 =	smul.u32 $0x50000, s7  }
0x9: {  	[smem:$0x7FF] =	sst s3;
	s10 =	smul.u32 $0xA0000, s7;
	s7 =	ssub.s32 $0x2, s7  }
0xa: {  	s12 =	sshll.u32 s0, $0x6;
	_ =	strace $0x80000050;
	s31 =	sshrl.u32 s7, $0x1  }
0xb: {  	s14 =	sadd.s32 s8, s2;
	s9 =	sadd.s32 s5, s4;
	s4 =	sadd.s32 $0x2C600, s6  }
0xc: {  	s5 =	sshrl.u32 s5, $0x3;
	s10 =	sadd.s32 s8, s10;
	s13 =	ssub.s32 s7, s31  }
0xd: {  	s9 =	sshrl.u32 s9, $0x3;
	s11 =	sadd.s32 s5, s6;
	s10 =	sshrl.u32 s10, $0x3  }
0xe: {  	s5 =	sadd.s32 $0xE600, s6;
	s9 =	sadd.s32 s9, s6;
	s10 =	sadd.s32 s10, s6  }
0xf: {  	s6 =	sor.u32 $0x1C04, s12;
	s8 =	sadd.s32 $0x4600, s11;
	s11 =	sshrl.u32 s14, $0x3  }
0x10: {  	s12 =	simm.s32 $0x4;
	s14 =	simm.s32 $0x80;
	s7 =	sadd.s32 $0x18600, s9  }
0x11: {  	s9 =	sadd.s32 $0x54600, s10;
	s10 =	smax.u32 s13, $0x1;
	s13 =	simm.s32 $0x5000  }
.LBB2_1:
0x12: {  	[spmem:s11], [sflag:s6] =	dma.local [hbm:s5], $0x1400  }
0x13: {  	_ =	swait.ge [sflag:s12], $0x1400  }
0x14: {  	[sflag:s12] =	ssyncset.done $0x0  }
0x15: {  	[sflag:s12] =	ssyncadd.s32 $0xFFFFEC00  }
0x16: {  	[tilespmem:s3], [sflag:$0x4] =	stream.linear.gather [hbm4b:s7+s3], $0x5000, $0x38;
	[tilespmem:$0x1A000] =	vst v63  }
0x17: {  	_ =	swait.ge [sflag:s12], $0x5000  }
0x18: {  	[sflag:s12] =	ssyncset.done $0x0  }
0x19: {  	[sflag:s12] =	ssyncadd.s32 $0xFFFFB000  }
0x1a: {  	[tilespmem:s13], [sflag:$0x4] =	stream.linear.gather [hbm4b:s8+s3], $0x5000, $0x38;
	[tilespmem:$0x1A000] =	vst v63  }
0x1b: {  	_ =	swait.ge [sflag:s12], $0x5000  }
0x1c: {  	[sflag:s12] =	ssyncset.done $0x0  }
0x1d: {  	[sflag:s12] =	ssyncadd.s32 $0xFFFFB000  }
0x1e: {  	[bflag:$0x0] =	sbarrier.arrive $0xFFFF  }
0x1f: {  	[tilespmem:s15], [sflag:$0x1] =	stream.indirect.gather [hbm4b:s4+s14], $0x40, s3, s14, $0xb8;
	[tilespmem:$0x1A000] =	vst v63  }
0x20: {  	_ = 	snop  }
0x21: {  	[tilespmem:s16], [sflag:$0x2] =	stream.indirect.gather [hbm4b:s4+s14], $0x40, s14, s14, $0xb8;
	[tilespmem:$0x1A000] =	vst v63  }
0x22: {  	_ = 	snop  }
0x23: {  	[tilespmem:s18], [sflag:$0x3] =	stream.indirect.gather [hbm4b:s4+s14], $0x40, s17, s14, $0xb8;
	[tilespmem:$0x1A000] =	vst v63  }
0x24: {  	_ =	swait.ge [sflag:s19], $0x2000  }
0x25: {  	[sflag:s19] =	ssyncset.done $0x0  }
0x26: {  	s29 =	simm.s32 $0x5000;
	[sflag:s19] =	ssyncadd.s32 $0xFFFFE000  }
0x27: {  	[spmem:s2] =	stream.indirect.scatter.add.f32 [tilespmem:s15], [sflag:$0x4], $0x40, s29, s14, $0xb8;
	[tilespmem:$0x1A000] =	vst v63  }
0x28: {  	_ =	swait.ge [sflag:s12], $0x2000  }
0x29: {  	[sflag:s12] =	ssyncset.done $0x0  }
0x2a: {  	s29 =	simm.s32 $0x180;
	[sflag:s12] =	ssyncadd.s32 $0xFFFFE000  }
0x2b: {  	[tilespmem:s15], [sflag:$0x1] =	stream.indirect.gather [hbm4b:s4+s14], $0x40, s29, s14, $0xb8;
	[tilespmem:$0x1A000] =	vst v63  }
0x2c: {  	_ =	swait.ge [sflag:s20], $0x2000  }
0x2d: {  	[sflag:s20] =	ssyncset.done $0x0  }
0x2e: {  	s29 =	simm.s32 $0x5080;
	[sflag:s20] =	ssyncadd.s32 $0xFFFFE000  }
0x2f: {  	[spmem:s2] =	stream.indirect.scatter.add.f32 [tilespmem:s16], [sflag:$0x4], $0x40, s29, s14, $0xb8;
	[tilespmem:$0x1A000] =	vst v63  }
0x30: {  	_ =	swait.ge [sflag:s12], $0x2000  }
0x31: {  	[sflag:s12] =	ssyncset.done $0x0  }
0x32: {  	s29 =	simm.s32 $0x200;
	[sflag:s12] =	ssyncadd.s32 $0xFFFFE000  }
0x33: {  	[tilespmem:s16], [sflag:$0x2] =	stream.indirect.gather [hbm4b:s4+s14], $0x40, s29, s14, $0xb8;
	[tilespmem:$0x1A000] =	vst v63  }
0x34: {  	_ =	swait.ge [sflag:s21], $0x2000  }
0x35: {  	[sflag:s21] =	ssyncset.done $0x0  }
0x36: {  	s29 =	simm.s32 $0x5100;
	[sflag:s21] =	ssyncadd.s32 $0xFFFFE000  }
0x37: {  	[spmem:s2] =	stream.indirect.scatter.add.f32 [tilespmem:s18], [sflag:$0x4], $0x40, s29, s14, $0xb8;
	[tilespmem:$0x1A000] =	vst v63  }
0x38: {  	_ =	swait.ge [sflag:s12], $0x2000  }
0x39: {  	[sflag:s12] =	ssyncset.done $0x0  }
0x3a: {  	s30 =	simm.s32 $0x280;
	s29 =	simm.s32 $0x600;
	[sflag:s12] =	ssyncadd.s32 $0xFFFFE000  }
.LBB2_2:
0x3b: {  	[tilespmem:s18], [sflag:$0x3] =	stream.indirect.gather [hbm4b:s4+s14], $0x40, s30, s14, $0xb8;
	[tilespmem:$0x1A000] =	vst v63  }
0x3c: {  	s30 =	smov.u32 s29  }
0x3d: {  	p0 =	sne.s32 s29, $0x13200;
	s29 =	sadd.s32 $0x600, s29;
	_ =	swait.ge [sflag:s19], $0x2000  }
0x3e: {  	s30 =	sshra.s32 s30, $0x2;
	[sflag:s19] =	ssyncset.done $0x0  }
0x3f: {  	s31 =	sadd.s32 $0x5000, s30;
	[sflag:s19] =	ssyncadd.s32 $0xFFFFE000  }
0x40: {  	[spmem:s2] =	stream.indirect.scatter.add.f32 [tilespmem:s15], [sflag:$0x4], $0x40, s31, s14, $0xb8;
	[tilespmem:$0x1A000] =	vst v63  }
0x41: {  	_ =	swait.ge [sflag:s12], $0x2000  }
0x42: {  	[sflag:s12] =	ssyncset.done $0x0  }
0x43: {  	s31 =	sadd.s32 $0x180, s30;
	[sflag:s12] =	ssyncadd.s32 $0xFFFFE000  }
0x44: {  	[tilespmem:s15], [sflag:$0x1] =	stream.indirect.gather [hbm4b:s4+s14], $0x40, s31, s14, $0xb8;
	[tilespmem:$0x1A000] =	vst v63  }
0x45: {  	_ =	swait.ge [sflag:s20], $0x2000  }
0x46: {  	[sflag:s20] =	ssyncset.done $0x0  }
0x47: {  	s31 =	sadd.s32 $0x5080, s30;
	[sflag:s20] =	ssyncadd.s32 $0xFFFFE000  }
0x48: {  	[spmem:s2] =	stream.indirect.scatter.add.f32 [tilespmem:s16], [sflag:$0x4], $0x40, s31, s14, $0xb8;
	[tilespmem:$0x1A000] =	vst v63  }
0x49: {  	_ =	swait.ge [sflag:s12], $0x2000  }
0x4a: {  	[sflag:s12] =	ssyncset.done $0x0  }
0x4b: {  	s31 =	sadd.s32 $0x200, s30;
	[sflag:s12] =	ssyncadd.s32 $0xFFFFE000  }
0x4c: {  	[tilespmem:s16], [sflag:$0x2] =	stream.indirect.gather [hbm4b:s4+s14], $0x40, s31, s14, $0xb8;
	[tilespmem:$0x1A000] =	vst v63  }
0x4d: {  	_ =	swait.ge [sflag:s21], $0x2000  }
0x4e: {  	[sflag:s21] =	ssyncset.done $0x0  }
.Ltmp0:
0x4f: {  	s31 =	sadd.s32 $0x5100, s30;
	[sflag:s21] =	ssyncadd.s32 $0xFFFFE000;
	(pc) =	sbr.rel @p0 .LBB2_2-.Ltmp0, $4  }
0x50: {  	[spmem:s2] =	stream.indirect.scatter.add.f32 [tilespmem:s18], [sflag:$0x4], $0x40, s31, s14, $0xb8;
	[tilespmem:$0x1A000] =	vst v63  }
0x51: {  	_ =	swait.ge [sflag:s12], $0x2000  }
0x52: {  	[sflag:s12] =	ssyncset.done $0x0  }
0x53: {  	s30 =	sadd.s32 $0x280, s30;
	[sflag:s12] =	ssyncadd.s32 $0xFFFFE000  }
0x54: {  	[tilespmem:s18], [sflag:$0x3] =	stream.indirect.gather [hbm4b:s4+s14], $0x40, s30, s14, $0xb8;
	[tilespmem:$0x1A000] =	vst v63  }
0x55: {  	_ =	swait.ge [sflag:s19], $0x2000  }
0x56: {  	[sflag:s19] =	ssyncset.done $0x0  }
0x57: {  	[sflag:s19] =	ssyncadd.s32 $0xFFFFE000  }
0x58: {  	[spmem:s2] =	stream.indirect.scatter.add.f32 [tilespmem:s15], [sflag:$0x4], $0x40, s22, s14, $0xb8;
	[tilespmem:$0x1A000] =	vst v63  }
0x59: {  	_ =	swait.ge [sflag:s12], $0x2000  }
0x5a: {  	[sflag:s12] =	ssyncset.done $0x0  }
0x5b: {  	[sflag:s12] =	ssyncadd.s32 $0xFFFFE000  }
0x5c: {  	[tilespmem:s15], [sflag:$0x1] =	stream.indirect.gather [hbm4b:s4+s14], $0x40, s23, s14, $0xb8;
	[tilespmem:$0x1A000] =	vst v63  }
0x5d: {  	_ =	swait.ge [sflag:s20], $0x2000  }
0x5e: {  	[sflag:s20] =	ssyncset.done $0x0  }
0x5f: {  	[sflag:s20] =	ssyncadd.s32 $0xFFFFE000  }
0x60: {  	[spmem:s2] =	stream.indirect.scatter.add.f32 [tilespmem:s16], [sflag:$0x4], $0x40, s24, s14, $0xb8;
	[tilespmem:$0x1A000] =	vst v63  }
0x61: {  	_ =	swait.ge [sflag:s12], $0x2000  }
0x62: {  	[sflag:s12] =	ssyncset.done $0x0  }
0x63: {  	[sflag:s12] =	ssyncadd.s32 $0xFFFFE000  }
0x64: {  	_ =	swait.ge [sflag:s21], $0x2000  }
0x65: {  	[sflag:s21] =	ssyncset.done $0x0  }
0x66: {  	[sflag:s21] =	ssyncadd.s32 $0xFFFFE000  }
0x67: {  	[spmem:s2] =	stream.indirect.scatter.add.f32 [tilespmem:s18], [sflag:$0x4], $0x40, s25, s14, $0xb8;
	[tilespmem:$0x1A000] =	vst v63  }
0x68: {  	_ =	swait.ge [sflag:s12], $0x2000  }
0x69: {  	[sflag:s12] =	ssyncset.done $0x0  }
0x6a: {  	[sflag:s12] =	ssyncadd.s32 $0xFFFFE000  }
0x6b: {  	_ =	swait.ge [sflag:s19], $0x2000  }
0x6c: {  	[sflag:s19] =	ssyncset.done $0x0  }
0x6d: {  	[sflag:s19] =	ssyncadd.s32 $0xFFFFE000  }
0x6e: {  	[spmem:s2] =	stream.indirect.scatter.add.f32 [tilespmem:s15], [sflag:$0x4], $0x40, s26, s14, $0xb8;
	[tilespmem:$0x1A000] =	vst v63  }
0x6f: {  	_ =	swait.ge [sflag:s12], $0x2000  }
0x70: {  	s28 =	sadd.s32 $0x1, s28;
	[sflag:s12] =	ssyncset.done $0x0  }
0x71: {  	p0 =	sne.s32 s28, s10;
	[sflag:s12] =	ssyncadd.s32 $0xFFFFE000  }
.Ltmp1:
0x72: {  	[bflag:$0x0] =	sbarrier.arrive $0xFFFF;
	(pc) =	sbr.rel @p0 .LBB2_1-.Ltmp1, $4  }
0x73: {  	[hbm:s9], [sflag:s6] =	dma.local [spmem:s11], $0x1400  }
0x74: {  	_ =	swait.ge [sflag:s12], $0x1400  }
0x75: {  	[sflag:s12] =	ssyncset.done $0x0  }
0x76: {  	[sflag:s12] =	ssyncadd.s32 $0xFFFFEC00  }
0x77: {  	_ =	sfence.sel $0x180000  }
0x78: {  	[bflag:$0x0] =	sbarrier.arrive $0xFFFF  }
0x79: {  	p0 =	sne.s32 s0, $0x0;
	_ =	strace $0x90000050  }
0x7a: {  	s0 =	sadd.s32 @!p0 $0x100000, s1;
	[bflag:$0x2] =	sbarrier.arrive $0xFFFF  }
0x7b: {  	[sflag:s0] =	ssyncadd.tile.s32 @!p0 $0x1;
	_ =	shalt  }
.Lfunc_end2:
_tile_overlayer_lowered:
.L_overlay_start_2:
0x7c: {  	(tag) =	ssettag $0x2  }
0x7d: {  	s0 =	rddreg [dreg:$0x0];
	s2 =	stileid.u32  }
0x7e: {  	s1 =	rddreg [dreg:$0x1];
	p0 =	sne.s32 s2, $0x0  }
0x7f: {  	s3 =	rddreg [dreg:$0x2];
	[bflag:$0x3] =	sbarrier.arrive $0xFFFF;
	s2 =	simm.s32 @!p0 $0x1C04  }
0x80: {  	[timem:s3], [sflag:s2] =	dma.local @!p0 [hbm:s0], s1  }
0x81: {  	s0 =	simm.s32 @!p0 $0x4  }
0x82: {  	_ =	swait.ge @!p0 [sflag:s0], s1  }
0x83: {  	s1 =	ssub.s32 @!p0 $0x0, s1;
	[sflag:s0] =	ssyncset.done @!p0 $0x0  }
0x84: {  	[sflag:s0] =	ssyncadd.s32 @!p0 s1  }
0x85: {  	[bflag:$0x3] =	sbarrier.arrive $0xFFFF  }
0x86: {  	_ =	shalt  }

</sc_bundles>
